<compile_context>
chip_gen: v7x
topology: tpu7x:2x2x1
jax: 0.10.2.dev20260603
libtpu: 0.0.44.dev20260713+nightly
codegen_flags: <defaults>
</compile_context>

<pallas_src>
import functools

import jax
import jax.numpy as jnp
import numpy as np
from jax import lax
from jax.experimental import pallas as pl
from jax.experimental.pallas import tpu as pltpu
from jax.experimental.pallas import tpu_sc as plsc

F32 = jnp.float32


def _cayley_np():
    blades = [(), (1,), (2,), (3,), (1, 2), (1, 3), (2, 3), (1, 2, 3)]
    index = {b: i for i, b in enumerate(blades)}
    C = np.zeros((8, 8, 8), dtype=np.float32)
    for i, a in enumerate(blades):
        for j, b in enumerate(blades):
            lst = list(a) + list(b)
            sign = 1.0
            changed = True
            while changed:
                changed = False
                for k in range(len(lst) - 1):
                    if lst[k] > lst[k + 1]:
                        lst[k], lst[k + 1] = lst[k + 1], lst[k]
                        sign = -sign
                        changed = True
            out = []
            k = 0
            while k < len(lst):
                if k + 1 < len(lst) and lst[k] == lst[k + 1]:
                    k += 2
                else:
                    out.append(lst[k])
                    k += 1
            C[i, j, index[tuple(out)]] += sign
    return C


_C = _cayley_np()
_I16 = np.eye(16, dtype=np.float32)
_TT = np.kron(np.ones((1, 8), np.float32), _I16)
_RS16 = np.kron(np.ones((8, 1), np.float32), _I16)
_RS32 = np.kron(np.ones((8, 1), np.float32), np.eye(32, dtype=np.float32))
_PERM = np.stack([np.kron(_C[:, j, :], _I16) for j in range(8)])


def _kron8(Wt):
    return jnp.kron(jnp.eye(8, dtype=F32), Wt)


def _b0(b, h):
    return jnp.concatenate([b, jnp.zeros((7 * h,), F32)]).reshape(1, -1)


def _row(x):
    return x.reshape(1, -1)


def _prep(lin, gp, ln, has_dpos):
    W = {}
    dlT, drT, whT = lin['dl_W'].T, lin['dr_W'].T, lin['wh_W'].T
    W['KlA'], W['KlB'] = _kron8(dlT[:16]), _kron8(dlT[16:])
    W['bl'] = _b0(lin['dl_b'], 32)
    W['KrA'], W['KrB'] = _kron8(drT[:16]), _kron8(drT[16:])
    W['br'] = _b0(lin['dr_b'], 32)
    W['KhA'], W['KhB'] = _kron8(whT[:16]), _kron8(whT[16:])
    W['bh'] = _b0(lin['wh_b'], 32)
    W['doT'] = lin['do_W'].T
    wsT = lin['ws_W'].T
    W['wsA'], W['wsB'] = wsT[0:64], wsT[64:128]
    if has_dpos:
        W['wsD'] = wsT[128:129]
        W['wsV'] = wsT[129:]
    else:
        W['wsV'] = wsT[128:]
    W['ws_b'] = _row(lin['ws_b'])
    W['Kwv'] = _kron8(lin['wv_W'].T)
    W['bwv'] = _b0(lin['wv_b'], 16)
    W['wsvT'] = lin['wsv_W'].T
    W['bwsv'] = _row(lin['wsv_b'])
    Kl = _kron8(gp['gp_l_W'].T)
    blv = jnp.concatenate([gp['gp_l_b'], jnp.zeros((112,), F32)])
    P = jnp.asarray(_PERM)
    W['L'] = jnp.einsum('ab,jbc->jac', Kl, P)
    W['bL'] = jnp.einsum('b,jbc->jc', blv, P)
    W['gKr'] = _kron8(gp['gp_r_W'].T)
    W['gbr'] = _b0(gp['gp_r_b'], 16)
    W['Ko'] = _kron8(gp['gp_o_W'].T)
    W['bo'] = _b0(gp['gp_o_b'], 16)
    W['a1'] = _row(jnp.tile(gp['gp_ln_a'], 8))
    W['Kw2'] = _kron8(gp['wv_W'].T)
    W['bw2'] = _b0(gp['wv_b'], 16)
    s2T = gp['s2v_W'].T
    W['S1'], W['S2'] = s2T[:16], s2T[16:]
    W['s2b'] = _row(gp['s2v_b'])
    W['g'] = _row(ln['ln_g'])
    W['b'] = _row(ln['ln_b'])
    W['a2'] = _row(jnp.tile(ln['mv_a'], 8))
    W['RS16'] = jnp.asarray(_RS16)
    W['RS32'] = jnp.asarray(_RS32)
    W['TT'] = jnp.asarray(_TT)
    return W


def _cvp_chain(sA, sB, dpos, vA, vB, W):
    rs16, rs32, tt = W['RS16'], W['RS32'], W['TT']
    vl = vA @ W['KlA'] + vB @ W['KlB'] + W['bl']
    vr = vA @ W['KrA'] + vB @ W['KrB'] + W['br']
    dot = (vl * vr) @ rs32
    vn = dot @ W['doT']
    s_out = sA @ W['wsA'] + sB @ W['wsB'] + vn @ W['wsV'] + W['ws_b']
    if dpos is not None:
        s_out = s_out + dpos * W['wsD']
    vh = vA @ W['KhA'] + vB @ W['KhB'] + W['bh']
    v_out = vh @ W['Kwv'] + W['bwv']
    gate = jax.nn.sigmoid(s_out) @ W['wsvT'] + W['bwsv']
    v_out = v_out * (jax.nn.sigmoid(gate) @ tt)
    ms = jnp.maximum(s_out, 0.0)
    mv = v_out
    vr2 = mv @ W['gKr'] + W['gbr']
    vo = (mv @ W['L'][0] + W['bL'][0]) * (vr2[:, 0:16] @ tt)
    for j in range(1, 8):
        vo = vo + (mv @ W['L'][j] + W['bL'][j]) * (vr2[:, 16 * j:16 * (j + 1)] @ tt)
    vo = vo @ W['Ko'] + W['bo']
    nrm = jnp.sqrt((vo * vo) @ rs16)
    vo = W['a1'] * vo / (jnp.mean(nrm, axis=1, keepdims=True) + 1e-6)
    v2 = vo + mv
    sc0 = v2[:, 0:16]
    g = jax.nn.sigmoid(np.float32(np.sqrt(2.0 / np.pi)) *
                       (2.0 * (sc0 + 0.044715 * sc0 ** 3)))
    v2 = v2 * (g @ tt)
    v2 = v2 @ W['Kw2'] + W['bw2']
    scal = v2[:, 0:16] @ W['S1'] + ms @ W['S2'] + W['s2b']
    v2 = jnp.concatenate([scal, v2[:, 16:]], axis=1)
    mu = jnp.mean(ms, axis=1, keepdims=True)
    var = jnp.mean((ms - mu) ** 2, axis=1, keepdims=True)
    ms = (ms - mu) * lax.rsqrt(var + 1e-5) * W['g'] + W['b']
    nb = jnp.sqrt((v2 * v2) @ rs16)
    v2 = W['a2'] * v2 / (jnp.mean(nb, axis=1, keepdims=True) + 1e-6)
    return ms, v2


def _edge_body(rec_ref, send_ref, *rest, names, halves=1):
    outs_ref, outv_ref = rest[-2], rest[-1]
    W = dict(zip(names, [r[...] for r in rest[:-2]]))
    hb = rec_ref.shape[0] // halves
    for h in range(halves):
        sl = slice(h * hb, (h + 1) * hb)
        R = rec_ref[sl, :]
        S = send_ref[sl, :]
        dpos = S[:, 64:65] - R[:, 64:65]
        ms, mv = _cvp_chain(R[:, 0:64], S[:, 0:64], dpos,
                            R[:, 128:256], S[:, 128:256], W)
        outs_ref[sl, :] = jnp.concatenate([ms, jnp.zeros_like(ms)], axis=1)
        outv_ref[sl, :] = mv


def _node_body(s_ref, v_ref, as0_ref, as1_ref, av0_ref, av1_ref, *rest, names):
    os_ref, ov_ref = rest[-2], rest[-1]
    W = dict(zip(names, [r[...] for r in rest[:-2]]))
    aggs = as0_ref[...] + as1_ref[...]
    aggv = av0_ref[...] + av1_ref[...]
    ms, mv = _cvp_chain(s_ref[...], aggs[:, 0:64], None,
                        v_ref[...], aggv, W)
    os_ref[...] = ms
    ov_ref[...] = mv


def _pick_block(n, prefs):
    for b in prefs:
        if n % b == 0:
            return b
    return 1


def _full_spec(w):
    nd = w.ndim
    return pl.BlockSpec(w.shape, lambda i, _nd=nd: (0,) * _nd)


def _gather_edges(table, rec, send):
    N, D = table.shape
    E = rec.shape[0]
    NW = 32
    epw = E // NW
    CH = _pick_block(epw, (400, 320, 200, 160, 80, 40, 8))
    iters = epw // CH
    mesh = plsc.VectorSubcoreMesh(core_axis_name="c", subcore_axis_name="s")

    @functools.partial(
        pl.kernel, mesh=mesh,
        out_type=[jax.ShapeDtypeStruct((E, D), F32),
                  jax.ShapeDtypeStruct((E, D), F32)],
        scratch_types=[pltpu.VMEM((CH,), jnp.int32),
                       pltpu.VMEM((CH, D), F32),
                       pltpu.SemaphoreType.DMA],
    )
    def k(table_h, rec_h, send_h, rec_o, send_o, idx_v, rows_v, sem):
        wid = lax.axis_index("s") * 2 + lax.axis_index("c")
        base = wid * epw

        def body(t, carry):
            off = base + t * CH
            pltpu.sync_copy(rec_h.at[pl.ds(off, CH)], idx_v)
            pltpu.async_copy(table_h.at[idx_v], rows_v, sem).wait()
            pltpu.sync_copy(rows_v, rec_o.at[pl.ds(off, CH)])
            pltpu.sync_copy(send_h.at[pl.ds(off, CH)], idx_v)
            pltpu.async_copy(table_h.at[idx_v], rows_v, sem).wait()
            pltpu.sync_copy(rows_v, send_o.at[pl.ds(off, CH)])
            return carry

        lax.fori_loop(0, iters, body, 0)

    return k(table, rec, send)


def _scatter_kinds(msg_s, msg_v, rec, zeros_nd):
    E, Dm = msg_s.shape
    N = zeros_nd.shape[0]
    ept = E // 16
    CH = _pick_block(ept, (200, 160, 80, 40, 8))
    iters = ept // CH
    RC = _pick_block(N, (200, 400, 80, 40, 16, 8))
    n_chunks = N // RC
    per_tile = -(-n_chunks // 16)
    mesh = plsc.VectorSubcoreMesh(core_axis_name="c", subcore_axis_name="s")

    @functools.partial(
        pl.kernel, mesh=mesh,
        out_type=jax.ShapeDtypeStruct((2, N, Dm), F32),
        scratch_types=[pltpu.VMEM((CH,), jnp.int32),
                       pltpu.VMEM((CH, Dm), F32),
                       pltpu.VMEM_SHARED((N, Dm), F32)],
    )
    def k(msgs_h, msgv_h, rec_h, zero_h, out_h, idx_v, rows_v, acc):
        c = lax.axis_index("c")
        s = lax.axis_index("s")

        def rows_body(t, carry, copy_out):
            cid = s * per_tile + t

            @pl.when(cid < n_chunks)
            def _():
                off = cid * RC
                if copy_out:
                    pltpu.sync_copy(acc.at[pl.ds(off, RC)],
                                    out_h.at[c, pl.ds(off, RC)])
                else:
                    pltpu.sync_copy(zero_h.at[pl.ds(off, RC)],
                                    acc.at[pl.ds(off, RC)])
            return carry

        lax.fori_loop(0, per_tile, functools.partial(rows_body, copy_out=False), 0)
        plsc.subcore_barrier()

        def body(t, carry, msg_h):
            off = s * ept + t * CH
            pltpu.sync_copy(rec_h.at[pl.ds(off, CH)], idx_v)
            pltpu.sync_copy(msg_h.at[pl.ds(off, CH)], rows_v)
            pltpu.sync_copy(rows_v, acc.at[idx_v], add=True)
            return carry

        @pl.when(c == 0)
        def _():
            lax.fori_loop(0, iters, functools.partial(body, msg_h=msgs_h), 0)

        @pl.when(c == 1)
        def _():
            lax.fori_loop(0, iters, functools.partial(body, msg_h=msgv_h), 0)

        plsc.subcore_barrier()
        lax.fori_loop(0, per_tile, functools.partial(rows_body, copy_out=True), 0)

    return k(msg_s, msg_v, rec, zeros_nd)


def kernel(s, v, pos, edge_index, params):
    N = s.shape[0]
    E = edge_index.shape[1]
    vflat = v.transpose(0, 2, 1).reshape(N, 128)
    table = jnp.concatenate(
        [s, pos[:, None], jnp.zeros((N, 63), F32), vflat], axis=1)
    send = edge_index[0]
    rec = edge_index[1]

    We = _prep(params['edge_lin'], params['edge_gp'], params['edge_ln'], True)
    enames = tuple(We.keys())
    evals = [We[k] for k in enames]

    def edge_stage(rec_feat, send_feat, Ec):
        BE = _pick_block(Ec, (640, 512, 400, 320, 256, 128, 64, 32, 8))
        return pl.pallas_call(
            functools.partial(_edge_body, names=enames),
            grid=(Ec // BE,),
            in_specs=[pl.BlockSpec((BE, 256), lambda i: (i, 0)),
                      pl.BlockSpec((BE, 256), lambda i: (i, 0))] +
                     [_full_spec(w) for w in evals],
            out_specs=[pl.BlockSpec((BE, 128), lambda i: (i, 0)),
                       pl.BlockSpec((BE, 128), lambda i: (i, 0))],
            out_shape=[jax.ShapeDtypeStruct((Ec, 128), F32),
                       jax.ShapeDtypeStruct((Ec, 128), F32)],
        )(rec_feat, send_feat, *evals)

    zeros_nd = jnp.zeros((N, 128), F32)
    E2 = E // 2
    g0 = _gather_edges(table, rec[:E2], send[:E2])
    g1 = _gather_edges(table, rec[E2:], send[E2:])
    m0s, m0v = edge_stage(g0[0], g0[1], E2)
    m1s, m1v = edge_stage(g1[0], g1[1], E2)
    sc0 = _scatter_kinds(m0s, m0v, rec[:E2], zeros_nd)
    sc1 = _scatter_kinds(m1s, m1v, rec[E2:], zeros_nd)

    Wn = _prep(params['node_lin'], params['node_gp'], params['node_ln'], False)
    nnames = tuple(Wn.keys())
    nvals = [Wn[k] for k in nnames]
    BN = _pick_block(N, (1000, 500, 250, 200, 100, 50, 40, 8))
    os_, ovf = pl.pallas_call(
        functools.partial(_node_body, names=nnames),
        grid=(N // BN,),
        in_specs=[pl.BlockSpec((BN, 64), lambda i: (i, 0)),
                  pl.BlockSpec((BN, 128), lambda i: (i, 0)),
                  pl.BlockSpec((BN, 128), lambda i: (i, 0)),
                  pl.BlockSpec((BN, 128), lambda i: (i, 0)),
                  pl.BlockSpec((BN, 128), lambda i: (i, 0)),
                  pl.BlockSpec((BN, 128), lambda i: (i, 0))] +
                 [_full_spec(w) for w in nvals],
        out_specs=[pl.BlockSpec((BN, 64), lambda i: (i, 0)),
                   pl.BlockSpec((BN, 128), lambda i: (i, 0))],
        out_shape=[jax.ShapeDtypeStruct((N, 64), F32),
                   jax.ShapeDtypeStruct((N, 128), F32)],
    )(s, vflat, sc0[0], sc1[0], sc0[1], sc1[1], *nvals)

    ov = ovf.reshape(N, 8, 16).transpose(0, 2, 1)
    return os_, ov

# --- scband reference (transcript-rebuilt; emitter-appended) ---
"""Pipeline reference for scband-cvpmpnn-40656160423987 (READ-ONLY COPY).

The authoritative reference and input builder live on the scoring server;
editing this copy changes nothing except your own understanding.
"""

import jax, jax.numpy as jnp
import numpy as np


def _build_cayley():
    blades = [(), (1,), (2,), (3,), (1, 2), (1, 3), (2, 3), (1, 2, 3)]
    index = {b: i for i, b in enumerate(blades)}
    C = np.zeros((8, 8, 8), dtype=np.float32)
    for i, a in enumerate(blades):
        for j, b in enumerate(blades):
            lst = list(a) + list(b)
            sign = 1.0
            changed = True
            while changed:
                changed = False
                for k in range(len(lst) - 1):
                    if lst[k] > lst[k + 1]:
                        lst[k], lst[k + 1] = lst[k + 1], lst[k]
                        sign = -sign
                        changed = True
            out = []
            k = 0
            while k < len(lst):
                if k + 1 < len(lst) and lst[k] == lst[k + 1]:
                    k += 2
                else:
                    out.append(lst[k])
                    k += 1
            C[i, j, index[tuple(out)]] += sign
    return jnp.asarray(C)

CAYLEY = _build_cayley()


def geometric_product(x, y):
    return jnp.einsum('...i,ijk,...j->...k', x, CAYLEY, y)


def mv_linear(x, W, b=None):
    y = jnp.einsum('...mi,nm->...ni', x, W)
    if b is not None:
        y = y.at[..., 0].add(b)
    return y


def mv_layernorm(x, a):
    norm = jnp.linalg.norm(x, axis=-1, keepdims=True)
    norm = jnp.mean(norm, axis=-2, keepdims=True) + 1e-6
    return a[:, None] * x / norm


def layernorm(x, g, b):
    mu = jnp.mean(x, axis=-1, keepdims=True)
    var = jnp.var(x, axis=-1, keepdims=True)
    return (x - mu) / jnp.sqrt(var + 1e-5) * g + b


def mvgelu(x):
    scalar = x[..., 0]
    gates = jax.nn.sigmoid(np.sqrt(2.0 / np.pi) * (2.0 * (scalar + 0.044715 * scalar ** 3)))
    return gates[..., None] * x


def cvp_linear(s, v, p):
    vl = mv_linear(v, p['dl_W'], p['dl_b'])
    vr = mv_linear(v, p['dr_W'], p['dr_b'])
    dot = jnp.sum(vl * vr, axis=-1)
    vn = dot @ p['do_W'].T
    s_out = jnp.concatenate([s, vn], axis=-1) @ p['ws_W'].T + p['ws_b']
    vh = mv_linear(v, p['wh_W'], p['wh_b'])
    v_out = mv_linear(vh, p['wv_W'], p['wv_b'])
    gate = jax.nn.sigmoid(s_out) @ p['wsv_W'].T + p['wsv_b']
    v_out = v_out * jax.nn.sigmoid(gate)[..., None]
    s_out = jax.nn.relu(s_out)
    return s_out, v_out


def cvp_gp(s, v, p):
    vr = mv_linear(v, p['gp_r_W'], p['gp_r_b'])
    vl = mv_linear(v, p['gp_l_W'], p['gp_l_b'])
    vo = geometric_product(vl, vr)
    vo = mv_linear(vo, p['gp_o_W'], p['gp_o_b'])
    vo = mv_layernorm(vo, p['gp_ln_a'])
    v2 = vo + v
    v2 = mvgelu(v2)
    v2 = mv_linear(v2, p['wv_W'], p['wv_b'])
    scalar = jnp.concatenate([v2[..., 0], s], axis=-1) @ p['s2v_W'].T + p['s2v_b']
    v2 = v2.at[..., 0].set(scalar)
    return s, v2


def cvp_ln(s, v, p):
    return layernorm(s, p['ln_g'], p['ln_b']), mv_layernorm(v, p['mv_a'])


def _forward(s, v, pos, edge_index, params):
    send = edge_index[0]
    rec = edge_index[1]
    s_in = jnp.concatenate([s[rec], s[send], (pos[send] - pos[rec])[:, None]], axis=-1)
    v_in = jnp.concatenate([v[rec], v[send]], axis=-2)
    ms, mv = cvp_linear(s_in, v_in, params['edge_lin'])
    ms, mv = cvp_gp(ms, mv, params['edge_gp'])
    ms, mv = cvp_ln(ms, mv, params['edge_ln'])
    n = s.shape[0]
    agg_s = jax.ops.segment_sum(ms, rec, num_segments=n)
    agg_v = jax.ops.segment_sum(mv, rec, num_segments=n)
    us = jnp.concatenate([s, agg_s], axis=-1)
    uv = jnp.concatenate([v, agg_v], axis=-2)
    os_, ov = cvp_linear(us, uv, params['node_lin'])
    os_, ov = cvp_gp(os_, ov, params['node_gp'])
    os_, ov = cvp_ln(os_, ov, params['node_ln'])
    return os_, ov


def _make_params(key):
    cnt = [0]
    def mk(shape):
        cnt[0] += 1
        return 0.1 * jax.random.normal(jax.random.fold_in(key, cnt[0]), shape, dtype=jnp.float32)
    def lin_p(si, vi, so, vo):
        h = max(vi, vo)
        return {'dl_W': mk((h, vi)), 'dl_b': mk((h,)), 'dr_W': mk((h, vi)), 'dr_b': mk((h,)),
                'do_W': mk((h, h)), 'ws_W': mk((so, h + si)), 'ws_b': mk((so,)),
                'wh_W': mk((h, vi)), 'wh_b': mk((h,)), 'wv_W': mk((vo, h)), 'wv_b': mk((vo,)),
                'wsv_W': mk((vo, so)), 'wsv_b': mk((vo,))}
    def gp_p(si, vi, so, vo):
        h = max(vi, vo)
        return {'gp_l_W': mk((h, vi)), 'gp_l_b': mk((h,)), 'gp_r_W': mk((h, vi)), 'gp_r_b': mk((h,)),
                'gp_o_W': mk((vo, h)), 'gp_o_b': mk((vo,)), 'gp_ln_a': jnp.ones((vo,), jnp.float32),
                'wv_W': mk((vo, h)), 'wv_b': mk((vo,)), 's2v_W': mk((vo, si + h)), 's2v_b': mk((vo,))}
    def ln_p(so, vo):
        return {'ln_g': jnp.ones((so,), jnp.float32), 'ln_b': jnp.zeros((so,), jnp.float32),
                'mv_a': jnp.ones((vo,), jnp.float32)}
    S, V = 64, 16
    return {'edge_lin': lin_p(2 * S + 1, 2 * V, S, V),
            'edge_gp': gp_p(S, V, S, V),
            'edge_ln': ln_p(S, V),
            'node_lin': lin_p(2 * S, 2 * V, S, V),
            'node_gp': gp_p(S, V, S, V),
            'node_ln': ln_p(S, V)}


def setup_inputs(seed: int = 0):
    key = jax.random.key(seed)
    n_nodes = 10000
    n_edges = 320000
    k1, k2, k3, k4, k5 = jax.random.split(key, 5)
    s = jax.random.normal(k1, (n_nodes, 64), dtype=jnp.float32)
    v = jax.random.normal(k2, (n_nodes, 16, 8), dtype=jnp.float32)
    pos = jax.random.normal(k3, (n_nodes,), dtype=jnp.float32)
    edge_index = jax.random.randint(k4, (2, n_edges), 0, n_nodes, dtype=jnp.int32)
    params = _make_params(k5)
    return {'s': s, 'v': v, 'pos': pos, 'edge_index': edge_index, 'params': params}


def reference(s, v, pos, edge_index, params):
    return _forward(s, v, pos, edge_index, params)

if __name__ == "__main__":
    import jax
    _d = setup_inputs()
    print(jax.jit(kernel)(*tuple(_d.values())))

</pallas_src>

<mosaic_0001>
#map = affine_map<(d0, d1) -> (0, 0)>
#map1 = affine_map<(d0, d1) -> (0)>
module attributes {stable_mosaic.version = 14 : i64} {
  func.func @k(%arg0: i32, %arg1: i32, %arg2: memref<10000x256xf32, #tpu.memory_space<hbm>>, %arg3: memref<160000xi32, #tpu.memory_space<hbm>>, %arg4: memref<160000xi32, #tpu.memory_space<hbm>>, %arg5: memref<160000x256xf32, #tpu.memory_space<hbm>>, %arg6: memref<160000x256xf32, #tpu.memory_space<hbm>>, %arg7: memref<200xi32, #tpu.memory_space<vmem>>, %arg8: memref<200x256xf32, #tpu.memory_space<vmem>>, %arg9: memref<!tpu.dma_semaphore, #tpu.memory_space<semaphore_mem>>) attributes {dimension_semantics = [#tpu.dimension_semantics<core_parallel>, #tpu.dimension_semantics<subcore_parallel>], iteration_bounds = array<i64: 2, 16>, scalar_prefetch = 0 : i64, scratch_operands = 3 : i64, tpu.core_type = #tpu.core_type<sc_vector_subcore>, window_params = [{transform_indices = #map}, {transform_indices = #map1}, {transform_indices = #map1}, {transform_indices = #map}, {transform_indices = #map}]} {
    %mul3A = arith.constant 2 : i32
    %mul3A_0 = arith.muli %arg1, %mul3A : i32
    %add3A = arith.addi %mul3A_0, %arg0 : i32
    %mul3A_1 = arith.constant 5000 : i32
    %mul3A_2 = arith.muli %add3A, %mul3A_1 : i32
    %scan3A = arith.constant 0 : i32
    %scan3A_3 = arith.constant 0 : i32
    %scan3A_4 = arith.constant 25 : i32
    %scan3A_5 = arith.addi %scan3A_3, %scan3A_4 : i32
    %scan3A_6 = arith.constant 1 : i32
    scf.for %scan3A_8 = %scan3A_3 to %scan3A_5 step %scan3A_6  : i32 {
      %mul3A_9 = arith.constant 200 : i32
      %mul3A_10 = arith.muli %scan3A_8, %mul3A_9 : i32
      %add3A_11 = arith.addi %mul3A_2, %mul3A_10 : i32
      "tpu.region"() ({
        %run_scoped3A = tpu.sem_alloc : memref<!tpu.dma_semaphore, #tpu.memory_space<semaphore_mem>>
        %dma_start3A_22 = tpu.memref_slice %arg3[%add3A_11] : memref<160000xi32, #tpu.memory_space<hbm>> -> memref<200xi32, #tpu.memory_space<hbm>>
        %dma_start3A_23 = tpu.memref_slice %arg3[%add3A_11] : memref<160000xi32, #tpu.memory_space<hbm>> -> memref<200xi32, #tpu.memory_space<hbm>>
        tpu.enqueue_dma source(%dma_start3A_23 : memref<200xi32, #tpu.memory_space<hbm>>) target(%arg7 : memref<200xi32, #tpu.memory_space<vmem>>) target_semaphore(%run_scoped3A : memref<!tpu.dma_semaphore, #tpu.memory_space<semaphore_mem>>)
        %dma_wait3A_24 = tpu.memref_slice %arg3[%add3A_11] : memref<160000xi32, #tpu.memory_space<hbm>> -> memref<200xi32, #tpu.memory_space<hbm>>
        %dma_wait3A_25 = tpu.memref_slice %arg3[%add3A_11] : memref<160000xi32, #tpu.memory_space<hbm>> -> memref<200xi32, #tpu.memory_space<hbm>>
        tpu.wait_dma2 semaphore(%run_scoped3A : memref<!tpu.dma_semaphore, #tpu.memory_space<semaphore_mem>>) src(%dma_wait3A_25 : memref<200xi32, #tpu.memory_space<hbm>>) dst(%arg7 : memref<200xi32, #tpu.memory_space<vmem>>)
        tpu.yield
      }) : () -> ()
      %dma_start3A = arith.constant 0 : i32
      %dma_start3A_12 = arith.constant 0 : i32
      %dma_start3A_13 = tpu.memref_slice %arg2[%dma_start3A, %dma_start3A_12] : memref<10000x256xf32, #tpu.memory_space<hbm>> -> memref<10000x256xf32, #tpu.memory_space<hbm>>
      tpu.enqueue_indirect_dma source(%dma_start3A_13 : memref<10000x256xf32, #tpu.memory_space<hbm>>) target(%arg8 : memref<200x256xf32, #tpu.memory_space<vmem>>) offsets(%arg7 : memref<200xi32, #tpu.memory_space<vmem>>) semaphore(%arg9 : memref<!tpu.dma_semaphore, #tpu.memory_space<semaphore_mem>>)
      %dma_wait3A = arith.constant 0 : i32
      %dma_wait3A_14 = arith.constant 0 : i32
      %dma_wait3A_15 = tpu.memref_slice %arg2[%dma_wait3A, %dma_wait3A_14] : memref<10000x256xf32, #tpu.memory_space<hbm>> -> memref<10000x256xf32, #tpu.memory_space<hbm>>
      tpu.wait_indirect_dma semaphore(%arg9 : memref<!tpu.dma_semaphore, #tpu.memory_space<semaphore_mem>>) src(%dma_wait3A_15 : memref<10000x256xf32, #tpu.memory_space<hbm>>) dst(%arg8 : memref<200x256xf32, #tpu.memory_space<vmem>>)
      "tpu.region"() ({
        %run_scoped3A = tpu.sem_alloc : memref<!tpu.dma_semaphore, #tpu.memory_space<semaphore_mem>>
        %dma_start3A_22 = arith.constant 0 : i32
        %dma_start3A_23 = tpu.memref_slice %arg5[%add3A_11, %dma_start3A_22] : memref<160000x256xf32, #tpu.memory_space<hbm>> -> memref<200x256xf32, #tpu.memory_space<hbm>>
        %dma_start3A_24 = arith.constant 0 : i32
        %dma_start3A_25 = tpu.memref_slice %arg5[%add3A_11, %dma_start3A_24] : memref<160000x256xf32, #tpu.memory_space<hbm>> -> memref<200x256xf32, #tpu.memory_space<hbm>>
        tpu.enqueue_dma source(%arg8 : memref<200x256xf32, #tpu.memory_space<vmem>>) target(%dma_start3A_25 : memref<200x256xf32, #tpu.memory_space<hbm>>) target_semaphore(%run_scoped3A : memref<!tpu.dma_semaphore, #tpu.memory_space<semaphore_mem>>)
        %dma_wait3A_26 = arith.constant 0 : i32
        %dma_wait3A_27 = tpu.memref_slice %arg5[%add3A_11, %dma_wait3A_26] : memref<160000x256xf32, #tpu.memory_space<hbm>> -> memref<200x256xf32, #tpu.memory_space<hbm>>
        %dma_wait3A_28 = arith.constant 0 : i32
        %dma_wait3A_29 = tpu.memref_slice %arg5[%add3A_11, %dma_wait3A_28] : memref<160000x256xf32, #tpu.memory_space<hbm>> -> memref<200x256xf32, #tpu.memory_space<hbm>>
        tpu.wait_dma2 semaphore(%run_scoped3A : memref<!tpu.dma_semaphore, #tpu.memory_space<semaphore_mem>>) src(%arg8 : memref<200x256xf32, #tpu.memory_space<vmem>>) dst(%dma_wait3A_29 : memref<200x256xf32, #tpu.memory_space<hbm>>)
        tpu.yield
      }) : () -> ()
      "tpu.region"() ({
        %run_scoped3A = tpu.sem_alloc : memref<!tpu.dma_semaphore, #tpu.memory_space<semaphore_mem>>
        %dma_start3A_22 = tpu.memref_slice %arg4[%add3A_11] : memref<160000xi32, #tpu.memory_space<hbm>> -> memref<200xi32, #tpu.memory_space<hbm>>
        %dma_start3A_23 = tpu.memref_slice %arg4[%add3A_11] : memref<160000xi32, #tpu.memory_space<hbm>> -> memref<200xi32, #tpu.memory_space<hbm>>
        tpu.enqueue_dma source(%dma_start3A_23 : memref<200xi32, #tpu.memory_space<hbm>>) target(%arg7 : memref<200xi32, #tpu.memory_space<vmem>>) target_semaphore(%run_scoped3A : memref<!tpu.dma_semaphore, #tpu.memory_space<semaphore_mem>>)
        %dma_wait3A_24 = tpu.memref_slice %arg4[%add3A_11] : memref<160000xi32, #tpu.memory_space<hbm>> -> memref<200xi32, #tpu.memory_space<hbm>>
        %dma_wait3A_25 = tpu.memref_slice %arg4[%add3A_11] : memref<160000xi32, #tpu.memory_space<hbm>> -> memref<200xi32, #tpu.memory_space<hbm>>
        tpu.wait_dma2 semaphore(%run_scoped3A : memref<!tpu.dma_semaphore, #tpu.memory_space<semaphore_mem>>) src(%dma_wait3A_25 : memref<200xi32, #tpu.memory_space<hbm>>) dst(%arg7 : memref<200xi32, #tpu.memory_space<vmem>>)
        tpu.yield
      }) : () -> ()
      %dma_start3A_16 = arith.constant 0 : i32
      %dma_start3A_17 = arith.constant 0 : i32
      %dma_start3A_18 = tpu.memref_slice %arg2[%dma_start3A_16, %dma_start3A_17] : memref<10000x256xf32, #tpu.memory_space<hbm>> -> memref<10000x256xf32, #tpu.memory_space<hbm>>
      tpu.enqueue_indirect_dma source(%dma_start3A_18 : memref<10000x256xf32, #tpu.memory_space<hbm>>) target(%arg8 : memref<200x256xf32, #tpu.memory_space<vmem>>) offsets(%arg7 : memref<200xi32, #tpu.memory_space<vmem>>) semaphore(%arg9 : memref<!tpu.dma_semaphore, #tpu.memory_space<semaphore_mem>>)
      %dma_wait3A_19 = arith.constant 0 : i32
      %dma_wait3A_20 = arith.constant 0 : i32
      %dma_wait3A_21 = tpu.memref_slice %arg2[%dma_wait3A_19, %dma_wait3A_20] : memref<10000x256xf32, #tpu.memory_space<hbm>> -> memref<10000x256xf32, #tpu.memory_space<hbm>>
      tpu.wait_indirect_dma semaphore(%arg9 : memref<!tpu.dma_semaphore, #tpu.memory_space<semaphore_mem>>) src(%dma_wait3A_21 : memref<10000x256xf32, #tpu.memory_space<hbm>>) dst(%arg8 : memref<200x256xf32, #tpu.memory_space<vmem>>)
      "tpu.region"() ({
        %run_scoped3A = tpu.sem_alloc : memref<!tpu.dma_semaphore, #tpu.memory_space<semaphore_mem>>
        %dma_start3A_22 = arith.constant 0 : i32
        %dma_start3A_23 = tpu.memref_slice %arg6[%add3A_11, %dma_start3A_22] : memref<160000x256xf32, #tpu.memory_space<hbm>> -> memref<200x256xf32, #tpu.memory_space<hbm>>
        %dma_start3A_24 = arith.constant 0 : i32
        %dma_start3A_25 = tpu.memref_slice %arg6[%add3A_11, %dma_start3A_24] : memref<160000x256xf32, #tpu.memory_space<hbm>> -> memref<200x256xf32, #tpu.memory_space<hbm>>
        tpu.enqueue_dma source(%arg8 : memref<200x256xf32, #tpu.memory_space<vmem>>) target(%dma_start3A_25 : memref<200x256xf32, #tpu.memory_space<hbm>>) target_semaphore(%run_scoped3A : memref<!tpu.dma_semaphore, #tpu.memory_space<semaphore_mem>>)
        %dma_wait3A_26 = arith.constant 0 : i32
        %dma_wait3A_27 = tpu.memref_slice %arg6[%add3A_11, %dma_wait3A_26] : memref<160000x256xf32, #tpu.memory_space<hbm>> -> memref<200x256xf32, #tpu.memory_space<hbm>>
        %dma_wait3A_28 = arith.constant 0 : i32
        %dma_wait3A_29 = tpu.memref_slice %arg6[%add3A_11, %dma_wait3A_28] : memref<160000x256xf32, #tpu.memory_space<hbm>> -> memref<200x256xf32, #tpu.memory_space<hbm>>
        tpu.wait_dma2 semaphore(%run_scoped3A : memref<!tpu.dma_semaphore, #tpu.memory_space<semaphore_mem>>) src(%arg8 : memref<200x256xf32, #tpu.memory_space<vmem>>) dst(%dma_wait3A_29 : memref<200x256xf32, #tpu.memory_space<hbm>>)
        tpu.yield
      }) : () -> ()
    }
    %scan3A_7 = arith.constant 25 : i32
    return
  }
}

#map = affine_map<(d0, d1) -> (0, 0)>
#map1 = affine_map<(d0, d1) -> (0)>
#map2 = affine_map<(d0, d1) -> (0, 0, 0)>
module attributes {stable_mosaic.version = 14 : i64} {
  func.func @k(%arg0: i32, %arg1: i32, %arg2: memref<160000x128xf32, #tpu.memory_space<hbm>>, %arg3: memref<160000x128xf32, #tpu.memory_space<hbm>>, %arg4: memref<160000xi32, #tpu.memory_space<hbm>>, %arg5: memref<10000x128xf32, #tpu.memory_space<hbm>>, %arg6: memref<2x10000x128xf32, #tpu.memory_space<hbm>>, %arg7: memref<200xi32, #tpu.memory_space<vmem>>, %arg8: memref<200x128xf32, #tpu.memory_space<vmem>>, %arg9: memref<10000x128xf32, #tpu.memory_space<vmem_shared>>) attributes {dimension_semantics = [#tpu.dimension_semantics<core_parallel>, #tpu.dimension_semantics<subcore_parallel>], iteration_bounds = array<i64: 2, 16>, scalar_prefetch = 0 : i64, scratch_operands = 3 : i64, tpu.core_type = #tpu.core_type<sc_vector_subcore>, window_params = [{transform_indices = #map}, {transform_indices = #map}, {transform_indices = #map1}, {transform_indices = #map}, {transform_indices = #map2}]} {
    %scan3A = arith.constant 0 : i32
    %scan3A_0 = arith.constant 0 : i32
    %scan3A_1 = arith.constant 4 : i32
    %scan3A_2 = arith.addi %scan3A_0, %scan3A_1 : i32
    %scan3A_3 = arith.constant 1 : i32
    scf.for %scan3A_19 = %scan3A_0 to %scan3A_2 step %scan3A_3  : i32 {
      %mul3A = arith.constant 4 : i32
      %mul3A_20 = arith.muli %arg1, %mul3A : i32
      %add3A = arith.addi %mul3A_20, %scan3A_19 : i32
      %lt3A = arith.constant 50 : i32
      %lt3A_21 = arith.cmpi slt, %add3A, %lt3A : i32
      %convert_element_type3A_22 = arith.extui %lt3A_21 : i1 to i32
      %cond3A_23 = arith.constant 0 : i32
      %cond3A_24 = arith.cmpi ne, %convert_element_type3A_22, %cond3A_23 : i32
      scf.if %cond3A_24 {
        %mul3A_25 = arith.constant 200 : i32
        %mul3A_26 = arith.muli %add3A, %mul3A_25 : i32
        "tpu.region"() ({
          %run_scoped3A = tpu.sem_alloc : memref<!tpu.dma_semaphore, #tpu.memory_space<semaphore_mem>>
          %dma_start3A = arith.constant 0 : i32
          %dma_start3A_27 = tpu.memref_slice %arg9[%mul3A_26, %dma_start3A] : memref<10000x128xf32, #tpu.memory_space<vmem_shared>> -> memref<200x128xf32, #tpu.memory_space<vmem_shared>>
          %dma_start3A_28 = arith.constant 0 : i32
          %dma_start3A_29 = tpu.memref_slice %arg5[%mul3A_26, %dma_start3A_28] : memref<10000x128xf32, #tpu.memory_space<hbm>> -> memref<200x128xf32, #tpu.memory_space<hbm>>
          tpu.enqueue_dma source(%dma_start3A_29 : memref<200x128xf32, #tpu.memory_space<hbm>>) target(%dma_start3A_27 : memref<200x128xf32, #tpu.memory_space<vmem_shared>>) target_semaphore(%run_scoped3A : memref<!tpu.dma_semaphore, #tpu.memory_space<semaphore_mem>>)
          %dma_wait3A = arith.constant 0 : i32
          %dma_wait3A_30 = tpu.memref_slice %arg9[%mul3A_26, %dma_wait3A] : memref<10000x128xf32, #tpu.memory_space<vmem_shared>> -> memref<200x128xf32, #tpu.memory_space<vmem_shared>>
          %dma_wait3A_31 = arith.constant 0 : i32
          %dma_wait3A_32 = tpu.memref_slice %arg5[%mul3A_26, %dma_wait3A_31] : memref<10000x128xf32, #tpu.memory_space<hbm>> -> memref<200x128xf32, #tpu.memory_space<hbm>>
          tpu.wait_dma2 semaphore(%run_scoped3A : memref<!tpu.dma_semaphore, #tpu.memory_space<semaphore_mem>>) src(%dma_wait3A_32 : memref<200x128xf32, #tpu.memory_space<hbm>>) dst(%dma_wait3A_30 : memref<200x128xf32, #tpu.memory_space<vmem_shared>>)
          tpu.yield
        }) : () -> ()
      } else {
      }
    }
    %scan3A_4 = arith.constant 4 : i32
    %barrier3A = arith.constant 0 : index
    tpu.barrier barrier_id(%barrier3A)
    %eq3A = arith.constant 0 : i32
    %eq3A_5 = arith.cmpi eq, %arg0, %eq3A : i32
    %convert_element_type3A = arith.extui %eq3A_5 : i1 to i32
    %cond3A = arith.constant 0 : i32
    %cond3A_6 = arith.cmpi ne, %convert_element_type3A, %cond3A : i32
    scf.if %cond3A_6 {
      %scan3A_19 = arith.constant 0 : i32
      %scan3A_20 = arith.constant 0 : i32
      %scan3A_21 = arith.constant 50 : i32
      %scan3A_22 = arith.addi %scan3A_20, %scan3A_21 : i32
      %scan3A_23 = arith.constant 1 : i32
      scf.for %scan3A_25 = %scan3A_20 to %scan3A_22 step %scan3A_23  : i32 {
        %mul3A = arith.constant 10000 : i32
        %mul3A_26 = arith.muli %arg1, %mul3A : i32
        %mul3A_27 = arith.constant 200 : i32
        %mul3A_28 = arith.muli %scan3A_25, %mul3A_27 : i32
        %add3A = arith.addi %mul3A_26, %mul3A_28 : i32
        "tpu.region"() ({
          %run_scoped3A = tpu.sem_alloc : memref<!tpu.dma_semaphore, #tpu.memory_space<semaphore_mem>>
          %dma_start3A = tpu.memref_slice %arg4[%add3A] : memref<160000xi32, #tpu.memory_space<hbm>> -> memref<200xi32, #tpu.memory_space<hbm>>
          %dma_start3A_29 = tpu.memref_slice %arg4[%add3A] : memref<160000xi32, #tpu.memory_space<hbm>> -> memref<200xi32, #tpu.memory_space<hbm>>
          tpu.enqueue_dma source(%dma_start3A_29 : memref<200xi32, #tpu.memory_space<hbm>>) target(%arg7 : memref<200xi32, #tpu.memory_space<vmem>>) target_semaphore(%run_scoped3A : memref<!tpu.dma_semaphore, #tpu.memory_space<semaphore_mem>>)
          %dma_wait3A = tpu.memref_slice %arg4[%add3A] : memref<160000xi32, #tpu.memory_space<hbm>> -> memref<200xi32, #tpu.memory_space<hbm>>
          %dma_wait3A_30 = tpu.memref_slice %arg4[%add3A] : memref<160000xi32, #tpu.memory_space<hbm>> -> memref<200xi32, #tpu.memory_space<hbm>>
          tpu.wait_dma2 semaphore(%run_scoped3A : memref<!tpu.dma_semaphore, #tpu.memory_space<semaphore_mem>>) src(%dma_wait3A_30 : memref<200xi32, #tpu.memory_space<hbm>>) dst(%arg7 : memref<200xi32, #tpu.memory_space<vmem>>)
          tpu.yield
        }) : () -> ()
        "tpu.region"() ({
          %run_scoped3A = tpu.sem_alloc : memref<!tpu.dma_semaphore, #tpu.memory_space<semaphore_mem>>
          %dma_start3A = arith.constant 0 : i32
          %dma_start3A_29 = tpu.memref_slice %arg2[%add3A, %dma_start3A] : memref<160000x128xf32, #tpu.memory_space<hbm>> -> memref<200x128xf32, #tpu.memory_space<hbm>>
          %dma_start3A_30 = arith.constant 0 : i32
          %dma_start3A_31 = tpu.memref_slice %arg2[%add3A, %dma_start3A_30] : memref<160000x128xf32, #tpu.memory_space<hbm>> -> memref<200x128xf32, #tpu.memory_space<hbm>>
          tpu.enqueue_dma source(%dma_start3A_31 : memref<200x128xf32, #tpu.memory_space<hbm>>) target(%arg8 : memref<200x128xf32, #tpu.memory_space<vmem>>) target_semaphore(%run_scoped3A : memref<!tpu.dma_semaphore, #tpu.memory_space<semaphore_mem>>)
          %dma_wait3A = arith.constant 0 : i32
          %dma_wait3A_32 = tpu.memref_slice %arg2[%add3A, %dma_wait3A] : memref<160000x128xf32, #tpu.memory_space<hbm>> -> memref<200x128xf32, #tpu.memory_space<hbm>>
          %dma_wait3A_33 = arith.constant 0 : i32
          %dma_wait3A_34 = tpu.memref_slice %arg2[%add3A, %dma_wait3A_33] : memref<160000x128xf32, #tpu.memory_space<hbm>> -> memref<200x128xf32, #tpu.memory_space<hbm>>
          tpu.wait_dma2 semaphore(%run_scoped3A : memref<!tpu.dma_semaphore, #tpu.memory_space<semaphore_mem>>) src(%dma_wait3A_34 : memref<200x128xf32, #tpu.memory_space<hbm>>) dst(%arg8 : memref<200x128xf32, #tpu.memory_space<vmem>>)
          tpu.yield
        }) : () -> ()
        "tpu.region"() ({
          %run_scoped3A = tpu.sem_alloc : memref<!tpu.dma_semaphore, #tpu.memory_space<semaphore_mem>>
          %dma_start3A = arith.constant 0 : i32
          %dma_start3A_29 = arith.constant 0 : i32
          %dma_start3A_30 = tpu.memref_slice %arg9[%dma_start3A, %dma_start3A_29] : memref<10000x128xf32, #tpu.memory_space<vmem_shared>> -> memref<10000x128xf32, #tpu.memory_space<vmem_shared>>
          tpu.enqueue_indirect_dma source(%arg8 : memref<200x128xf32, #tpu.memory_space<vmem>>) target(%dma_start3A_30 : memref<10000x128xf32, #tpu.memory_space<vmem_shared>>) offsets(%arg7 : memref<200xi32, #tpu.memory_space<vmem>>) semaphore(%run_scoped3A : memref<!tpu.dma_semaphore, #tpu.memory_space<semaphore_mem>>) {add = true}
          %dma_wait3A = arith.constant 0 : i32
          %dma_wait3A_31 = arith.constant 0 : i32
          %dma_wait3A_32 = tpu.memref_slice %arg9[%dma_wait3A, %dma_wait3A_31] : memref<10000x128xf32, #tpu.memory_space<vmem_shared>> -> memref<10000x128xf32, #tpu.memory_space<vmem_shared>>
          tpu.wait_indirect_dma semaphore(%run_scoped3A : memref<!tpu.dma_semaphore, #tpu.memory_space<semaphore_mem>>) src(%arg8 : memref<200x128xf32, #tpu.memory_space<vmem>>) dst(%dma_wait3A_32 : memref<10000x128xf32, #tpu.memory_space<vmem_shared>>)
          tpu.yield
        }) : () -> ()
      }
      %scan3A_24 = arith.constant 50 : i32
    } else {
    }
    %eq3A_7 = arith.constant 1 : i32
    %eq3A_8 = arith.cmpi eq, %arg0, %eq3A_7 : i32
    %convert_element_type3A_9 = arith.extui %eq3A_8 : i1 to i32
    %cond3A_10 = arith.constant 0 : i32
    %cond3A_11 = arith.cmpi ne, %convert_element_type3A_9, %cond3A_10 : i32
    scf.if %cond3A_11 {
      %scan3A_19 = arith.constant 0 : i32
      %scan3A_20 = arith.constant 0 : i32
      %scan3A_21 = arith.constant 50 : i32
      %scan3A_22 = arith.addi %scan3A_20, %scan3A_21 : i32
      %scan3A_23 = arith.constant 1 : i32
      scf.for %scan3A_25 = %scan3A_20 to %scan3A_22 step %scan3A_23  : i32 {
        %mul3A = arith.constant 10000 : i32
        %mul3A_26 = arith.muli %arg1, %mul3A : i32
        %mul3A_27 = arith.constant 200 : i32
        %mul3A_28 = arith.muli %scan3A_25, %mul3A_27 : i32
        %add3A = arith.addi %mul3A_26, %mul3A_28 : i32
        "tpu.region"() ({
          %run_scoped3A = tpu.sem_alloc : memref<!tpu.dma_semaphore, #tpu.memory_space<semaphore_mem>>
          %dma_start3A = tpu.memref_slice %arg4[%add3A] : memref<160000xi32, #tpu.memory_space<hbm>> -> memref<200xi32, #tpu.memory_space<hbm>>
          %dma_start3A_29 = tpu.memref_slice %arg4[%add3A] : memref<160000xi32, #tpu.memory_space<hbm>> -> memref<200xi32, #tpu.memory_space<hbm>>
          tpu.enqueue_dma source(%dma_start3A_29 : memref<200xi32, #tpu.memory_space<hbm>>) target(%arg7 : memref<200xi32, #tpu.memory_space<vmem>>) target_semaphore(%run_scoped3A : memref<!tpu.dma_semaphore, #tpu.memory_space<semaphore_mem>>)
          %dma_wait3A = tpu.memref_slice %arg4[%add3A] : memref<160000xi32, #tpu.memory_space<hbm>> -> memref<200xi32, #tpu.memory_space<hbm>>
          %dma_wait3A_30 = tpu.memref_slice %arg4[%add3A] : memref<160000xi32, #tpu.memory_space<hbm>> -> memref<200xi32, #tpu.memory_space<hbm>>
          tpu.wait_dma2 semaphore(%run_scoped3A : memref<!tpu.dma_semaphore, #tpu.memory_space<semaphore_mem>>) src(%dma_wait3A_30 : memref<200xi32, #tpu.memory_space<hbm>>) dst(%arg7 : memref<200xi32, #tpu.memory_space<vmem>>)
          tpu.yield
        }) : () -> ()
        "tpu.region"() ({
          %run_scoped3A = tpu.sem_alloc : memref<!tpu.dma_semaphore, #tpu.memory_space<semaphore_mem>>
          %dma_start3A = arith.constant 0 : i32
          %dma_start3A_29 = tpu.memref_slice %arg3[%add3A, %dma_start3A] : memref<160000x128xf32, #tpu.memory_space<hbm>> -> memref<200x128xf32, #tpu.memory_space<hbm>>
          %dma_start3A_30 = arith.constant 0 : i32
          %dma_start3A_31 = tpu.memref_slice %arg3[%add3A, %dma_start3A_30] : memref<160000x128xf32, #tpu.memory_space<hbm>> -> memref<200x128xf32, #tpu.memory_space<hbm>>
          tpu.enqueue_dma source(%dma_start3A_31 : memref<200x128xf32, #tpu.memory_space<hbm>>) target(%arg8 : memref<200x128xf32, #tpu.memory_space<vmem>>) target_semaphore(%run_scoped3A : memref<!tpu.dma_semaphore, #tpu.memory_space<semaphore_mem>>)
          %dma_wait3A = arith.constant 0 : i32
          %dma_wait3A_32 = tpu.memref_slice %arg3[%add3A, %dma_wait3A] : memref<160000x128xf32, #tpu.memory_space<hbm>> -> memref<200x128xf32, #tpu.memory_space<hbm>>
          %dma_wait3A_33 = arith.constant 0 : i32
          %dma_wait3A_34 = tpu.memref_slice %arg3[%add3A, %dma_wait3A_33] : memref<160000x128xf32, #tpu.memory_space<hbm>> -> memref<200x128xf32, #tpu.memory_space<hbm>>
          tpu.wait_dma2 semaphore(%run_scoped3A : memref<!tpu.dma_semaphore, #tpu.memory_space<semaphore_mem>>) src(%dma_wait3A_34 : memref<200x128xf32, #tpu.memory_space<hbm>>) dst(%arg8 : memref<200x128xf32, #tpu.memory_space<vmem>>)
          tpu.yield
        }) : () -> ()
        "tpu.region"() ({
          %run_scoped3A = tpu.sem_alloc : memref<!tpu.dma_semaphore, #tpu.memory_space<semaphore_mem>>
          %dma_start3A = arith.constant 0 : i32
          %dma_start3A_29 = arith.constant 0 : i32
          %dma_start3A_30 = tpu.memref_slice %arg9[%dma_start3A, %dma_start3A_29] : memref<10000x128xf32, #tpu.memory_space<vmem_shared>> -> memref<10000x128xf32, #tpu.memory_space<vmem_shared>>
          tpu.enqueue_indirect_dma source(%arg8 : memref<200x128xf32, #tpu.memory_space<vmem>>) target(%dma_start3A_30 : memref<10000x128xf32, #tpu.memory_space<vmem_shared>>) offsets(%arg7 : memref<200xi32, #tpu.memory_space<vmem>>) semaphore(%run_scoped3A : memref<!tpu.dma_semaphore, #tpu.memory_space<semaphore_mem>>) {add = true}
          %dma_wait3A = arith.constant 0 : i32
          %dma_wait3A_31 = arith.constant 0 : i32
          %dma_wait3A_32 = tpu.memref_slice %arg9[%dma_wait3A, %dma_wait3A_31] : memref<10000x128xf32, #tpu.memory_space<vmem_shared>> -> memref<10000x128xf32, #tpu.memory_space<vmem_shared>>
          tpu.wait_indirect_dma semaphore(%run_scoped3A : memref<!tpu.dma_semaphore, #tpu.memory_space<semaphore_mem>>) src(%arg8 : memref<200x128xf32, #tpu.memory_space<vmem>>) dst(%dma_wait3A_32 : memref<10000x128xf32, #tpu.memory_space<vmem_shared>>)
          tpu.yield
        }) : () -> ()
      }
      %scan3A_24 = arith.constant 50 : i32
    } else {
    }
    %barrier3A_12 = arith.constant 0 : index
    tpu.barrier barrier_id(%barrier3A_12)
    %scan3A_13 = arith.constant 0 : i32
    %scan3A_14 = arith.constant 0 : i32
    %scan3A_15 = arith.constant 4 : i32
    %scan3A_16 = arith.addi %scan3A_14, %scan3A_15 : i32
    %scan3A_17 = arith.constant 1 : i32
    scf.for %scan3A_19 = %scan3A_14 to %scan3A_16 step %scan3A_17  : i32 {
      %mul3A = arith.constant 4 : i32
      %mul3A_20 = arith.muli %arg1, %mul3A : i32
      %add3A = arith.addi %mul3A_20, %scan3A_19 : i32
      %lt3A = arith.constant 50 : i32
      %lt3A_21 = arith.cmpi slt, %add3A, %lt3A : i32
      %convert_element_type3A_22 = arith.extui %lt3A_21 : i1 to i32
      %cond3A_23 = arith.constant 0 : i32
      %cond3A_24 = arith.cmpi ne, %convert_element_type3A_22, %cond3A_23 : i32
      scf.if %cond3A_24 {
        %mul3A_25 = arith.constant 200 : i32
        %mul3A_26 = arith.muli %add3A, %mul3A_25 : i32
        "tpu.region"() ({
          %run_scoped3A = tpu.sem_alloc : memref<!tpu.dma_semaphore, #tpu.memory_space<semaphore_mem>>
          %dma_start3A = arith.constant 0 : i32
          %dma_start3A_27 = tpu.memref_slice %arg6[%arg0, %mul3A_26, %dma_start3A] : memref<2x10000x128xf32, #tpu.memory_space<hbm>> -> memref<1x200x128xf32, #tpu.memory_space<hbm>>
          %dma_start3A_28 = tpu.memref_squeeze %dma_start3A_27 : memref<1x200x128xf32, #tpu.memory_space<hbm>> -> memref<200x128xf32, #tpu.memory_space<hbm>>
          %dma_start3A_29 = arith.constant 0 : i32
          %dma_start3A_30 = tpu.memref_slice %arg9[%mul3A_26, %dma_start3A_29] : memref<10000x128xf32, #tpu.memory_space<vmem_shared>> -> memref<200x128xf32, #tpu.memory_space<vmem_shared>>
          tpu.enqueue_dma source(%dma_start3A_30 : memref<200x128xf32, #tpu.memory_space<vmem_shared>>) target(%dma_start3A_28 : memref<200x128xf32, #tpu.memory_space<hbm>>) target_semaphore(%run_scoped3A : memref<!tpu.dma_semaphore, #tpu.memory_space<semaphore_mem>>)
          %dma_wait3A = arith.constant 0 : i32
          %dma_wait3A_31 = tpu.memref_slice %arg6[%arg0, %mul3A_26, %dma_wait3A] : memref<2x10000x128xf32, #tpu.memory_space<hbm>> -> memref<1x200x128xf32, #tpu.memory_space<hbm>>
          %dma_wait3A_32 = tpu.memref_squeeze %dma_wait3A_31 : memref<1x200x128xf32, #tpu.memory_space<hbm>> -> memref<200x128xf32, #tpu.memory_space<hbm>>
          %dma_wait3A_33 = arith.constant 0 : i32
          %dma_wait3A_34 = tpu.memref_slice %arg9[%mul3A_26, %dma_wait3A_33] : memref<10000x128xf32, #tpu.memory_space<vmem_shared>> -> memref<200x128xf32, #tpu.memory_space<vmem_shared>>
          tpu.wait_dma2 semaphore(%run_scoped3A : memref<!tpu.dma_semaphore, #tpu.memory_space<semaphore_mem>>) src(%dma_wait3A_34 : memref<200x128xf32, #tpu.memory_space<vmem_shared>>) dst(%dma_wait3A_32 : memref<200x128xf32, #tpu.memory_space<hbm>>)
          tpu.yield
        }) : () -> ()
      } else {
      }
    }
    %scan3A_18 = arith.constant 4 : i32
    return
  }
}

#map = affine_map<(d0, d1) -> (0, 0)>
#map1 = affine_map<(d0, d1) -> (0)>
module attributes {stable_mosaic.version = 14 : i64} {
  func.func @k(%arg0: i32, %arg1: i32, %arg2: memref<10000x256xf32, #tpu.memory_space<hbm>>, %arg3: memref<160000xi32, #tpu.memory_space<hbm>>, %arg4: memref<160000xi32, #tpu.memory_space<hbm>>, %arg5: memref<160000x256xf32, #tpu.memory_space<hbm>>, %arg6: memref<160000x256xf32, #tpu.memory_space<hbm>>, %arg7: memref<200xi32, #tpu.memory_space<vmem>>, %arg8: memref<200x256xf32, #tpu.memory_space<vmem>>, %arg9: memref<!tpu.dma_semaphore, #tpu.memory_space<semaphore_mem>>) attributes {dimension_semantics = [#tpu.dimension_semantics<core_parallel>, #tpu.dimension_semantics<subcore_parallel>], iteration_bounds = array<i64: 2, 16>, scalar_prefetch = 0 : i64, scratch_operands = 3 : i64, tpu.core_type = #tpu.core_type<sc_vector_subcore>, window_params = [{transform_indices = #map}, {transform_indices = #map1}, {transform_indices = #map1}, {transform_indices = #map}, {transform_indices = #map}]} {
    %mul3A = arith.constant 2 : i32
    %mul3A_0 = arith.muli %arg1, %mul3A : i32
    %add3A = arith.addi %mul3A_0, %arg0 : i32
    %mul3A_1 = arith.constant 5000 : i32
    %mul3A_2 = arith.muli %add3A, %mul3A_1 : i32
    %scan3A = arith.constant 0 : i32
    %scan3A_3 = arith.constant 0 : i32
    %scan3A_4 = arith.constant 25 : i32
    %scan3A_5 = arith.addi %scan3A_3, %scan3A_4 : i32
    %scan3A_6 = arith.constant 1 : i32
    scf.for %scan3A_8 = %scan3A_3 to %scan3A_5 step %scan3A_6  : i32 {
      %mul3A_9 = arith.constant 200 : i32
      %mul3A_10 = arith.muli %scan3A_8, %mul3A_9 : i32
      %add3A_11 = arith.addi %mul3A_2, %mul3A_10 : i32
      "tpu.region"() ({
        %run_scoped3A = tpu.sem_alloc : memref<!tpu.dma_semaphore, #tpu.memory_space<semaphore_mem>>
        %dma_start3A_22 = tpu.memref_slice %arg3[%add3A_11] : memref<160000xi32, #tpu.memory_space<hbm>> -> memref<200xi32, #tpu.memory_space<hbm>>
        %dma_start3A_23 = tpu.memref_slice %arg3[%add3A_11] : memref<160000xi32, #tpu.memory_space<hbm>> -> memref<200xi32, #tpu.memory_space<hbm>>
        tpu.enqueue_dma source(%dma_start3A_23 : memref<200xi32, #tpu.memory_space<hbm>>) target(%arg7 : memref<200xi32, #tpu.memory_space<vmem>>) target_semaphore(%run_scoped3A : memref<!tpu.dma_semaphore, #tpu.memory_space<semaphore_mem>>)
        %dma_wait3A_24 = tpu.memref_slice %arg3[%add3A_11] : memref<160000xi32, #tpu.memory_space<hbm>> -> memref<200xi32, #tpu.memory_space<hbm>>
        %dma_wait3A_25 = tpu.memref_slice %arg3[%add3A_11] : memref<160000xi32, #tpu.memory_space<hbm>> -> memref<200xi32, #tpu.memory_space<hbm>>
        tpu.wait_dma2 semaphore(%run_scoped3A : memref<!tpu.dma_semaphore, #tpu.memory_space<semaphore_mem>>) src(%dma_wait3A_25 : memref<200xi32, #tpu.memory_space<hbm>>) dst(%arg7 : memref<200xi32, #tpu.memory_space<vmem>>)
        tpu.yield
      }) : () -> ()
      %dma_start3A = arith.constant 0 : i32
      %dma_start3A_12 = arith.constant 0 : i32
      %dma_start3A_13 = tpu.memref_slice %arg2[%dma_start3A, %dma_start3A_12] : memref<10000x256xf32, #tpu.memory_space<hbm>> -> memref<10000x256xf32, #tpu.memory_space<hbm>>
      tpu.enqueue_indirect_dma source(%dma_start3A_13 : memref<10000x256xf32, #tpu.memory_space<hbm>>) target(%arg8 : memref<200x256xf32, #tpu.memory_space<vmem>>) offsets(%arg7 : memref<200xi32, #tpu.memory_space<vmem>>) semaphore(%arg9 : memref<!tpu.dma_semaphore, #tpu.memory_space<semaphore_mem>>)
      %dma_wait3A = arith.constant 0 : i32
      %dma_wait3A_14 = arith.constant 0 : i32
      %dma_wait3A_15 = tpu.memref_slice %arg2[%dma_wait3A, %dma_wait3A_14] : memref<10000x256xf32, #tpu.memory_space<hbm>> -> memref<10000x256xf32, #tpu.memory_space<hbm>>
      tpu.wait_indirect_dma semaphore(%arg9 : memref<!tpu.dma_semaphore, #tpu.memory_space<semaphore_mem>>) src(%dma_wait3A_15 : memref<10000x256xf32, #tpu.memory_space<hbm>>) dst(%arg8 : memref<200x256xf32, #tpu.memory_space<vmem>>)
      "tpu.region"() ({
        %run_scoped3A = tpu.sem_alloc : memref<!tpu.dma_semaphore, #tpu.memory_space<semaphore_mem>>
        %dma_start3A_22 = arith.constant 0 : i32
        %dma_start3A_23 = tpu.memref_slice %arg5[%add3A_11, %dma_start3A_22] : memref<160000x256xf32, #tpu.memory_space<hbm>> -> memref<200x256xf32, #tpu.memory_space<hbm>>
        %dma_start3A_24 = arith.constant 0 : i32
        %dma_start3A_25 = tpu.memref_slice %arg5[%add3A_11, %dma_start3A_24] : memref<160000x256xf32, #tpu.memory_space<hbm>> -> memref<200x256xf32, #tpu.memory_space<hbm>>
        tpu.enqueue_dma source(%arg8 : memref<200x256xf32, #tpu.memory_space<vmem>>) target(%dma_start3A_25 : memref<200x256xf32, #tpu.memory_space<hbm>>) target_semaphore(%run_scoped3A : memref<!tpu.dma_semaphore, #tpu.memory_space<semaphore_mem>>)
        %dma_wait3A_26 = arith.constant 0 : i32
        %dma_wait3A_27 = tpu.memref_slice %arg5[%add3A_11, %dma_wait3A_26] : memref<160000x256xf32, #tpu.memory_space<hbm>> -> memref<200x256xf32, #tpu.memory_space<hbm>>
        %dma_wait3A_28 = arith.constant 0 : i32
        %dma_wait3A_29 = tpu.memref_slice %arg5[%add3A_11, %dma_wait3A_28] : memref<160000x256xf32, #tpu.memory_space<hbm>> -> memref<200x256xf32, #tpu.memory_space<hbm>>
        tpu.wait_dma2 semaphore(%run_scoped3A : memref<!tpu.dma_semaphore, #tpu.memory_space<semaphore_mem>>) src(%arg8 : memref<200x256xf32, #tpu.memory_space<vmem>>) dst(%dma_wait3A_29 : memref<200x256xf32, #tpu.memory_space<hbm>>)
        tpu.yield
      }) : () -> ()
      "tpu.region"() ({
        %run_scoped3A = tpu.sem_alloc : memref<!tpu.dma_semaphore, #tpu.memory_space<semaphore_mem>>
        %dma_start3A_22 = tpu.memref_slice %arg4[%add3A_11] : memref<160000xi32, #tpu.memory_space<hbm>> -> memref<200xi32, #tpu.memory_space<hbm>>
        %dma_start3A_23 = tpu.memref_slice %arg4[%add3A_11] : memref<160000xi32, #tpu.memory_space<hbm>> -> memref<200xi32, #tpu.memory_space<hbm>>
        tpu.enqueue_dma source(%dma_start3A_23 : memref<200xi32, #tpu.memory_space<hbm>>) target(%arg7 : memref<200xi32, #tpu.memory_space<vmem>>) target_semaphore(%run_scoped3A : memref<!tpu.dma_semaphore, #tpu.memory_space<semaphore_mem>>)
        %dma_wait3A_24 = tpu.memref_slice %arg4[%add3A_11] : memref<160000xi32, #tpu.memory_space<hbm>> -> memref<200xi32, #tpu.memory_space<hbm>>
        %dma_wait3A_25 = tpu.memref_slice %arg4[%add3A_11] : memref<160000xi32, #tpu.memory_space<hbm>> -> memref<200xi32, #tpu.memory_space<hbm>>
        tpu.wait_dma2 semaphore(%run_scoped3A : memref<!tpu.dma_semaphore, #tpu.memory_space<semaphore_mem>>) src(%dma_wait3A_25 : memref<200xi32, #tpu.memory_space<hbm>>) dst(%arg7 : memref<200xi32, #tpu.memory_space<vmem>>)
        tpu.yield
      }) : () -> ()
      %dma_start3A_16 = arith.constant 0 : i32
      %dma_start3A_17 = arith.constant 0 : i32
      %dma_start3A_18 = tpu.memref_slice %arg2[%dma_start3A_16, %dma_start3A_17] : memref<10000x256xf32, #tpu.memory_space<hbm>> -> memref<10000x256xf32, #tpu.memory_space<hbm>>
      tpu.enqueue_indirect_dma source(%dma_start3A_18 : memref<10000x256xf32, #tpu.memory_space<hbm>>) target(%arg8 : memref<200x256xf32, #tpu.memory_space<vmem>>) offsets(%arg7 : memref<200xi32, #tpu.memory_space<vmem>>) semaphore(%arg9 : memref<!tpu.dma_semaphore, #tpu.memory_space<semaphore_mem>>)
      %dma_wait3A_19 = arith.constant 0 : i32
      %dma_wait3A_20 = arith.constant 0 : i32
      %dma_wait3A_21 = tpu.memref_slice %arg2[%dma_wait3A_19, %dma_wait3A_20] : memref<10000x256xf32, #tpu.memory_space<hbm>> -> memref<10000x256xf32, #tpu.memory_space<hbm>>
      tpu.wait_indirect_dma semaphore(%arg9 : memref<!tpu.dma_semaphore, #tpu.memory_space<semaphore_mem>>) src(%dma_wait3A_21 : memref<10000x256xf32, #tpu.memory_space<hbm>>) dst(%arg8 : memref<200x256xf32, #tpu.memory_space<vmem>>)
      "tpu.region"() ({
        %run_scoped3A = tpu.sem_alloc : memref<!tpu.dma_semaphore, #tpu.memory_space<semaphore_mem>>
        %dma_start3A_22 = arith.constant 0 : i32
        %dma_start3A_23 = tpu.memref_slice %arg6[%add3A_11, %dma_start3A_22] : memref<160000x256xf32, #tpu.memory_space<hbm>> -> memref<200x256xf32, #tpu.memory_space<hbm>>
        %dma_start3A_24 = arith.constant 0 : i32
        %dma_start3A_25 = tpu.memref_slice %arg6[%add3A_11, %dma_start3A_24] : memref<160000x256xf32, #tpu.memory_space<hbm>> -> memref<200x256xf32, #tpu.memory_space<hbm>>
        tpu.enqueue_dma source(%arg8 : memref<200x256xf32, #tpu.memory_space<vmem>>) target(%dma_start3A_25 : memref<200x256xf32, #tpu.memory_space<hbm>>) target_semaphore(%run_scoped3A : memref<!tpu.dma_semaphore, #tpu.memory_space<semaphore_mem>>)
        %dma_wait3A_26 = arith.constant 0 : i32
        %dma_wait3A_27 = tpu.memref_slice %arg6[%add3A_11, %dma_wait3A_26] : memref<160000x256xf32, #tpu.memory_space<hbm>> -> memref<200x256xf32, #tpu.memory_space<hbm>>
        %dma_wait3A_28 = arith.constant 0 : i32
        %dma_wait3A_29 = tpu.memref_slice %arg6[%add3A_11, %dma_wait3A_28] : memref<160000x256xf32, #tpu.memory_space<hbm>> -> memref<200x256xf32, #tpu.memory_space<hbm>>
        tpu.wait_dma2 semaphore(%run_scoped3A : memref<!tpu.dma_semaphore, #tpu.memory_space<semaphore_mem>>) src(%arg8 : memref<200x256xf32, #tpu.memory_space<vmem>>) dst(%dma_wait3A_29 : memref<200x256xf32, #tpu.memory_space<hbm>>)
        tpu.yield
      }) : () -> ()
    }
    %scan3A_7 = arith.constant 25 : i32
    return
  }
}

#map = affine_map<(d0, d1) -> (0, 0)>
#map1 = affine_map<(d0, d1) -> (0)>
#map2 = affine_map<(d0, d1) -> (0, 0, 0)>
module attributes {stable_mosaic.version = 14 : i64} {
  func.func @k(%arg0: i32, %arg1: i32, %arg2: memref<160000x128xf32, #tpu.memory_space<hbm>>, %arg3: memref<160000x128xf32, #tpu.memory_space<hbm>>, %arg4: memref<160000xi32, #tpu.memory_space<hbm>>, %arg5: memref<10000x128xf32, #tpu.memory_space<hbm>>, %arg6: memref<2x10000x128xf32, #tpu.memory_space<hbm>>, %arg7: memref<200xi32, #tpu.memory_space<vmem>>, %arg8: memref<200x128xf32, #tpu.memory_space<vmem>>, %arg9: memref<10000x128xf32, #tpu.memory_space<vmem_shared>>) attributes {dimension_semantics = [#tpu.dimension_semantics<core_parallel>, #tpu.dimension_semantics<subcore_parallel>], iteration_bounds = array<i64: 2, 16>, scalar_prefetch = 0 : i64, scratch_operands = 3 : i64, tpu.core_type = #tpu.core_type<sc_vector_subcore>, window_params = [{transform_indices = #map}, {transform_indices = #map}, {transform_indices = #map1}, {transform_indices = #map}, {transform_indices = #map2}]} {
    %scan3A = arith.constant 0 : i32
    %scan3A_0 = arith.constant 0 : i32
    %scan3A_1 = arith.constant 4 : i32
    %scan3A_2 = arith.addi %scan3A_0, %scan3A_1 : i32
    %scan3A_3 = arith.constant 1 : i32
    scf.for %scan3A_19 = %scan3A_0 to %scan3A_2 step %scan3A_3  : i32 {
      %mul3A = arith.constant 4 : i32
      %mul3A_20 = arith.muli %arg1, %mul3A : i32
      %add3A = arith.addi %mul3A_20, %scan3A_19 : i32
      %lt3A = arith.constant 50 : i32
      %lt3A_21 = arith.cmpi slt, %add3A, %lt3A : i32
      %convert_element_type3A_22 = arith.extui %lt3A_21 : i1 to i32
      %cond3A_23 = arith.constant 0 : i32
      %cond3A_24 = arith.cmpi ne, %convert_element_type3A_22, %cond3A_23 : i32
      scf.if %cond3A_24 {
        %mul3A_25 = arith.constant 200 : i32
        %mul3A_26 = arith.muli %add3A, %mul3A_25 : i32
        "tpu.region"() ({
          %run_scoped3A = tpu.sem_alloc : memref<!tpu.dma_semaphore, #tpu.memory_space<semaphore_mem>>
          %dma_start3A = arith.constant 0 : i32
          %dma_start3A_27 = tpu.memref_slice %arg9[%mul3A_26, %dma_start3A] : memref<10000x128xf32, #tpu.memory_space<vmem_shared>> -> memref<200x128xf32, #tpu.memory_space<vmem_shared>>
          %dma_start3A_28 = arith.constant 0 : i32
          %dma_start3A_29 = tpu.memref_slice %arg5[%mul3A_26, %dma_start3A_28] : memref<10000x128xf32, #tpu.memory_space<hbm>> -> memref<200x128xf32, #tpu.memory_space<hbm>>
          tpu.enqueue_dma source(%dma_start3A_29 : memref<200x128xf32, #tpu.memory_space<hbm>>) target(%dma_start3A_27 : memref<200x128xf32, #tpu.memory_space<vmem_shared>>) target_semaphore(%run_scoped3A : memref<!tpu.dma_semaphore, #tpu.memory_space<semaphore_mem>>)
          %dma_wait3A = arith.constant 0 : i32
          %dma_wait3A_30 = tpu.memref_slice %arg9[%mul3A_26, %dma_wait3A] : memref<10000x128xf32, #tpu.memory_space<vmem_shared>> -> memref<200x128xf32, #tpu.memory_space<vmem_shared>>
          %dma_wait3A_31 = arith.constant 0 : i32
          %dma_wait3A_32 = tpu.memref_slice %arg5[%mul3A_26, %dma_wait3A_31] : memref<10000x128xf32, #tpu.memory_space<hbm>> -> memref<200x128xf32, #tpu.memory_space<hbm>>
          tpu.wait_dma2 semaphore(%run_scoped3A : memref<!tpu.dma_semaphore, #tpu.memory_space<semaphore_mem>>) src(%dma_wait3A_32 : memref<200x128xf32, #tpu.memory_space<hbm>>) dst(%dma_wait3A_30 : memref<200x128xf32, #tpu.memory_space<vmem_shared>>)
          tpu.yield
        }) : () -> ()
      } else {
      }
    }
    %scan3A_4 = arith.constant 4 : i32
    %barrier3A = arith.constant 0 : index
    tpu.barrier barrier_id(%barrier3A)
    %eq3A = arith.constant 0 : i32
    %eq3A_5 = arith.cmpi eq, %arg0, %eq3A : i32
    %convert_element_type3A = arith.extui %eq3A_5 : i1 to i32
    %cond3A = arith.constant 0 : i32
    %cond3A_6 = arith.cmpi ne, %convert_element_type3A, %cond3A : i32
    scf.if %cond3A_6 {
      %scan3A_19 = arith.constant 0 : i32
      %scan3A_20 = arith.constant 0 : i32
      %scan3A_21 = arith.constant 50 : i32
      %scan3A_22 = arith.addi %scan3A_20, %scan3A_21 : i32
      %scan3A_23 = arith.constant 1 : i32
      scf.for %scan3A_25 = %scan3A_20 to %scan3A_22 step %scan3A_23  : i32 {
        %mul3A = arith.constant 10000 : i32
        %mul3A_26 = arith.muli %arg1, %mul3A : i32
        %mul3A_27 = arith.constant 200 : i32
        %mul3A_28 = arith.muli %scan3A_25, %mul3A_27 : i32
        %add3A = arith.addi %mul3A_26, %mul3A_28 : i32
        "tpu.region"() ({
          %run_scoped3A = tpu.sem_alloc : memref<!tpu.dma_semaphore, #tpu.memory_space<semaphore_mem>>
          %dma_start3A = tpu.memref_slice %arg4[%add3A] : memref<160000xi32, #tpu.memory_space<hbm>> -> memref<200xi32, #tpu.memory_space<hbm>>
          %dma_start3A_29 = tpu.memref_slice %arg4[%add3A] : memref<160000xi32, #tpu.memory_space<hbm>> -> memref<200xi32, #tpu.memory_space<hbm>>
          tpu.enqueue_dma source(%dma_start3A_29 : memref<200xi32, #tpu.memory_space<hbm>>) target(%arg7 : memref<200xi32, #tpu.memory_space<vmem>>) target_semaphore(%run_scoped3A : memref<!tpu.dma_semaphore, #tpu.memory_space<semaphore_mem>>)
          %dma_wait3A = tpu.memref_slice %arg4[%add3A] : memref<160000xi32, #tpu.memory_space<hbm>> -> memref<200xi32, #tpu.memory_space<hbm>>
          %dma_wait3A_30 = tpu.memref_slice %arg4[%add3A] : memref<160000xi32, #tpu.memory_space<hbm>> -> memref<200xi32, #tpu.memory_space<hbm>>
          tpu.wait_dma2 semaphore(%run_scoped3A : memref<!tpu.dma_semaphore, #tpu.memory_space<semaphore_mem>>) src(%dma_wait3A_30 : memref<200xi32, #tpu.memory_space<hbm>>) dst(%arg7 : memref<200xi32, #tpu.memory_space<vmem>>)
          tpu.yield
        }) : () -> ()
        "tpu.region"() ({
          %run_scoped3A = tpu.sem_alloc : memref<!tpu.dma_semaphore, #tpu.memory_space<semaphore_mem>>
          %dma_start3A = arith.constant 0 : i32
          %dma_start3A_29 = tpu.memref_slice %arg2[%add3A, %dma_start3A] : memref<160000x128xf32, #tpu.memory_space<hbm>> -> memref<200x128xf32, #tpu.memory_space<hbm>>
          %dma_start3A_30 = arith.constant 0 : i32
          %dma_start3A_31 = tpu.memref_slice %arg2[%add3A, %dma_start3A_30] : memref<160000x128xf32, #tpu.memory_space<hbm>> -> memref<200x128xf32, #tpu.memory_space<hbm>>
          tpu.enqueue_dma source(%dma_start3A_31 : memref<200x128xf32, #tpu.memory_space<hbm>>) target(%arg8 : memref<200x128xf32, #tpu.memory_space<vmem>>) target_semaphore(%run_scoped3A : memref<!tpu.dma_semaphore, #tpu.memory_space<semaphore_mem>>)
          %dma_wait3A = arith.constant 0 : i32
          %dma_wait3A_32 = tpu.memref_slice %arg2[%add3A, %dma_wait3A] : memref<160000x128xf32, #tpu.memory_space<hbm>> -> memref<200x128xf32, #tpu.memory_space<hbm>>
          %dma_wait3A_33 = arith.constant 0 : i32
          %dma_wait3A_34 = tpu.memref_slice %arg2[%add3A, %dma_wait3A_33] : memref<160000x128xf32, #tpu.memory_space<hbm>> -> memref<200x128xf32, #tpu.memory_space<hbm>>
          tpu.wait_dma2 semaphore(%run_scoped3A : memref<!tpu.dma_semaphore, #tpu.memory_space<semaphore_mem>>) src(%dma_wait3A_34 : memref<200x128xf32, #tpu.memory_space<hbm>>) dst(%arg8 : memref<200x128xf32, #tpu.memory_space<vmem>>)
          tpu.yield
        }) : () -> ()
        "tpu.region"() ({
          %run_scoped3A = tpu.sem_alloc : memref<!tpu.dma_semaphore, #tpu.memory_space<semaphore_mem>>
          %dma_start3A = arith.constant 0 : i32
          %dma_start3A_29 = arith.constant 0 : i32
          %dma_start3A_30 = tpu.memref_slice %arg9[%dma_start3A, %dma_start3A_29] : memref<10000x128xf32, #tpu.memory_space<vmem_shared>> -> memref<10000x128xf32, #tpu.memory_space<vmem_shared>>
          tpu.enqueue_indirect_dma source(%arg8 : memref<200x128xf32, #tpu.memory_space<vmem>>) target(%dma_start3A_30 : memref<10000x128xf32, #tpu.memory_space<vmem_shared>>) offsets(%arg7 : memref<200xi32, #tpu.memory_space<vmem>>) semaphore(%run_scoped3A : memref<!tpu.dma_semaphore, #tpu.memory_space<semaphore_mem>>) {add = true}
          %dma_wait3A = arith.constant 0 : i32
          %dma_wait3A_31 = arith.constant 0 : i32
          %dma_wait3A_32 = tpu.memref_slice %arg9[%dma_wait3A, %dma_wait3A_31] : memref<10000x128xf32, #tpu.memory_space<vmem_shared>> -> memref<10000x128xf32, #tpu.memory_space<vmem_shared>>
          tpu.wait_indirect_dma semaphore(%run_scoped3A : memref<!tpu.dma_semaphore, #tpu.memory_space<semaphore_mem>>) src(%arg8 : memref<200x128xf32, #tpu.memory_space<vmem>>) dst(%dma_wait3A_32 : memref<10000x128xf32, #tpu.memory_space<vmem_shared>>)
          tpu.yield
        }) : () -> ()
      }
      %scan3A_24 = arith.constant 50 : i32
    } else {
    }
    %eq3A_7 = arith.constant 1 : i32
    %eq3A_8 = arith.cmpi eq, %arg0, %eq3A_7 : i32
    %convert_element_type3A_9 = arith.extui %eq3A_8 : i1 to i32
    %cond3A_10 = arith.constant 0 : i32
    %cond3A_11 = arith.cmpi ne, %convert_element_type3A_9, %cond3A_10 : i32
    scf.if %cond3A_11 {
      %scan3A_19 = arith.constant 0 : i32
      %scan3A_20 = arith.constant 0 : i32
      %scan3A_21 = arith.constant 50 : i32
      %scan3A_22 = arith.addi %scan3A_20, %scan3A_21 : i32
      %scan3A_23 = arith.constant 1 : i32
      scf.for %scan3A_25 = %scan3A_20 to %scan3A_22 step %scan3A_23  : i32 {
        %mul3A = arith.constant 10000 : i32
        %mul3A_26 = arith.muli %arg1, %mul3A : i32
        %mul3A_27 = arith.constant 200 : i32
        %mul3A_28 = arith.muli %scan3A_25, %mul3A_27 : i32
        %add3A = arith.addi %mul3A_26, %mul3A_28 : i32
        "tpu.region"() ({
          %run_scoped3A = tpu.sem_alloc : memref<!tpu.dma_semaphore, #tpu.memory_space<semaphore_mem>>
          %dma_start3A = tpu.memref_slice %arg4[%add3A] : memref<160000xi32, #tpu.memory_space<hbm>> -> memref<200xi32, #tpu.memory_space<hbm>>
          %dma_start3A_29 = tpu.memref_slice %arg4[%add3A] : memref<160000xi32, #tpu.memory_space<hbm>> -> memref<200xi32, #tpu.memory_space<hbm>>
          tpu.enqueue_dma source(%dma_start3A_29 : memref<200xi32, #tpu.memory_space<hbm>>) target(%arg7 : memref<200xi32, #tpu.memory_space<vmem>>) target_semaphore(%run_scoped3A : memref<!tpu.dma_semaphore, #tpu.memory_space<semaphore_mem>>)
          %dma_wait3A = tpu.memref_slice %arg4[%add3A] : memref<160000xi32, #tpu.memory_space<hbm>> -> memref<200xi32, #tpu.memory_space<hbm>>
          %dma_wait3A_30 = tpu.memref_slice %arg4[%add3A] : memref<160000xi32, #tpu.memory_space<hbm>> -> memref<200xi32, #tpu.memory_space<hbm>>
          tpu.wait_dma2 semaphore(%run_scoped3A : memref<!tpu.dma_semaphore, #tpu.memory_space<semaphore_mem>>) src(%dma_wait3A_30 : memref<200xi32, #tpu.memory_space<hbm>>) dst(%arg7 : memref<200xi32, #tpu.memory_space<vmem>>)
          tpu.yield
        }) : () -> ()
        "tpu.region"() ({
          %run_scoped3A = tpu.sem_alloc : memref<!tpu.dma_semaphore, #tpu.memory_space<semaphore_mem>>
          %dma_start3A = arith.constant 0 : i32
          %dma_start3A_29 = tpu.memref_slice %arg3[%add3A, %dma_start3A] : memref<160000x128xf32, #tpu.memory_space<hbm>> -> memref<200x128xf32, #tpu.memory_space<hbm>>
          %dma_start3A_30 = arith.constant 0 : i32
          %dma_start3A_31 = tpu.memref_slice %arg3[%add3A, %dma_start3A_30] : memref<160000x128xf32, #tpu.memory_space<hbm>> -> memref<200x128xf32, #tpu.memory_space<hbm>>
          tpu.enqueue_dma source(%dma_start3A_31 : memref<200x128xf32, #tpu.memory_space<hbm>>) target(%arg8 : memref<200x128xf32, #tpu.memory_space<vmem>>) target_semaphore(%run_scoped3A : memref<!tpu.dma_semaphore, #tpu.memory_space<semaphore_mem>>)
          %dma_wait3A = arith.constant 0 : i32
          %dma_wait3A_32 = tpu.memref_slice %arg3[%add3A, %dma_wait3A] : memref<160000x128xf32, #tpu.memory_space<hbm>> -> memref<200x128xf32, #tpu.memory_space<hbm>>
          %dma_wait3A_33 = arith.constant 0 : i32
          %dma_wait3A_34 = tpu.memref_slice %arg3[%add3A, %dma_wait3A_33] : memref<160000x128xf32, #tpu.memory_space<hbm>> -> memref<200x128xf32, #tpu.memory_space<hbm>>
          tpu.wait_dma2 semaphore(%run_scoped3A : memref<!tpu.dma_semaphore, #tpu.memory_space<semaphore_mem>>) src(%dma_wait3A_34 : memref<200x128xf32, #tpu.memory_space<hbm>>) dst(%arg8 : memref<200x128xf32, #tpu.memory_space<vmem>>)
          tpu.yield
        }) : () -> ()
        "tpu.region"() ({
          %run_scoped3A = tpu.sem_alloc : memref<!tpu.dma_semaphore, #tpu.memory_space<semaphore_mem>>
          %dma_start3A = arith.constant 0 : i32
          %dma_start3A_29 = arith.constant 0 : i32
          %dma_start3A_30 = tpu.memref_slice %arg9[%dma_start3A, %dma_start3A_29] : memref<10000x128xf32, #tpu.memory_space<vmem_shared>> -> memref<10000x128xf32, #tpu.memory_space<vmem_shared>>
          tpu.enqueue_indirect_dma source(%arg8 : memref<200x128xf32, #tpu.memory_space<vmem>>) target(%dma_start3A_30 : memref<10000x128xf32, #tpu.memory_space<vmem_shared>>) offsets(%arg7 : memref<200xi32, #tpu.memory_space<vmem>>) semaphore(%run_scoped3A : memref<!tpu.dma_semaphore, #tpu.memory_space<semaphore_mem>>) {add = true}
          %dma_wait3A = arith.constant 0 : i32
          %dma_wait3A_31 = arith.constant 0 : i32
          %dma_wait3A_32 = tpu.memref_slice %arg9[%dma_wait3A, %dma_wait3A_31] : memref<10000x128xf32, #tpu.memory_space<vmem_shared>> -> memref<10000x128xf32, #tpu.memory_space<vmem_shared>>
          tpu.wait_indirect_dma semaphore(%run_scoped3A : memref<!tpu.dma_semaphore, #tpu.memory_space<semaphore_mem>>) src(%arg8 : memref<200x128xf32, #tpu.memory_space<vmem>>) dst(%dma_wait3A_32 : memref<10000x128xf32, #tpu.memory_space<vmem_shared>>)
          tpu.yield
        }) : () -> ()
      }
      %scan3A_24 = arith.constant 50 : i32
    } else {
    }
    %barrier3A_12 = arith.constant 0 : index
    tpu.barrier barrier_id(%barrier3A_12)
    %scan3A_13 = arith.constant 0 : i32
    %scan3A_14 = arith.constant 0 : i32
    %scan3A_15 = arith.constant 4 : i32
    %scan3A_16 = arith.addi %scan3A_14, %scan3A_15 : i32
    %scan3A_17 = arith.constant 1 : i32
    scf.for %scan3A_19 = %scan3A_14 to %scan3A_16 step %scan3A_17  : i32 {
      %mul3A = arith.constant 4 : i32
      %mul3A_20 = arith.muli %arg1, %mul3A : i32
      %add3A = arith.addi %mul3A_20, %scan3A_19 : i32
      %lt3A = arith.constant 50 : i32
      %lt3A_21 = arith.cmpi slt, %add3A, %lt3A : i32
      %convert_element_type3A_22 = arith.extui %lt3A_21 : i1 to i32
      %cond3A_23 = arith.constant 0 : i32
      %cond3A_24 = arith.cmpi ne, %convert_element_type3A_22, %cond3A_23 : i32
      scf.if %cond3A_24 {
        %mul3A_25 = arith.constant 200 : i32
        %mul3A_26 = arith.muli %add3A, %mul3A_25 : i32
        "tpu.region"() ({
          %run_scoped3A = tpu.sem_alloc : memref<!tpu.dma_semaphore, #tpu.memory_space<semaphore_mem>>
          %dma_start3A = arith.constant 0 : i32
          %dma_start3A_27 = tpu.memref_slice %arg6[%arg0, %mul3A_26, %dma_start3A] : memref<2x10000x128xf32, #tpu.memory_space<hbm>> -> memref<1x200x128xf32, #tpu.memory_space<hbm>>
          %dma_start3A_28 = tpu.memref_squeeze %dma_start3A_27 : memref<1x200x128xf32, #tpu.memory_space<hbm>> -> memref<200x128xf32, #tpu.memory_space<hbm>>
          %dma_start3A_29 = arith.constant 0 : i32
          %dma_start3A_30 = tpu.memref_slice %arg9[%mul3A_26, %dma_start3A_29] : memref<10000x128xf32, #tpu.memory_space<vmem_shared>> -> memref<200x128xf32, #tpu.memory_space<vmem_shared>>
          tpu.enqueue_dma source(%dma_start3A_30 : memref<200x128xf32, #tpu.memory_space<vmem_shared>>) target(%dma_start3A_28 : memref<200x128xf32, #tpu.memory_space<hbm>>) target_semaphore(%run_scoped3A : memref<!tpu.dma_semaphore, #tpu.memory_space<semaphore_mem>>)
          %dma_wait3A = arith.constant 0 : i32
          %dma_wait3A_31 = tpu.memref_slice %arg6[%arg0, %mul3A_26, %dma_wait3A] : memref<2x10000x128xf32, #tpu.memory_space<hbm>> -> memref<1x200x128xf32, #tpu.memory_space<hbm>>
          %dma_wait3A_32 = tpu.memref_squeeze %dma_wait3A_31 : memref<1x200x128xf32, #tpu.memory_space<hbm>> -> memref<200x128xf32, #tpu.memory_space<hbm>>
          %dma_wait3A_33 = arith.constant 0 : i32
          %dma_wait3A_34 = tpu.memref_slice %arg9[%mul3A_26, %dma_wait3A_33] : memref<10000x128xf32, #tpu.memory_space<vmem_shared>> -> memref<200x128xf32, #tpu.memory_space<vmem_shared>>
          tpu.wait_dma2 semaphore(%run_scoped3A : memref<!tpu.dma_semaphore, #tpu.memory_space<semaphore_mem>>) src(%dma_wait3A_34 : memref<200x128xf32, #tpu.memory_space<vmem_shared>>) dst(%dma_wait3A_32 : memref<200x128xf32, #tpu.memory_space<hbm>>)
          tpu.yield
        }) : () -> ()
      } else {
      }
    }
    %scan3A_18 = arith.constant 4 : i32
    return
  }
}

module attributes {stable_mosaic.version = 14 : i64} {
  func.func @_edge_body(%arg0: i32, %arg1: memref<640x256xf32, #tpu.memory_space<vmem>>, %arg2: memref<640x256xf32, #tpu.memory_space<vmem>>, %arg3: memref<128x256xf32, #tpu.memory_space<vmem>>, %arg4: memref<128x256xf32, #tpu.memory_space<vmem>>, %arg5: memref<1x256xf32, #tpu.memory_space<vmem>>, %arg6: memref<128x256xf32, #tpu.memory_space<vmem>>, %arg7: memref<128x256xf32, #tpu.memory_space<vmem>>, %arg8: memref<1x256xf32, #tpu.memory_space<vmem>>, %arg9: memref<128x256xf32, #tpu.memory_space<vmem>>, %arg10: memref<128x256xf32, #tpu.memory_space<vmem>>, %arg11: memref<1x256xf32, #tpu.memory_space<vmem>>, %arg12: memref<32x32xf32, #tpu.memory_space<vmem>>, %arg13: memref<64x64xf32, #tpu.memory_space<vmem>>, %arg14: memref<64x64xf32, #tpu.memory_space<vmem>>, %arg15: memref<1x64xf32, #tpu.memory_space<vmem>>, %arg16: memref<32x64xf32, #tpu.memory_space<vmem>>, %arg17: memref<1x64xf32, #tpu.memory_space<vmem>>, %arg18: memref<256x128xf32, #tpu.memory_space<vmem>>, %arg19: memref<1x128xf32, #tpu.memory_space<vmem>>, %arg20: memref<64x16xf32, #tpu.memory_space<vmem>>, %arg21: memref<1x16xf32, #tpu.memory_space<vmem>>, %arg22: memref<8x128x128xf32, #tpu.memory_space<vmem>>, %arg23: memref<8x128xf32, #tpu.memory_space<vmem>>, %arg24: memref<128x128xf32, #tpu.memory_space<vmem>>, %arg25: memref<1x128xf32, #tpu.memory_space<vmem>>, %arg26: memref<128x128xf32, #tpu.memory_space<vmem>>, %arg27: memref<1x128xf32, #tpu.memory_space<vmem>>, %arg28: memref<1x128xf32, #tpu.memory_space<vmem>>, %arg29: memref<128x128xf32, #tpu.memory_space<vmem>>, %arg30: memref<1x128xf32, #tpu.memory_space<vmem>>, %arg31: memref<16x16xf32, #tpu.memory_space<vmem>>, %arg32: memref<64x16xf32, #tpu.memory_space<vmem>>, %arg33: memref<1x16xf32, #tpu.memory_space<vmem>>, %arg34: memref<1x64xf32, #tpu.memory_space<vmem>>, %arg35: memref<1x64xf32, #tpu.memory_space<vmem>>, %arg36: memref<1x128xf32, #tpu.memory_space<vmem>>, %arg37: memref<128x16xf32, #tpu.memory_space<vmem>>, %arg38: memref<256x32xf32, #tpu.memory_space<vmem>>, %arg39: memref<16x128xf32, #tpu.memory_space<vmem>>, %arg40: memref<640x128xf32, #tpu.memory_space<vmem>>, %arg41: memref<640x128xf32, #tpu.memory_space<vmem>>) attributes {dimension_semantics = [#tpu.dimension_semantics<arbitrary>], iteration_bounds = array<i64: 250>, scalar_prefetch = 0 : i64, scratch_operands = 0 : i64, tpu.core_type = #tpu.core_type<tc>, window_params = [{transform_indices = @transform_0, window_bounds = array<i64: 640, 256>}, {transform_indices = @transform_1, window_bounds = array<i64: 640, 256>}, {pipeline_mode = #tpu.pipeline_mode<synchronous>, transform_indices = @transform_2, window_bounds = array<i64: 128, 256>}, {pipeline_mode = #tpu.pipeline_mode<synchronous>, transform_indices = @transform_3, window_bounds = array<i64: 128, 256>}, {pipeline_mode = #tpu.pipeline_mode<synchronous>, transform_indices = @transform_4, window_bounds = array<i64: 1, 256>}, {pipeline_mode = #tpu.pipeline_mode<synchronous>, transform_indices = @transform_5, window_bounds = array<i64: 128, 256>}, {pipeline_mode = #tpu.pipeline_mode<synchronous>, transform_indices = @transform_6, window_bounds = array<i64: 128, 256>}, {pipeline_mode = #tpu.pipeline_mode<synchronous>, transform_indices = @transform_7, window_bounds = array<i64: 1, 256>}, {pipeline_mode = #tpu.pipeline_mode<synchronous>, transform_indices = @transform_8, window_bounds = array<i64: 128, 256>}, {pipeline_mode = #tpu.pipeline_mode<synchronous>, transform_indices = @transform_9, window_bounds = array<i64: 128, 256>}, {pipeline_mode = #tpu.pipeline_mode<synchronous>, transform_indices = @transform_10, window_bounds = array<i64: 1, 256>}, {pipeline_mode = #tpu.pipeline_mode<synchronous>, transform_indices = @transform_11, window_bounds = array<i64: 32, 32>}, {pipeline_mode = #tpu.pipeline_mode<synchronous>, transform_indices = @transform_12, window_bounds = array<i64: 64, 64>}, {pipeline_mode = #tpu.pipeline_mode<synchronous>, transform_indices = @transform_13, window_bounds = array<i64: 64, 64>}, {pipeline_mode = #tpu.pipeline_mode<synchronous>, transform_indices = @transform_14, window_bounds = array<i64: 1, 64>}, {pipeline_mode = #tpu.pipeline_mode<synchronous>, transform_indices = @transform_15, window_bounds = array<i64: 32, 64>}, {pipeline_mode = #tpu.pipeline_mode<synchronous>, transform_indices = @transform_16, window_bounds = array<i64: 1, 64>}, {pipeline_mode = #tpu.pipeline_mode<synchronous>, transform_indices = @transform_17, window_bounds = array<i64: 256, 128>}, {pipeline_mode = #tpu.pipeline_mode<synchronous>, transform_indices = @transform_18, window_bounds = array<i64: 1, 128>}, {pipeline_mode = #tpu.pipeline_mode<synchronous>, transform_indices = @transform_19, window_bounds = array<i64: 64, 16>}, {pipeline_mode = #tpu.pipeline_mode<synchronous>, transform_indices = @transform_20, window_bounds = array<i64: 1, 16>}, {pipeline_mode = #tpu.pipeline_mode<synchronous>, transform_indices = @transform_21, window_bounds = array<i64: 8, 128, 128>}, {pipeline_mode = #tpu.pipeline_mode<synchronous>, transform_indices = @transform_22, window_bounds = array<i64: 8, 128>}, {pipeline_mode = #tpu.pipeline_mode<synchronous>, transform_indices = @transform_23, window_bounds = array<i64: 128, 128>}, {pipeline_mode = #tpu.pipeline_mode<synchronous>, transform_indices = @transform_24, window_bounds = array<i64: 1, 128>}, {pipeline_mode = #tpu.pipeline_mode<synchronous>, transform_indices = @transform_25, window_bounds = array<i64: 128, 128>}, {pipeline_mode = #tpu.pipeline_mode<synchronous>, transform_indices = @transform_26, window_bounds = array<i64: 1, 128>}, {pipeline_mode = #tpu.pipeline_mode<synchronous>, transform_indices = @transform_27, window_bounds = array<i64: 1, 128>}, {pipeline_mode = #tpu.pipeline_mode<synchronous>, transform_indices = @transform_28, window_bounds = array<i64: 128, 128>}, {pipeline_mode = #tpu.pipeline_mode<synchronous>, transform_indices = @transform_29, window_bounds = array<i64: 1, 128>}, {pipeline_mode = #tpu.pipeline_mode<synchronous>, transform_indices = @transform_30, window_bounds = array<i64: 16, 16>}, {pipeline_mode = #tpu.pipeline_mode<synchronous>, transform_indices = @transform_31, window_bounds = array<i64: 64, 16>}, {pipeline_mode = #tpu.pipeline_mode<synchronous>, transform_indices = @transform_32, window_bounds = array<i64: 1, 16>}, {pipeline_mode = #tpu.pipeline_mode<synchronous>, transform_indices = @transform_33, window_bounds = array<i64: 1, 64>}, {pipeline_mode = #tpu.pipeline_mode<synchronous>, transform_indices = @transform_34, window_bounds = array<i64: 1, 64>}, {pipeline_mode = #tpu.pipeline_mode<synchronous>, transform_indices = @transform_35, window_bounds = array<i64: 1, 128>}, {pipeline_mode = #tpu.pipeline_mode<synchronous>, transform_indices = @transform_36, window_bounds = array<i64: 128, 16>}, {pipeline_mode = #tpu.pipeline_mode<synchronous>, transform_indices = @transform_37, window_bounds = array<i64: 256, 32>}, {pipeline_mode = #tpu.pipeline_mode<synchronous>, transform_indices = @transform_38, window_bounds = array<i64: 16, 128>}, {transform_indices = @transform_39, window_bounds = array<i64: 640, 128>}, {transform_indices = @transform_40, window_bounds = array<i64: 640, 128>}]} {
    %get3A = arith.constant 0 : index
    %get3A_0 = arith.constant 0 : index
    %get3A_1 = vector.load %arg3[%get3A, %get3A_0] : memref<128x256xf32, #tpu.memory_space<vmem>>, vector<128x256xf32>
    %get3A_2 = arith.constant 0 : index
    %get3A_3 = arith.constant 0 : index
    %get3A_4 = vector.load %arg4[%get3A_2, %get3A_3] : memref<128x256xf32, #tpu.memory_space<vmem>>, vector<128x256xf32>
    %get3A_5 = arith.constant 0 : index
    %get3A_6 = arith.constant 0 : index
    %get3A_7 = vector.load %arg5[%get3A_5, %get3A_6] : memref<1x256xf32, #tpu.memory_space<vmem>>, vector<1x256xf32>
    %get3A_8 = arith.constant 0 : index
    %get3A_9 = arith.constant 0 : index
    %get3A_10 = vector.load %arg6[%get3A_8, %get3A_9] : memref<128x256xf32, #tpu.memory_space<vmem>>, vector<128x256xf32>
    %get3A_11 = arith.constant 0 : index
    %get3A_12 = arith.constant 0 : index
    %get3A_13 = vector.load %arg7[%get3A_11, %get3A_12] : memref<128x256xf32, #tpu.memory_space<vmem>>, vector<128x256xf32>
    %get3A_14 = arith.constant 0 : index
    %get3A_15 = arith.constant 0 : index
    %get3A_16 = vector.load %arg8[%get3A_14, %get3A_15] : memref<1x256xf32, #tpu.memory_space<vmem>>, vector<1x256xf32>
    %get3A_17 = arith.constant 0 : index
    %get3A_18 = arith.constant 0 : index
    %get3A_19 = vector.load %arg9[%get3A_17, %get3A_18] : memref<128x256xf32, #tpu.memory_space<vmem>>, vector<128x256xf32>
    %get3A_20 = arith.constant 0 : index
    %get3A_21 = arith.constant 0 : index
    %get3A_22 = vector.load %arg10[%get3A_20, %get3A_21] : memref<128x256xf32, #tpu.memory_space<vmem>>, vector<128x256xf32>
    %get3A_23 = arith.constant 0 : index
    %get3A_24 = arith.constant 0 : index
    %get3A_25 = vector.load %arg11[%get3A_23, %get3A_24] : memref<1x256xf32, #tpu.memory_space<vmem>>, vector<1x256xf32>
    %get3A_26 = arith.constant 0 : index
    %get3A_27 = arith.constant 0 : index
    %get3A_28 = vector.load %arg12[%get3A_26, %get3A_27] : memref<32x32xf32, #tpu.memory_space<vmem>>, vector<32x32xf32>
    %get3A_29 = arith.constant 0 : index
    %get3A_30 = arith.constant 0 : index
    %get3A_31 = vector.load %arg13[%get3A_29, %get3A_30] : memref<64x64xf32, #tpu.memory_space<vmem>>, vector<64x64xf32>
    %get3A_32 = arith.constant 0 : index
    %get3A_33 = arith.constant 0 : index
    %get3A_34 = vector.load %arg14[%get3A_32, %get3A_33] : memref<64x64xf32, #tpu.memory_space<vmem>>, vector<64x64xf32>
    %get3A_35 = arith.constant 0 : index
    %get3A_36 = arith.constant 0 : index
    %get3A_37 = vector.load %arg15[%get3A_35, %get3A_36] : memref<1x64xf32, #tpu.memory_space<vmem>>, vector<1x64xf32>
    %get3A_38 = arith.constant 0 : index
    %get3A_39 = arith.constant 0 : index
    %get3A_40 = vector.load %arg16[%get3A_38, %get3A_39] : memref<32x64xf32, #tpu.memory_space<vmem>>, vector<32x64xf32>
    %get3A_41 = arith.constant 0 : index
    %get3A_42 = arith.constant 0 : index
    %get3A_43 = vector.load %arg17[%get3A_41, %get3A_42] : memref<1x64xf32, #tpu.memory_space<vmem>>, vector<1x64xf32>
    %get3A_44 = arith.constant 0 : index
    %get3A_45 = arith.constant 0 : index
    %get3A_46 = vector.load %arg18[%get3A_44, %get3A_45] : memref<256x128xf32, #tpu.memory_space<vmem>>, vector<256x128xf32>
    %get3A_47 = arith.constant 0 : index
    %get3A_48 = arith.constant 0 : index
    %get3A_49 = vector.load %arg19[%get3A_47, %get3A_48] : memref<1x128xf32, #tpu.memory_space<vmem>>, vector<1x128xf32>
    %get3A_50 = arith.constant 0 : index
    %get3A_51 = arith.constant 0 : index
    %get3A_52 = vector.load %arg20[%get3A_50, %get3A_51] : memref<64x16xf32, #tpu.memory_space<vmem>>, vector<64x16xf32>
    %get3A_53 = arith.constant 0 : index
    %get3A_54 = arith.constant 0 : index
    %get3A_55 = vector.load %arg21[%get3A_53, %get3A_54] : memref<1x16xf32, #tpu.memory_space<vmem>>, vector<1x16xf32>
    %get3A_56 = arith.constant 0 : index
    %get3A_57 = arith.constant 0 : index
    %get3A_58 = arith.constant 0 : index
    %get3A_59 = vector.load %arg22[%get3A_56, %get3A_57, %get3A_58] : memref<8x128x128xf32, #tpu.memory_space<vmem>>, vector<8x128x128xf32>
    %get3A_60 = arith.constant 0 : index
    %get3A_61 = arith.constant 0 : index
    %get3A_62 = vector.load %arg23[%get3A_60, %get3A_61] : memref<8x128xf32, #tpu.memory_space<vmem>>, vector<8x128xf32>
    %get3A_63 = arith.constant 0 : index
    %get3A_64 = arith.constant 0 : index
    %get3A_65 = vector.load %arg24[%get3A_63, %get3A_64] : memref<128x128xf32, #tpu.memory_space<vmem>>, vector<128x128xf32>
    %get3A_66 = arith.constant 0 : index
    %get3A_67 = arith.constant 0 : index
    %get3A_68 = vector.load %arg25[%get3A_66, %get3A_67] : memref<1x128xf32, #tpu.memory_space<vmem>>, vector<1x128xf32>
    %get3A_69 = arith.constant 0 : index
    %get3A_70 = arith.constant 0 : index
    %get3A_71 = vector.load %arg26[%get3A_69, %get3A_70] : memref<128x128xf32, #tpu.memory_space<vmem>>, vector<128x128xf32>
    %get3A_72 = arith.constant 0 : index
    %get3A_73 = arith.constant 0 : index
    %get3A_74 = vector.load %arg27[%get3A_72, %get3A_73] : memref<1x128xf32, #tpu.memory_space<vmem>>, vector<1x128xf32>
    %get3A_75 = arith.constant 0 : index
    %get3A_76 = arith.constant 0 : index
    %get3A_77 = vector.load %arg28[%get3A_75, %get3A_76] : memref<1x128xf32, #tpu.memory_space<vmem>>, vector<1x128xf32>
    %get3A_78 = arith.constant 0 : index
    %get3A_79 = arith.constant 0 : index
    %get3A_80 = vector.load %arg29[%get3A_78, %get3A_79] : memref<128x128xf32, #tpu.memory_space<vmem>>, vector<128x128xf32>
    %get3A_81 = arith.constant 0 : index
    %get3A_82 = arith.constant 0 : index
    %get3A_83 = vector.load %arg30[%get3A_81, %get3A_82] : memref<1x128xf32, #tpu.memory_space<vmem>>, vector<1x128xf32>
    %get3A_84 = arith.constant 0 : index
    %get3A_85 = arith.constant 0 : index
    %get3A_86 = vector.load %arg31[%get3A_84, %get3A_85] : memref<16x16xf32, #tpu.memory_space<vmem>>, vector<16x16xf32>
    %get3A_87 = arith.constant 0 : index
    %get3A_88 = arith.constant 0 : index
    %get3A_89 = vector.load %arg32[%get3A_87, %get3A_88] : memref<64x16xf32, #tpu.memory_space<vmem>>, vector<64x16xf32>
    %get3A_90 = arith.constant 0 : index
    %get3A_91 = arith.constant 0 : index
    %get3A_92 = vector.load %arg33[%get3A_90, %get3A_91] : memref<1x16xf32, #tpu.memory_space<vmem>>, vector<1x16xf32>
    %get3A_93 = arith.constant 0 : index
    %get3A_94 = arith.constant 0 : index
    %get3A_95 = vector.load %arg34[%get3A_93, %get3A_94] : memref<1x64xf32, #tpu.memory_space<vmem>>, vector<1x64xf32>
    %get3A_96 = arith.constant 0 : index
    %get3A_97 = arith.constant 0 : index
    %get3A_98 = vector.load %arg35[%get3A_96, %get3A_97] : memref<1x64xf32, #tpu.memory_space<vmem>>, vector<1x64xf32>
    %get3A_99 = arith.constant 0 : index
    %get3A_100 = arith.constant 0 : index
    %get3A_101 = vector.load %arg36[%get3A_99, %get3A_100] : memref<1x128xf32, #tpu.memory_space<vmem>>, vector<1x128xf32>
    %get3A_102 = arith.constant 0 : index
    %get3A_103 = arith.constant 0 : index
    %get3A_104 = vector.load %arg37[%get3A_102, %get3A_103] : memref<128x16xf32, #tpu.memory_space<vmem>>, vector<128x16xf32>
    %get3A_105 = arith.constant 0 : index
    %get3A_106 = arith.constant 0 : index
    %get3A_107 = vector.load %arg38[%get3A_105, %get3A_106] : memref<256x32xf32, #tpu.memory_space<vmem>>, vector<256x32xf32>
    %get3A_108 = arith.constant 0 : index
    %get3A_109 = arith.constant 0 : index
    %get3A_110 = vector.load %arg39[%get3A_108, %get3A_109] : memref<16x128xf32, #tpu.memory_space<vmem>>, vector<16x128xf32>
    %get3A_111 = arith.constant 0 : index
    %get3A_112 = arith.constant 0 : index
    %get3A_113 = vector.load %arg1[%get3A_111, %get3A_112] : memref<640x256xf32, #tpu.memory_space<vmem>>, vector<640x256xf32>
    %get3A_114 = arith.constant 0 : index
    %get3A_115 = arith.constant 0 : index
    %get3A_116 = vector.load %arg2[%get3A_114, %get3A_115] : memref<640x256xf32, #tpu.memory_space<vmem>>, vector<640x256xf32>
    %slice3A = vector.extract_strided_slice %get3A_116 {offsets = [0, 64], sizes = [640, 1], strides = [1, 1]} : vector<640x256xf32> to vector<640x1xf32>
    %slice3A_117 = vector.extract_strided_slice %get3A_113 {offsets = [0, 64], sizes = [640, 1], strides = [1, 1]} : vector<640x256xf32> to vector<640x1xf32>
    %sub3A = arith.subf %slice3A, %slice3A_117 : vector<640x1xf32>
    %slice3A_118 = vector.extract_strided_slice %get3A_113 {offsets = [0, 0], sizes = [640, 64], strides = [1, 1]} : vector<640x256xf32> to vector<640x64xf32>
    %slice3A_119 = vector.extract_strided_slice %get3A_116 {offsets = [0, 0], sizes = [640, 64], strides = [1, 1]} : vector<640x256xf32> to vector<640x64xf32>
    %slice3A_120 = vector.extract_strided_slice %get3A_113 {offsets = [0, 128], sizes = [640, 128], strides = [1, 1]} : vector<640x256xf32> to vector<640x128xf32>
    %slice3A_121 = vector.extract_strided_slice %get3A_116 {offsets = [0, 128], sizes = [640, 128], strides = [1, 1]} : vector<640x256xf32> to vector<640x128xf32>
    %dot_general3A = arith.constant dense<0.000000e+00> : vector<640x256xf32>
    %dot_general3A_122 = tpu.matmul %slice3A_120, %get3A_1, %dot_general3A {dimension_numbers = #tpu.dot_dimension_numbers<[1], [0], [0], [1], [0, 0, 1, 1], [], []>, transpose_lhs_hint = false} : vector<640x128xf32>, vector<128x256xf32>, vector<640x256xf32> -> vector<640x256xf32>
    %dot_general3A_123 = arith.constant dense<0.000000e+00> : vector<640x256xf32>
    %dot_general3A_124 = tpu.matmul %slice3A_121, %get3A_4, %dot_general3A_123 {dimension_numbers = #tpu.dot_dimension_numbers<[1], [0], [0], [1], [0, 0, 1, 1], [], []>, transpose_lhs_hint = false} : vector<640x128xf32>, vector<128x256xf32>, vector<640x256xf32> -> vector<640x256xf32>
    %add3A = arith.addf %dot_general3A_122, %dot_general3A_124 : vector<640x256xf32>
    %add3A_125 = vector.broadcast %get3A_7 : vector<1x256xf32> to vector<640x256xf32>
    %add3A_126 = arith.addf %add3A, %add3A_125 : vector<640x256xf32>
    %dot_general3A_127 = arith.constant dense<0.000000e+00> : vector<640x256xf32>
    %dot_general3A_128 = tpu.matmul %slice3A_120, %get3A_10, %dot_general3A_127 {dimension_numbers = #tpu.dot_dimension_numbers<[1], [0], [0], [1], [0, 0, 1, 1], [], []>, transpose_lhs_hint = false} : vector<640x128xf32>, vector<128x256xf32>, vector<640x256xf32> -> vector<640x256xf32>
    %dot_general3A_129 = arith.constant dense<0.000000e+00> : vector<640x256xf32>
    %dot_general3A_130 = tpu.matmul %slice3A_121, %get3A_13, %dot_general3A_129 {dimension_numbers = #tpu.dot_dimension_numbers<[1], [0], [0], [1], [0, 0, 1, 1], [], []>, transpose_lhs_hint = false} : vector<640x128xf32>, vector<128x256xf32>, vector<640x256xf32> -> vector<640x256xf32>
    %add3A_131 = arith.addf %dot_general3A_128, %dot_general3A_130 : vector<640x256xf32>
    %add3A_132 = vector.broadcast %get3A_16 : vector<1x256xf32> to vector<640x256xf32>
    %add3A_133 = arith.addf %add3A_131, %add3A_132 : vector<640x256xf32>
    %mul3A = arith.mulf %add3A_126, %add3A_133 : vector<640x256xf32>
    %dot_general3A_134 = arith.constant dense<0.000000e+00> : vector<640x32xf32>
    %dot_general3A_135 = tpu.matmul %mul3A, %get3A_107, %dot_general3A_134 {dimension_numbers = #tpu.dot_dimension_numbers<[1], [0], [0], [1], [0, 0, 1, 1], [], []>, transpose_lhs_hint = false} : vector<640x256xf32>, vector<256x32xf32>, vector<640x32xf32> -> vector<640x32xf32>
    %dot_general3A_136 = arith.constant dense<0.000000e+00> : vector<640x32xf32>
    %dot_general3A_137 = tpu.matmul %dot_general3A_135, %get3A_28, %dot_general3A_136 {dimension_numbers = #tpu.dot_dimension_numbers<[1], [0], [0], [1], [0, 0, 1, 1], [], []>, transpose_lhs_hint = false} : vector<640x32xf32>, vector<32x32xf32>, vector<640x32xf32> -> vector<640x32xf32>
    %dot_general3A_138 = arith.constant dense<0.000000e+00> : vector<640x64xf32>
    %dot_general3A_139 = tpu.matmul %slice3A_118, %get3A_31, %dot_general3A_138 {dimension_numbers = #tpu.dot_dimension_numbers<[1], [0], [0], [1], [0, 0, 1, 1], [], []>, transpose_lhs_hint = false} : vector<640x64xf32>, vector<64x64xf32>, vector<640x64xf32> -> vector<640x64xf32>
    %dot_general3A_140 = arith.constant dense<0.000000e+00> : vector<640x64xf32>
    %dot_general3A_141 = tpu.matmul %slice3A_119, %get3A_34, %dot_general3A_140 {dimension_numbers = #tpu.dot_dimension_numbers<[1], [0], [0], [1], [0, 0, 1, 1], [], []>, transpose_lhs_hint = false} : vector<640x64xf32>, vector<64x64xf32>, vector<640x64xf32> -> vector<640x64xf32>
    %add3A_142 = arith.addf %dot_general3A_139, %dot_general3A_141 : vector<640x64xf32>
    %dot_general3A_143 = arith.constant dense<0.000000e+00> : vector<640x64xf32>
    %dot_general3A_144 = tpu.matmul %dot_general3A_137, %get3A_40, %dot_general3A_143 {dimension_numbers = #tpu.dot_dimension_numbers<[1], [0], [0], [1], [0, 0, 1, 1], [], []>, transpose_lhs_hint = false} : vector<640x32xf32>, vector<32x64xf32>, vector<640x64xf32> -> vector<640x64xf32>
    %add3A_145 = arith.addf %add3A_142, %dot_general3A_144 : vector<640x64xf32>
    %add3A_146 = vector.broadcast %get3A_43 : vector<1x64xf32> to vector<640x64xf32>
    %add3A_147 = arith.addf %add3A_145, %add3A_146 : vector<640x64xf32>
    %mul3A_148 = vector.broadcast %sub3A : vector<640x1xf32> to vector<640x64xf32>
    %mul3A_149 = vector.broadcast %get3A_37 : vector<1x64xf32> to vector<640x64xf32>
    %mul3A_150 = arith.mulf %mul3A_148, %mul3A_149 : vector<640x64xf32>
    %add3A_151 = arith.addf %add3A_147, %mul3A_150 : vector<640x64xf32>
    %dot_general3A_152 = arith.constant dense<0.000000e+00> : vector<640x256xf32>
    %dot_general3A_153 = tpu.matmul %slice3A_120, %get3A_19, %dot_general3A_152 {dimension_numbers = #tpu.dot_dimension_numbers<[1], [0], [0], [1], [0, 0, 1, 1], [], []>, transpose_lhs_hint = false} : vector<640x128xf32>, vector<128x256xf32>, vector<640x256xf32> -> vector<640x256xf32>
    %dot_general3A_154 = arith.constant dense<0.000000e+00> : vector<640x256xf32>
    %dot_general3A_155 = tpu.matmul %slice3A_121, %get3A_22, %dot_general3A_154 {dimension_numbers = #tpu.dot_dimension_numbers<[1], [0], [0], [1], [0, 0, 1, 1], [], []>, transpose_lhs_hint = false} : vector<640x128xf32>, vector<128x256xf32>, vector<640x256xf32> -> vector<640x256xf32>
    %add3A_156 = arith.addf %dot_general3A_153, %dot_general3A_155 : vector<640x256xf32>
    %add3A_157 = vector.broadcast %get3A_25 : vector<1x256xf32> to vector<640x256xf32>
    %add3A_158 = arith.addf %add3A_156, %add3A_157 : vector<640x256xf32>
    %dot_general3A_159 = arith.constant dense<0.000000e+00> : vector<640x128xf32>
    %dot_general3A_160 = tpu.matmul %add3A_158, %get3A_46, %dot_general3A_159 {dimension_numbers = #tpu.dot_dimension_numbers<[1], [0], [0], [1], [0, 0, 1, 1], [], []>, transpose_lhs_hint = false} : vector<640x256xf32>, vector<256x128xf32>, vector<640x128xf32> -> vector<640x128xf32>
    %add3A_161 = vector.broadcast %get3A_49 : vector<1x128xf32> to vector<640x128xf32>
    %add3A_162 = arith.addf %dot_general3A_160, %add3A_161 : vector<640x128xf32>
    %logistic3A = arith.negf %add3A_151 : vector<640x64xf32>
    %logistic3A_163 = math.exp %logistic3A : vector<640x64xf32>
    %logistic3A_164 = arith.constant 1.000000e+00 : f32
    %logistic3A_165 = vector.broadcast %logistic3A_164 : f32 to vector<640x64xf32>
    %logistic3A_166 = arith.addf %logistic3A_165, %logistic3A_163 : vector<640x64xf32>
    %logistic3A_167 = arith.divf %logistic3A_165, %logistic3A_166 : vector<640x64xf32>
    %dot_general3A_168 = arith.constant dense<0.000000e+00> : vector<640x16xf32>
    %dot_general3A_169 = tpu.matmul %logistic3A_167, %get3A_52, %dot_general3A_168 {dimension_numbers = #tpu.dot_dimension_numbers<[1], [0], [0], [1], [0, 0, 1, 1], [], []>, transpose_lhs_hint = false} : vector<640x64xf32>, vector<64x16xf32>, vector<640x16xf32> -> vector<640x16xf32>
    %add3A_170 = vector.broadcast %get3A_55 : vector<1x16xf32> to vector<640x16xf32>
    %add3A_171 = arith.addf %dot_general3A_169, %add3A_170 : vector<640x16xf32>
    %logistic3A_172 = arith.negf %add3A_171 : vector<640x16xf32>
    %logistic3A_173 = math.exp %logistic3A_172 : vector<640x16xf32>
    %logistic3A_174 = arith.constant 1.000000e+00 : f32
    %logistic3A_175 = vector.broadcast %logistic3A_174 : f32 to vector<640x16xf32>
    %logistic3A_176 = arith.addf %logistic3A_175, %logistic3A_173 : vector<640x16xf32>
    %logistic3A_177 = arith.divf %logistic3A_175, %logistic3A_176 : vector<640x16xf32>
    %dot_general3A_178 = arith.constant dense<0.000000e+00> : vector<640x128xf32>
    %dot_general3A_179 = tpu.matmul %logistic3A_177, %get3A_110, %dot_general3A_178 {dimension_numbers = #tpu.dot_dimension_numbers<[1], [0], [0], [1], [0, 0, 1, 1], [], []>, transpose_lhs_hint = false} : vector<640x16xf32>, vector<16x128xf32>, vector<640x128xf32> -> vector<640x128xf32>
    %mul3A_180 = arith.mulf %add3A_162, %dot_general3A_179 : vector<640x128xf32>
    %max3A = arith.constant 0.000000e+00 : f32
    %max3A_181 = vector.broadcast %max3A : f32 to vector<640x64xf32>
    %max3A_182 = arith.maximumf %add3A_151, %max3A_181 : vector<640x64xf32>
    %dot_general3A_183 = arith.constant dense<0.000000e+00> : vector<640x128xf32>
    %dot_general3A_184 = tpu.matmul %mul3A_180, %get3A_65, %dot_general3A_183 {dimension_numbers = #tpu.dot_dimension_numbers<[1], [0], [0], [1], [0, 0, 1, 1], [], []>, transpose_lhs_hint = false} : vector<640x128xf32>, vector<128x128xf32>, vector<640x128xf32> -> vector<640x128xf32>
    %add3A_185 = vector.broadcast %get3A_68 : vector<1x128xf32> to vector<640x128xf32>
    %add3A_186 = arith.addf %dot_general3A_184, %add3A_185 : vector<640x128xf32>
    %slice3A_187 = vector.extract_strided_slice %get3A_59 {offsets = [0, 0, 0], sizes = [1, 128, 128], strides = [1, 1, 1]} : vector<8x128x128xf32> to vector<1x128x128xf32>
    %squeeze3A = vector.shape_cast %slice3A_187 : vector<1x128x128xf32> to vector<128x128xf32>
    %dot_general3A_188 = arith.constant dense<0.000000e+00> : vector<640x128xf32>
    %dot_general3A_189 = tpu.matmul %mul3A_180, %squeeze3A, %dot_general3A_188 {dimension_numbers = #tpu.dot_dimension_numbers<[1], [0], [0], [1], [0, 0, 1, 1], [], []>, transpose_lhs_hint = false} : vector<640x128xf32>, vector<128x128xf32>, vector<640x128xf32> -> vector<640x128xf32>
    %slice3A_190 = vector.extract_strided_slice %get3A_62 {offsets = [0, 0], sizes = [1, 128], strides = [1, 1]} : vector<8x128xf32> to vector<1x128xf32>
    %squeeze3A_191 = vector.shape_cast %slice3A_190 : vector<1x128xf32> to vector<128xf32>
    %broadcast_in_dim3A = vector.shape_cast %squeeze3A_191 : vector<128xf32> to vector<1x128xf32>
    %add3A_192 = vector.broadcast %broadcast_in_dim3A : vector<1x128xf32> to vector<640x128xf32>
    %add3A_193 = arith.addf %dot_general3A_189, %add3A_192 : vector<640x128xf32>
    %slice3A_194 = vector.extract_strided_slice %add3A_186 {offsets = [0, 0], sizes = [640, 16], strides = [1, 1]} : vector<640x128xf32> to vector<640x16xf32>
    %dot_general3A_195 = arith.constant dense<0.000000e+00> : vector<640x128xf32>
    %dot_general3A_196 = tpu.matmul %slice3A_194, %get3A_110, %dot_general3A_195 {dimension_numbers = #tpu.dot_dimension_numbers<[1], [0], [0], [1], [0, 0, 1, 1], [], []>, transpose_lhs_hint = false} : vector<640x16xf32>, vector<16x128xf32>, vector<640x128xf32> -> vector<640x128xf32>
    %mul3A_197 = arith.mulf %add3A_193, %dot_general3A_196 : vector<640x128xf32>
    %slice3A_198 = vector.extract_strided_slice %get3A_59 {offsets = [1, 0, 0], sizes = [1, 128, 128], strides = [1, 1, 1]} : vector<8x128x128xf32> to vector<1x128x128xf32>
    %squeeze3A_199 = vector.shape_cast %slice3A_198 : vector<1x128x128xf32> to vector<128x128xf32>
    %dot_general3A_200 = arith.constant dense<0.000000e+00> : vector<640x128xf32>
    %dot_general3A_201 = tpu.matmul %mul3A_180, %squeeze3A_199, %dot_general3A_200 {dimension_numbers = #tpu.dot_dimension_numbers<[1], [0], [0], [1], [0, 0, 1, 1], [], []>, transpose_lhs_hint = false} : vector<640x128xf32>, vector<128x128xf32>, vector<640x128xf32> -> vector<640x128xf32>
    %slice3A_202 = vector.extract_strided_slice %get3A_62 {offsets = [1, 0], sizes = [1, 128], strides = [1, 1]} : vector<8x128xf32> to vector<1x128xf32>
    %squeeze3A_203 = vector.shape_cast %slice3A_202 : vector<1x128xf32> to vector<128xf32>
    %broadcast_in_dim3A_204 = vector.shape_cast %squeeze3A_203 : vector<128xf32> to vector<1x128xf32>
    %add3A_205 = vector.broadcast %broadcast_in_dim3A_204 : vector<1x128xf32> to vector<640x128xf32>
    %add3A_206 = arith.addf %dot_general3A_201, %add3A_205 : vector<640x128xf32>
    %slice3A_207 = vector.extract_strided_slice %add3A_186 {offsets = [0, 16], sizes = [640, 16], strides = [1, 1]} : vector<640x128xf32> to vector<640x16xf32>
    %dot_general3A_208 = arith.constant dense<0.000000e+00> : vector<640x128xf32>
    %dot_general3A_209 = tpu.matmul %slice3A_207, %get3A_110, %dot_general3A_208 {dimension_numbers = #tpu.dot_dimension_numbers<[1], [0], [0], [1], [0, 0, 1, 1], [], []>, transpose_lhs_hint = false} : vector<640x16xf32>, vector<16x128xf32>, vector<640x128xf32> -> vector<640x128xf32>
    %mul3A_210 = arith.mulf %add3A_206, %dot_general3A_209 : vector<640x128xf32>
    %add3A_211 = arith.addf %mul3A_197, %mul3A_210 : vector<640x128xf32>
    %slice3A_212 = vector.extract_strided_slice %get3A_59 {offsets = [2, 0, 0], sizes = [1, 128, 128], strides = [1, 1, 1]} : vector<8x128x128xf32> to vector<1x128x128xf32>
    %squeeze3A_213 = vector.shape_cast %slice3A_212 : vector<1x128x128xf32> to vector<128x128xf32>
    %dot_general3A_214 = arith.constant dense<0.000000e+00> : vector<640x128xf32>
    %dot_general3A_215 = tpu.matmul %mul3A_180, %squeeze3A_213, %dot_general3A_214 {dimension_numbers = #tpu.dot_dimension_numbers<[1], [0], [0], [1], [0, 0, 1, 1], [], []>, transpose_lhs_hint = false} : vector<640x128xf32>, vector<128x128xf32>, vector<640x128xf32> -> vector<640x128xf32>
    %slice3A_216 = vector.extract_strided_slice %get3A_62 {offsets = [2, 0], sizes = [1, 128], strides = [1, 1]} : vector<8x128xf32> to vector<1x128xf32>
    %squeeze3A_217 = vector.shape_cast %slice3A_216 : vector<1x128xf32> to vector<128xf32>
    %broadcast_in_dim3A_218 = vector.shape_cast %squeeze3A_217 : vector<128xf32> to vector<1x128xf32>
    %add3A_219 = vector.broadcast %broadcast_in_dim3A_218 : vector<1x128xf32> to vector<640x128xf32>
    %add3A_220 = arith.addf %dot_general3A_215, %add3A_219 : vector<640x128xf32>
    %slice3A_221 = vector.extract_strided_slice %add3A_186 {offsets = [0, 32], sizes = [640, 16], strides = [1, 1]} : vector<640x128xf32> to vector<640x16xf32>
    %dot_general3A_222 = arith.constant dense<0.000000e+00> : vector<640x128xf32>
    %dot_general3A_223 = tpu.matmul %slice3A_221, %get3A_110, %dot_general3A_222 {dimension_numbers = #tpu.dot_dimension_numbers<[1], [0], [0], [1], [0, 0, 1, 1], [], []>, transpose_lhs_hint = false} : vector<640x16xf32>, vector<16x128xf32>, vector<640x128xf32> -> vector<640x128xf32>
    %mul3A_224 = arith.mulf %add3A_220, %dot_general3A_223 : vector<640x128xf32>
    %add3A_225 = arith.addf %add3A_211, %mul3A_224 : vector<640x128xf32>
    %slice3A_226 = vector.extract_strided_slice %get3A_59 {offsets = [3, 0, 0], sizes = [1, 128, 128], strides = [1, 1, 1]} : vector<8x128x128xf32> to vector<1x128x128xf32>
    %squeeze3A_227 = vector.shape_cast %slice3A_226 : vector<1x128x128xf32> to vector<128x128xf32>
    %dot_general3A_228 = arith.constant dense<0.000000e+00> : vector<640x128xf32>
    %dot_general3A_229 = tpu.matmul %mul3A_180, %squeeze3A_227, %dot_general3A_228 {dimension_numbers = #tpu.dot_dimension_numbers<[1], [0], [0], [1], [0, 0, 1, 1], [], []>, transpose_lhs_hint = false} : vector<640x128xf32>, vector<128x128xf32>, vector<640x128xf32> -> vector<640x128xf32>
    %slice3A_230 = vector.extract_strided_slice %get3A_62 {offsets = [3, 0], sizes = [1, 128], strides = [1, 1]} : vector<8x128xf32> to vector<1x128xf32>
    %squeeze3A_231 = vector.shape_cast %slice3A_230 : vector<1x128xf32> to vector<128xf32>
    %broadcast_in_dim3A_232 = vector.shape_cast %squeeze3A_231 : vector<128xf32> to vector<1x128xf32>
    %add3A_233 = vector.broadcast %broadcast_in_dim3A_232 : vector<1x128xf32> to vector<640x128xf32>
    %add3A_234 = arith.addf %dot_general3A_229, %add3A_233 : vector<640x128xf32>
    %slice3A_235 = vector.extract_strided_slice %add3A_186 {offsets = [0, 48], sizes = [640, 16], strides = [1, 1]} : vector<640x128xf32> to vector<640x16xf32>
    %dot_general3A_236 = arith.constant dense<0.000000e+00> : vector<640x128xf32>
    %dot_general3A_237 = tpu.matmul %slice3A_235, %get3A_110, %dot_general3A_236 {dimension_numbers = #tpu.dot_dimension_numbers<[1], [0], [0], [1], [0, 0, 1, 1], [], []>, transpose_lhs_hint = false} : vector<640x16xf32>, vector<16x128xf32>, vector<640x128xf32> -> vector<640x128xf32>
    %mul3A_238 = arith.mulf %add3A_234, %dot_general3A_237 : vector<640x128xf32>
    %add3A_239 = arith.addf %add3A_225, %mul3A_238 : vector<640x128xf32>
    %slice3A_240 = vector.extract_strided_slice %get3A_59 {offsets = [4, 0, 0], sizes = [1, 128, 128], strides = [1, 1, 1]} : vector<8x128x128xf32> to vector<1x128x128xf32>
    %squeeze3A_241 = vector.shape_cast %slice3A_240 : vector<1x128x128xf32> to vector<128x128xf32>
    %dot_general3A_242 = arith.constant dense<0.000000e+00> : vector<640x128xf32>
    %dot_general3A_243 = tpu.matmul %mul3A_180, %squeeze3A_241, %dot_general3A_242 {dimension_numbers = #tpu.dot_dimension_numbers<[1], [0], [0], [1], [0, 0, 1, 1], [], []>, transpose_lhs_hint = false} : vector<640x128xf32>, vector<128x128xf32>, vector<640x128xf32> -> vector<640x128xf32>
    %slice3A_244 = vector.extract_strided_slice %get3A_62 {offsets = [4, 0], sizes = [1, 128], strides = [1, 1]} : vector<8x128xf32> to vector<1x128xf32>
    %squeeze3A_245 = vector.shape_cast %slice3A_244 : vector<1x128xf32> to vector<128xf32>
    %broadcast_in_dim3A_246 = vector.shape_cast %squeeze3A_245 : vector<128xf32> to vector<1x128xf32>
    %add3A_247 = vector.broadcast %broadcast_in_dim3A_246 : vector<1x128xf32> to vector<640x128xf32>
    %add3A_248 = arith.addf %dot_general3A_243, %add3A_247 : vector<640x128xf32>
    %slice3A_249 = vector.extract_strided_slice %add3A_186 {offsets = [0, 64], sizes = [640, 16], strides = [1, 1]} : vector<640x128xf32> to vector<640x16xf32>
    %dot_general3A_250 = arith.constant dense<0.000000e+00> : vector<640x128xf32>
    %dot_general3A_251 = tpu.matmul %slice3A_249, %get3A_110, %dot_general3A_250 {dimension_numbers = #tpu.dot_dimension_numbers<[1], [0], [0], [1], [0, 0, 1, 1], [], []>, transpose_lhs_hint = false} : vector<640x16xf32>, vector<16x128xf32>, vector<640x128xf32> -> vector<640x128xf32>
    %mul3A_252 = arith.mulf %add3A_248, %dot_general3A_251 : vector<640x128xf32>
    %add3A_253 = arith.addf %add3A_239, %mul3A_252 : vector<640x128xf32>
    %slice3A_254 = vector.extract_strided_slice %get3A_59 {offsets = [5, 0, 0], sizes = [1, 128, 128], strides = [1, 1, 1]} : vector<8x128x128xf32> to vector<1x128x128xf32>
    %squeeze3A_255 = vector.shape_cast %slice3A_254 : vector<1x128x128xf32> to vector<128x128xf32>
    %dot_general3A_256 = arith.constant dense<0.000000e+00> : vector<640x128xf32>
    %dot_general3A_257 = tpu.matmul %mul3A_180, %squeeze3A_255, %dot_general3A_256 {dimension_numbers = #tpu.dot_dimension_numbers<[1], [0], [0], [1], [0, 0, 1, 1], [], []>, transpose_lhs_hint = false} : vector<640x128xf32>, vector<128x128xf32>, vector<640x128xf32> -> vector<640x128xf32>
    %slice3A_258 = vector.extract_strided_slice %get3A_62 {offsets = [5, 0], sizes = [1, 128], strides = [1, 1]} : vector<8x128xf32> to vector<1x128xf32>
    %squeeze3A_259 = vector.shape_cast %slice3A_258 : vector<1x128xf32> to vector<128xf32>
    %broadcast_in_dim3A_260 = vector.shape_cast %squeeze3A_259 : vector<128xf32> to vector<1x128xf32>
    %add3A_261 = vector.broadcast %broadcast_in_dim3A_260 : vector<1x128xf32> to vector<640x128xf32>
    %add3A_262 = arith.addf %dot_general3A_257, %add3A_261 : vector<640x128xf32>
    %slice3A_263 = vector.extract_strided_slice %add3A_186 {offsets = [0, 80], sizes = [640, 16], strides = [1, 1]} : vector<640x128xf32> to vector<640x16xf32>
    %dot_general3A_264 = arith.constant dense<0.000000e+00> : vector<640x128xf32>
    %dot_general3A_265 = tpu.matmul %slice3A_263, %get3A_110, %dot_general3A_264 {dimension_numbers = #tpu.dot_dimension_numbers<[1], [0], [0], [1], [0, 0, 1, 1], [], []>, transpose_lhs_hint = false} : vector<640x16xf32>, vector<16x128xf32>, vector<640x128xf32> -> vector<640x128xf32>
    %mul3A_266 = arith.mulf %add3A_262, %dot_general3A_265 : vector<640x128xf32>
    %add3A_267 = arith.addf %add3A_253, %mul3A_266 : vector<640x128xf32>
    %slice3A_268 = vector.extract_strided_slice %get3A_59 {offsets = [6, 0, 0], sizes = [1, 128, 128], strides = [1, 1, 1]} : vector<8x128x128xf32> to vector<1x128x128xf32>
    %squeeze3A_269 = vector.shape_cast %slice3A_268 : vector<1x128x128xf32> to vector<128x128xf32>
    %dot_general3A_270 = arith.constant dense<0.000000e+00> : vector<640x128xf32>
    %dot_general3A_271 = tpu.matmul %mul3A_180, %squeeze3A_269, %dot_general3A_270 {dimension_numbers = #tpu.dot_dimension_numbers<[1], [0], [0], [1], [0, 0, 1, 1], [], []>, transpose_lhs_hint = false} : vector<640x128xf32>, vector<128x128xf32>, vector<640x128xf32> -> vector<640x128xf32>
    %slice3A_272 = vector.extract_strided_slice %get3A_62 {offsets = [6, 0], sizes = [1, 128], strides = [1, 1]} : vector<8x128xf32> to vector<1x128xf32>
    %squeeze3A_273 = vector.shape_cast %slice3A_272 : vector<1x128xf32> to vector<128xf32>
    %broadcast_in_dim3A_274 = vector.shape_cast %squeeze3A_273 : vector<128xf32> to vector<1x128xf32>
    %add3A_275 = vector.broadcast %broadcast_in_dim3A_274 : vector<1x128xf32> to vector<640x128xf32>
    %add3A_276 = arith.addf %dot_general3A_271, %add3A_275 : vector<640x128xf32>
    %slice3A_277 = vector.extract_strided_slice %add3A_186 {offsets = [0, 96], sizes = [640, 16], strides = [1, 1]} : vector<640x128xf32> to vector<640x16xf32>
    %dot_general3A_278 = arith.constant dense<0.000000e+00> : vector<640x128xf32>
    %dot_general3A_279 = tpu.matmul %slice3A_277, %get3A_110, %dot_general3A_278 {dimension_numbers = #tpu.dot_dimension_numbers<[1], [0], [0], [1], [0, 0, 1, 1], [], []>, transpose_lhs_hint = false} : vector<640x16xf32>, vector<16x128xf32>, vector<640x128xf32> -> vector<640x128xf32>
    %mul3A_280 = arith.mulf %add3A_276, %dot_general3A_279 : vector<640x128xf32>
    %add3A_281 = arith.addf %add3A_267, %mul3A_280 : vector<640x128xf32>
    %slice3A_282 = vector.extract_strided_slice %get3A_59 {offsets = [7, 0, 0], sizes = [1, 128, 128], strides = [1, 1, 1]} : vector<8x128x128xf32> to vector<1x128x128xf32>
    %squeeze3A_283 = vector.shape_cast %slice3A_282 : vector<1x128x128xf32> to vector<128x128xf32>
    %dot_general3A_284 = arith.constant dense<0.000000e+00> : vector<640x128xf32>
    %dot_general3A_285 = tpu.matmul %mul3A_180, %squeeze3A_283, %dot_general3A_284 {dimension_numbers = #tpu.dot_dimension_numbers<[1], [0], [0], [1], [0, 0, 1, 1], [], []>, transpose_lhs_hint = false} : vector<640x128xf32>, vector<128x128xf32>, vector<640x128xf32> -> vector<640x128xf32>
    %slice3A_286 = vector.extract_strided_slice %get3A_62 {offsets = [7, 0], sizes = [1, 128], strides = [1, 1]} : vector<8x128xf32> to vector<1x128xf32>
    %squeeze3A_287 = vector.shape_cast %slice3A_286 : vector<1x128xf32> to vector<128xf32>
    %broadcast_in_dim3A_288 = vector.shape_cast %squeeze3A_287 : vector<128xf32> to vector<1x128xf32>
    %add3A_289 = vector.broadcast %broadcast_in_dim3A_288 : vector<1x128xf32> to vector<640x128xf32>
    %add3A_290 = arith.addf %dot_general3A_285, %add3A_289 : vector<640x128xf32>
    %slice3A_291 = vector.extract_strided_slice %add3A_186 {offsets = [0, 112], sizes = [640, 16], strides = [1, 1]} : vector<640x128xf32> to vector<640x16xf32>
    %dot_general3A_292 = arith.constant dense<0.000000e+00> : vector<640x128xf32>
    %dot_general3A_293 = tpu.matmul %slice3A_291, %get3A_110, %dot_general3A_292 {dimension_numbers = #tpu.dot_dimension_numbers<[1], [0], [0], [1], [0, 0, 1, 1], [], []>, transpose_lhs_hint = false} : vector<640x16xf32>, vector<16x128xf32>, vector<640x128xf32> -> vector<640x128xf32>
    %mul3A_294 = arith.mulf %add3A_290, %dot_general3A_293 : vector<640x128xf32>
    %add3A_295 = arith.addf %add3A_281, %mul3A_294 : vector<640x128xf32>
    %dot_general3A_296 = arith.constant dense<0.000000e+00> : vector<640x128xf32>
    %dot_general3A_297 = tpu.matmul %add3A_295, %get3A_71, %dot_general3A_296 {dimension_numbers = #tpu.dot_dimension_numbers<[1], [0], [0], [1], [0, 0, 1, 1], [], []>, transpose_lhs_hint = false} : vector<640x128xf32>, vector<128x128xf32>, vector<640x128xf32> -> vector<640x128xf32>
    %add3A_298 = vector.broadcast %get3A_74 : vector<1x128xf32> to vector<640x128xf32>
    %add3A_299 = arith.addf %dot_general3A_297, %add3A_298 : vector<640x128xf32>
    %mul3A_300 = arith.mulf %add3A_299, %add3A_299 : vector<640x128xf32>
    %dot_general3A_301 = arith.constant dense<0.000000e+00> : vector<640x16xf32>
    %dot_general3A_302 = tpu.matmul %mul3A_300, %get3A_104, %dot_general3A_301 {dimension_numbers = #tpu.dot_dimension_numbers<[1], [0], [0], [1], [0, 0, 1, 1], [], []>, transpose_lhs_hint = false} : vector<640x128xf32>, vector<128x16xf32>, vector<640x16xf32> -> vector<640x16xf32>
    %sqrt3A = math.sqrt %dot_general3A_302 : vector<640x16xf32>
    %mul3A_303 = vector.broadcast %get3A_77 : vector<1x128xf32> to vector<640x128xf32>
    %mul3A_304 = arith.mulf %mul3A_303, %add3A_299 : vector<640x128xf32>
    %reduce_sum3A = arith.constant dense<0.000000e+00> : vector<640xf32>
    %reduce_sum3A_305 = vector.multi_reduction <add>, %sqrt3A, %reduce_sum3A [1] : vector<640x16xf32> to vector<640xf32>
    %broadcast_in_dim3A_306 = vector.shape_cast %reduce_sum3A_305 : vector<640xf32> to vector<640x1xf32>
    %div3A = arith.constant 1.600000e+01 : f32
    %div3A_307 = vector.broadcast %div3A : f32 to vector<640x1xf32>
    %div3A_308 = arith.divf %broadcast_in_dim3A_306, %div3A_307 : vector<640x1xf32>
    %add3A_309 = arith.constant 9.99999997E-7 : f32
    %add3A_310 = vector.broadcast %add3A_309 : f32 to vector<640x1xf32>
    %add3A_311 = arith.addf %div3A_308, %add3A_310 : vector<640x1xf32>
    %div3A_312 = vector.broadcast %add3A_311 : vector<640x1xf32> to vector<640x128xf32>
    %div3A_313 = arith.divf %mul3A_304, %div3A_312 : vector<640x128xf32>
    %add3A_314 = arith.addf %div3A_313, %mul3A_180 : vector<640x128xf32>
    %slice3A_315 = vector.extract_strided_slice %add3A_314 {offsets = [0, 0], sizes = [640, 16], strides = [1, 1]} : vector<640x128xf32> to vector<640x16xf32>
    %integer_pow3A = arith.mulf %slice3A_315, %slice3A_315 : vector<640x16xf32>
    %integer_pow3A_316 = arith.mulf %slice3A_315, %integer_pow3A : vector<640x16xf32>
    %mul3A_317 = arith.constant 4.471500e-02 : f32
    %mul3A_318 = vector.broadcast %mul3A_317 : f32 to vector<640x16xf32>
    %mul3A_319 = arith.mulf %mul3A_318, %integer_pow3A_316 : vector<640x16xf32>
    %add3A_320 = arith.addf %slice3A_315, %mul3A_319 : vector<640x16xf32>
    %mul3A_321 = arith.constant 2.000000e+00 : f32
    %mul3A_322 = vector.broadcast %mul3A_321 : f32 to vector<640x16xf32>
    %mul3A_323 = arith.mulf %mul3A_322, %add3A_320 : vector<640x16xf32>
    %mul3A_324 = arith.constant 0.797884583 : f32
    %mul3A_325 = vector.broadcast %mul3A_324 : f32 to vector<640x16xf32>
    %mul3A_326 = arith.mulf %mul3A_325, %mul3A_323 : vector<640x16xf32>
    %logistic3A_327 = arith.negf %mul3A_326 : vector<640x16xf32>
    %logistic3A_328 = math.exp %logistic3A_327 : vector<640x16xf32>
    %logistic3A_329 = arith.constant 1.000000e+00 : f32
    %logistic3A_330 = vector.broadcast %logistic3A_329 : f32 to vector<640x16xf32>
    %logistic3A_331 = arith.addf %logistic3A_330, %logistic3A_328 : vector<640x16xf32>
    %logistic3A_332 = arith.divf %logistic3A_330, %logistic3A_331 : vector<640x16xf32>
    %dot_general3A_333 = arith.constant dense<0.000000e+00> : vector<640x128xf32>
    %dot_general3A_334 = tpu.matmul %logistic3A_332, %get3A_110, %dot_general3A_333 {dimension_numbers = #tpu.dot_dimension_numbers<[1], [0], [0], [1], [0, 0, 1, 1], [], []>, transpose_lhs_hint = false} : vector<640x16xf32>, vector<16x128xf32>, vector<640x128xf32> -> vector<640x128xf32>
    %mul3A_335 = arith.mulf %add3A_314, %dot_general3A_334 : vector<640x128xf32>
    %dot_general3A_336 = arith.constant dense<0.000000e+00> : vector<640x128xf32>
    %dot_general3A_337 = tpu.matmul %mul3A_335, %get3A_80, %dot_general3A_336 {dimension_numbers = #tpu.dot_dimension_numbers<[1], [0], [0], [1], [0, 0, 1, 1], [], []>, transpose_lhs_hint = false} : vector<640x128xf32>, vector<128x128xf32>, vector<640x128xf32> -> vector<640x128xf32>
    %add3A_338 = vector.broadcast %get3A_83 : vector<1x128xf32> to vector<640x128xf32>
    %add3A_339 = arith.addf %dot_general3A_337, %add3A_338 : vector<640x128xf32>
    %slice3A_340 = vector.extract_strided_slice %add3A_339 {offsets = [0, 0], sizes = [640, 16], strides = [1, 1]} : vector<640x128xf32> to vector<640x16xf32>
    %dot_general3A_341 = arith.constant dense<0.000000e+00> : vector<640x16xf32>
    %dot_general3A_342 = tpu.matmul %slice3A_340, %get3A_86, %dot_general3A_341 {dimension_numbers = #tpu.dot_dimension_numbers<[1], [0], [0], [1], [0, 0, 1, 1], [], []>, transpose_lhs_hint = false} : vector<640x16xf32>, vector<16x16xf32>, vector<640x16xf32> -> vector<640x16xf32>
    %dot_general3A_343 = arith.constant dense<0.000000e+00> : vector<640x16xf32>
    %dot_general3A_344 = tpu.matmul %max3A_182, %get3A_89, %dot_general3A_343 {dimension_numbers = #tpu.dot_dimension_numbers<[1], [0], [0], [1], [0, 0, 1, 1], [], []>, transpose_lhs_hint = false} : vector<640x64xf32>, vector<64x16xf32>, vector<640x16xf32> -> vector<640x16xf32>
    %add3A_345 = arith.addf %dot_general3A_342, %dot_general3A_344 : vector<640x16xf32>
    %add3A_346 = vector.broadcast %get3A_92 : vector<1x16xf32> to vector<640x16xf32>
    %add3A_347 = arith.addf %add3A_345, %add3A_346 : vector<640x16xf32>
    %slice3A_348 = vector.extract_strided_slice %add3A_339 {offsets = [0, 16], sizes = [640, 112], strides = [1, 1]} : vector<640x128xf32> to vector<640x112xf32>
    %concatenate3A = tpu.concatenate %add3A_347, %slice3A_348 in 1 : vector<640x16xf32>, vector<640x112xf32> -> vector<640x128xf32>
    %reduce_sum3A_349 = arith.constant dense<0.000000e+00> : vector<640xf32>
    %reduce_sum3A_350 = vector.multi_reduction <add>, %max3A_182, %reduce_sum3A_349 [1] : vector<640x64xf32> to vector<640xf32>
    %broadcast_in_dim3A_351 = vector.shape_cast %reduce_sum3A_350 : vector<640xf32> to vector<640x1xf32>
    %div3A_352 = arith.constant 6.400000e+01 : f32
    %div3A_353 = vector.broadcast %div3A_352 : f32 to vector<640x1xf32>
    %div3A_354 = arith.divf %broadcast_in_dim3A_351, %div3A_353 : vector<640x1xf32>
    %sub3A_355 = vector.broadcast %div3A_354 : vector<640x1xf32> to vector<640x64xf32>
    %sub3A_356 = arith.subf %max3A_182, %sub3A_355 : vector<640x64xf32>
    %integer_pow3A_357 = arith.mulf %sub3A_356, %sub3A_356 : vector<640x64xf32>
    %reduce_sum3A_358 = arith.constant dense<0.000000e+00> : vector<640xf32>
    %reduce_sum3A_359 = vector.multi_reduction <add>, %integer_pow3A_357, %reduce_sum3A_358 [1] : vector<640x64xf32> to vector<640xf32>
    %broadcast_in_dim3A_360 = vector.shape_cast %reduce_sum3A_359 : vector<640xf32> to vector<640x1xf32>
    %div3A_361 = arith.constant 6.400000e+01 : f32
    %div3A_362 = vector.broadcast %div3A_361 : f32 to vector<640x1xf32>
    %div3A_363 = arith.divf %broadcast_in_dim3A_360, %div3A_362 : vector<640x1xf32>
    %sub3A_364 = vector.broadcast %div3A_354 : vector<640x1xf32> to vector<640x64xf32>
    %sub3A_365 = arith.subf %max3A_182, %sub3A_364 : vector<640x64xf32>
    %add3A_366 = arith.constant 9.99999974E-6 : f32
    %add3A_367 = vector.broadcast %add3A_366 : f32 to vector<640x1xf32>
    %add3A_368 = arith.addf %div3A_363, %add3A_367 : vector<640x1xf32>
    %rsqrt3A = math.rsqrt %add3A_368 : vector<640x1xf32>
    %mul3A_369 = vector.broadcast %rsqrt3A : vector<640x1xf32> to vector<640x64xf32>
    %mul3A_370 = arith.mulf %sub3A_365, %mul3A_369 : vector<640x64xf32>
    %mul3A_371 = vector.broadcast %get3A_95 : vector<1x64xf32> to vector<640x64xf32>
    %mul3A_372 = arith.mulf %mul3A_370, %mul3A_371 : vector<640x64xf32>
    %add3A_373 = vector.broadcast %get3A_98 : vector<1x64xf32> to vector<640x64xf32>
    %add3A_374 = arith.addf %mul3A_372, %add3A_373 : vector<640x64xf32>
    %mul3A_375 = arith.mulf %concatenate3A, %concatenate3A : vector<640x128xf32>
    %dot_general3A_376 = arith.constant dense<0.000000e+00> : vector<640x16xf32>
    %dot_general3A_377 = tpu.matmul %mul3A_375, %get3A_104, %dot_general3A_376 {dimension_numbers = #tpu.dot_dimension_numbers<[1], [0], [0], [1], [0, 0, 1, 1], [], []>, transpose_lhs_hint = false} : vector<640x128xf32>, vector<128x16xf32>, vector<640x16xf32> -> vector<640x16xf32>
    %sqrt3A_378 = math.sqrt %dot_general3A_377 : vector<640x16xf32>
    %mul3A_379 = vector.broadcast %get3A_101 : vector<1x128xf32> to vector<640x128xf32>
    %mul3A_380 = arith.mulf %mul3A_379, %concatenate3A : vector<640x128xf32>
    %reduce_sum3A_381 = arith.constant dense<0.000000e+00> : vector<640xf32>
    %reduce_sum3A_382 = vector.multi_reduction <add>, %sqrt3A_378, %reduce_sum3A_381 [1] : vector<640x16xf32> to vector<640xf32>
    %broadcast_in_dim3A_383 = vector.shape_cast %reduce_sum3A_382 : vector<640xf32> to vector<640x1xf32>
    %div3A_384 = arith.constant 1.600000e+01 : f32
    %div3A_385 = vector.broadcast %div3A_384 : f32 to vector<640x1xf32>
    %div3A_386 = arith.divf %broadcast_in_dim3A_383, %div3A_385 : vector<640x1xf32>
    %add3A_387 = arith.constant 9.99999997E-7 : f32
    %add3A_388 = vector.broadcast %add3A_387 : f32 to vector<640x1xf32>
    %add3A_389 = arith.addf %div3A_386, %add3A_388 : vector<640x1xf32>
    %div3A_390 = vector.broadcast %add3A_389 : vector<640x1xf32> to vector<640x128xf32>
    %div3A_391 = arith.divf %mul3A_380, %div3A_390 : vector<640x128xf32>
    %broadcast_in_dim3A_392 = arith.constant 0.000000e+00 : f32
    %broadcast_in_dim3A_393 = vector.broadcast %broadcast_in_dim3A_392 : f32 to vector<640x64xf32>
    %concatenate3A_394 = tpu.concatenate %add3A_374, %broadcast_in_dim3A_393 in 1 : vector<640x64xf32>, vector<640x64xf32> -> vector<640x128xf32>
    %swap3A = arith.constant 0 : index
    %swap3A_395 = arith.constant 0 : index
    %swap3A_396 = vector.load %arg40[%swap3A, %swap3A_395] : memref<640x128xf32, #tpu.memory_space<vmem>>, vector<640x128xf32>
    tpu.vector_store %arg40[%swap3A, %swap3A_395], %concatenate3A_394 {strides = array<i32>} : memref<640x128xf32, #tpu.memory_space<vmem>>, vector<640x128xf32>,
    %swap3A_397 = arith.constant 0 : index
    %swap3A_398 = arith.constant 0 : index
    %swap3A_399 = vector.load %arg41[%swap3A_397, %swap3A_398] : memref<640x128xf32, #tpu.memory_space<vmem>>, vector<640x128xf32>
    tpu.vector_store %arg41[%swap3A_397, %swap3A_398], %div3A_391 {strides = array<i32>} : memref<640x128xf32, #tpu.memory_space<vmem>>, vector<640x128xf32>,
    return
  }
  func.func @transform_0(%arg0: i32) -> (i32, i32) {
    %c0_i32 = arith.constant 0 : i32
    %c0_i32_0 = arith.constant 0 : i32
    return %arg0, %c0_i32 : i32, i32
  }
  func.func @transform_1(%arg0: i32) -> (i32, i32) {
    %c0_i32 = arith.constant 0 : i32
    %c0_i32_0 = arith.constant 0 : i32
    return %arg0, %c0_i32 : i32, i32
  }
  func.func @transform_2(%arg0: i32) -> (i32, i32) {
    %c0_i32 = arith.constant 0 : i32
    %c0_i32_0 = arith.constant 0 : i32
    %c0_i32_1 = arith.constant 0 : i32
    return %c0_i32, %c0_i32_0 : i32, i32
  }
  func.func @transform_3(%arg0: i32) -> (i32, i32) {
    %c0_i32 = arith.constant 0 : i32
    %c0_i32_0 = arith.constant 0 : i32
    %c0_i32_1 = arith.constant 0 : i32
    return %c0_i32, %c0_i32_0 : i32, i32
  }
  func.func @transform_4(%arg0: i32) -> (i32, i32) {
    %c0_i32 = arith.constant 0 : i32
    %c0_i32_0 = arith.constant 0 : i32
    %c0_i32_1 = arith.constant 0 : i32
    return %c0_i32, %c0_i32_0 : i32, i32
  }
  func.func @transform_5(%arg0: i32) -> (i32, i32) {
    %c0_i32 = arith.constant 0 : i32
    %c0_i32_0 = arith.constant 0 : i32
    %c0_i32_1 = arith.constant 0 : i32
    return %c0_i32, %c0_i32_0 : i32, i32
  }
  func.func @transform_6(%arg0: i32) -> (i32, i32) {
    %c0_i32 = arith.constant 0 : i32
    %c0_i32_0 = arith.constant 0 : i32
    %c0_i32_1 = arith.constant 0 : i32
    return %c0_i32, %c0_i32_0 : i32, i32
  }
  func.func @transform_7(%arg0: i32) -> (i32, i32) {
    %c0_i32 = arith.constant 0 : i32
    %c0_i32_0 = arith.constant 0 : i32
    %c0_i32_1 = arith.constant 0 : i32
    return %c0_i32, %c0_i32_0 : i32, i32
  }
  func.func @transform_8(%arg0: i32) -> (i32, i32) {
    %c0_i32 = arith.constant 0 : i32
    %c0_i32_0 = arith.constant 0 : i32
    %c0_i32_1 = arith.constant 0 : i32
    return %c0_i32, %c0_i32_0 : i32, i32
  }
  func.func @transform_9(%arg0: i32) -> (i32, i32) {
    %c0_i32 = arith.constant 0 : i32
    %c0_i32_0 = arith.constant 0 : i32
    %c0_i32_1 = arith.constant 0 : i32
    return %c0_i32, %c0_i32_0 : i32, i32
  }
  func.func @transform_10(%arg0: i32) -> (i32, i32) {
    %c0_i32 = arith.constant 0 : i32
    %c0_i32_0 = arith.constant 0 : i32
    %c0_i32_1 = arith.constant 0 : i32
    return %c0_i32, %c0_i32_0 : i32, i32
  }
  func.func @transform_11(%arg0: i32) -> (i32, i32) {
    %c0_i32 = arith.constant 0 : i32
    %c0_i32_0 = arith.constant 0 : i32
    %c0_i32_1 = arith.constant 0 : i32
    return %c0_i32, %c0_i32_0 : i32, i32
  }
  func.func @transform_12(%arg0: i32) -> (i32, i32) {
    %c0_i32 = arith.constant 0 : i32
    %c0_i32_0 = arith.constant 0 : i32
    %c0_i32_1 = arith.constant 0 : i32
    return %c0_i32, %c0_i32_0 : i32, i32
  }
  func.func @transform_13(%arg0: i32) -> (i32, i32) {
    %c0_i32 = arith.constant 0 : i32
    %c0_i32_0 = arith.constant 0 : i32
    %c0_i32_1 = arith.constant 0 : i32
    return %c0_i32, %c0_i32_0 : i32, i32
  }
  func.func @transform_14(%arg0: i32) -> (i32, i32) {
    %c0_i32 = arith.constant 0 : i32
    %c0_i32_0 = arith.constant 0 : i32
    %c0_i32_1 = arith.constant 0 : i32
    return %c0_i32, %c0_i32_0 : i32, i32
  }
  func.func @transform_15(%arg0: i32) -> (i32, i32) {
    %c0_i32 = arith.constant 0 : i32
    %c0_i32_0 = arith.constant 0 : i32
    %c0_i32_1 = arith.constant 0 : i32
    return %c0_i32, %c0_i32_0 : i32, i32
  }
  func.func @transform_16(%arg0: i32) -> (i32, i32) {
    %c0_i32 = arith.constant 0 : i32
    %c0_i32_0 = arith.constant 0 : i32
    %c0_i32_1 = arith.constant 0 : i32
    return %c0_i32, %c0_i32_0 : i32, i32
  }
  func.func @transform_17(%arg0: i32) -> (i32, i32) {
    %c0_i32 = arith.constant 0 : i32
    %c0_i32_0 = arith.constant 0 : i32
    %c0_i32_1 = arith.constant 0 : i32
    return %c0_i32, %c0_i32_0 : i32, i32
  }
  func.func @transform_18(%arg0: i32) -> (i32, i32) {
    %c0_i32 = arith.constant 0 : i32
    %c0_i32_0 = arith.constant 0 : i32
    %c0_i32_1 = arith.constant 0 : i32
    return %c0_i32, %c0_i32_0 : i32, i32
  }
  func.func @transform_19(%arg0: i32) -> (i32, i32) {
    %c0_i32 = arith.constant 0 : i32
    %c0_i32_0 = arith.constant 0 : i32
    %c0_i32_1 = arith.constant 0 : i32
    return %c0_i32, %c0_i32_0 : i32, i32
  }
  func.func @transform_20(%arg0: i32) -> (i32, i32) {
    %c0_i32 = arith.constant 0 : i32
    %c0_i32_0 = arith.constant 0 : i32
    %c0_i32_1 = arith.constant 0 : i32
    return %c0_i32, %c0_i32_0 : i32, i32
  }
  func.func @transform_21(%arg0: i32) -> (i32, i32, i32) {
    %c0_i32 = arith.constant 0 : i32
    %c0_i32_0 = arith.constant 0 : i32
    %c0_i32_1 = arith.constant 0 : i32
    %c0_i32_2 = arith.constant 0 : i32
    return %c0_i32, %c0_i32_0, %c0_i32_1 : i32, i32, i32
  }
  func.func @transform_22(%arg0: i32) -> (i32, i32) {
    %c0_i32 = arith.constant 0 : i32
    %c0_i32_0 = arith.constant 0 : i32
    %c0_i32_1 = arith.constant 0 : i32
    return %c0_i32, %c0_i32_0 : i32, i32
  }
  func.func @transform_23(%arg0: i32) -> (i32, i32) {
    %c0_i32 = arith.constant 0 : i32
    %c0_i32_0 = arith.constant 0 : i32
    %c0_i32_1 = arith.constant 0 : i32
    return %c0_i32, %c0_i32_0 : i32, i32
  }
  func.func @transform_24(%arg0: i32) -> (i32, i32) {
    %c0_i32 = arith.constant 0 : i32
    %c0_i32_0 = arith.constant 0 : i32
    %c0_i32_1 = arith.constant 0 : i32
    return %c0_i32, %c0_i32_0 : i32, i32
  }
  func.func @transform_25(%arg0: i32) -> (i32, i32) {
    %c0_i32 = arith.constant 0 : i32
    %c0_i32_0 = arith.constant 0 : i32
    %c0_i32_1 = arith.constant 0 : i32
    return %c0_i32, %c0_i32_0 : i32, i32
  }
  func.func @transform_26(%arg0: i32) -> (i32, i32) {
    %c0_i32 = arith.constant 0 : i32
    %c0_i32_0 = arith.constant 0 : i32
    %c0_i32_1 = arith.constant 0 : i32
    return %c0_i32, %c0_i32_0 : i32, i32
  }
  func.func @transform_27(%arg0: i32) -> (i32, i32) {
    %c0_i32 = arith.constant 0 : i32
    %c0_i32_0 = arith.constant 0 : i32
    %c0_i32_1 = arith.constant 0 : i32
    return %c0_i32, %c0_i32_0 : i32, i32
  }
  func.func @transform_28(%arg0: i32) -> (i32, i32) {
    %c0_i32 = arith.constant 0 : i32
    %c0_i32_0 = arith.constant 0 : i32
    %c0_i32_1 = arith.constant 0 : i32
    return %c0_i32, %c0_i32_0 : i32, i32
  }
  func.func @transform_29(%arg0: i32) -> (i32, i32) {
    %c0_i32 = arith.constant 0 : i32
    %c0_i32_0 = arith.constant 0 : i32
    %c0_i32_1 = arith.constant 0 : i32
    return %c0_i32, %c0_i32_0 : i32, i32
  }
  func.func @transform_30(%arg0: i32) -> (i32, i32) {
    %c0_i32 = arith.constant 0 : i32
    %c0_i32_0 = arith.constant 0 : i32
    %c0_i32_1 = arith.constant 0 : i32
    return %c0_i32, %c0_i32_0 : i32, i32
  }
  func.func @transform_31(%arg0: i32) -> (i32, i32) {
    %c0_i32 = arith.constant 0 : i32
    %c0_i32_0 = arith.constant 0 : i32
    %c0_i32_1 = arith.constant 0 : i32
    return %c0_i32, %c0_i32_0 : i32, i32
  }
  func.func @transform_32(%arg0: i32) -> (i32, i32) {
    %c0_i32 = arith.constant 0 : i32
    %c0_i32_0 = arith.constant 0 : i32
    %c0_i32_1 = arith.constant 0 : i32
    return %c0_i32, %c0_i32_0 : i32, i32
  }
  func.func @transform_33(%arg0: i32) -> (i32, i32) {
    %c0_i32 = arith.constant 0 : i32
    %c0_i32_0 = arith.constant 0 : i32
    %c0_i32_1 = arith.constant 0 : i32
    return %c0_i32, %c0_i32_0 : i32, i32
  }
  func.func @transform_34(%arg0: i32) -> (i32, i32) {
    %c0_i32 = arith.constant 0 : i32
    %c0_i32_0 = arith.constant 0 : i32
    %c0_i32_1 = arith.constant 0 : i32
    return %c0_i32, %c0_i32_0 : i32, i32
  }
  func.func @transform_35(%arg0: i32) -> (i32, i32) {
    %c0_i32 = arith.constant 0 : i32
    %c0_i32_0 = arith.constant 0 : i32
    %c0_i32_1 = arith.constant 0 : i32
    return %c0_i32, %c0_i32_0 : i32, i32
  }
  func.func @transform_36(%arg0: i32) -> (i32, i32) {
    %c0_i32 = arith.constant 0 : i32
    %c0_i32_0 = arith.constant 0 : i32
    %c0_i32_1 = arith.constant 0 : i32
    return %c0_i32, %c0_i32_0 : i32, i32
  }
  func.func @transform_37(%arg0: i32) -> (i32, i32) {
    %c0_i32 = arith.constant 0 : i32
    %c0_i32_0 = arith.constant 0 : i32
    %c0_i32_1 = arith.constant 0 : i32
    return %c0_i32, %c0_i32_0 : i32, i32
  }
  func.func @transform_38(%arg0: i32) -> (i32, i32) {
    %c0_i32 = arith.constant 0 : i32
    %c0_i32_0 = arith.constant 0 : i32
    %c0_i32_1 = arith.constant 0 : i32
    return %c0_i32, %c0_i32_0 : i32, i32
  }
  func.func @transform_39(%arg0: i32) -> (i32, i32) {
    %c0_i32 = arith.constant 0 : i32
    %c0_i32_0 = arith.constant 0 : i32
    return %arg0, %c0_i32 : i32, i32
  }
  func.func @transform_40(%arg0: i32) -> (i32, i32) {
    %c0_i32 = arith.constant 0 : i32
    %c0_i32_0 = arith.constant 0 : i32
    return %arg0, %c0_i32 : i32, i32
  }
}

module attributes {stable_mosaic.version = 14 : i64} {
  func.func @_node_body(%arg0: i32, %arg1: memref<1000x64xf32, #tpu.memory_space<vmem>>, %arg2: memref<1000x128xf32, #tpu.memory_space<vmem>>, %arg3: memref<1000x128xf32, #tpu.memory_space<vmem>>, %arg4: memref<1000x128xf32, #tpu.memory_space<vmem>>, %arg5: memref<1000x128xf32, #tpu.memory_space<vmem>>, %arg6: memref<1000x128xf32, #tpu.memory_space<vmem>>, %arg7: memref<128x256xf32, #tpu.memory_space<vmem>>, %arg8: memref<128x256xf32, #tpu.memory_space<vmem>>, %arg9: memref<1x256xf32, #tpu.memory_space<vmem>>, %arg10: memref<128x256xf32, #tpu.memory_space<vmem>>, %arg11: memref<128x256xf32, #tpu.memory_space<vmem>>, %arg12: memref<1x256xf32, #tpu.memory_space<vmem>>, %arg13: memref<128x256xf32, #tpu.memory_space<vmem>>, %arg14: memref<128x256xf32, #tpu.memory_space<vmem>>, %arg15: memref<1x256xf32, #tpu.memory_space<vmem>>, %arg16: memref<32x32xf32, #tpu.memory_space<vmem>>, %arg17: memref<64x64xf32, #tpu.memory_space<vmem>>, %arg18: memref<64x64xf32, #tpu.memory_space<vmem>>, %arg19: memref<32x64xf32, #tpu.memory_space<vmem>>, %arg20: memref<1x64xf32, #tpu.memory_space<vmem>>, %arg21: memref<256x128xf32, #tpu.memory_space<vmem>>, %arg22: memref<1x128xf32, #tpu.memory_space<vmem>>, %arg23: memref<64x16xf32, #tpu.memory_space<vmem>>, %arg24: memref<1x16xf32, #tpu.memory_space<vmem>>, %arg25: memref<8x128x128xf32, #tpu.memory_space<vmem>>, %arg26: memref<8x128xf32, #tpu.memory_space<vmem>>, %arg27: memref<128x128xf32, #tpu.memory_space<vmem>>, %arg28: memref<1x128xf32, #tpu.memory_space<vmem>>, %arg29: memref<128x128xf32, #tpu.memory_space<vmem>>, %arg30: memref<1x128xf32, #tpu.memory_space<vmem>>, %arg31: memref<1x128xf32, #tpu.memory_space<vmem>>, %arg32: memref<128x128xf32, #tpu.memory_space<vmem>>, %arg33: memref<1x128xf32, #tpu.memory_space<vmem>>, %arg34: memref<16x16xf32, #tpu.memory_space<vmem>>, %arg35: memref<64x16xf32, #tpu.memory_space<vmem>>, %arg36: memref<1x16xf32, #tpu.memory_space<vmem>>, %arg37: memref<1x64xf32, #tpu.memory_space<vmem>>, %arg38: memref<1x64xf32, #tpu.memory_space<vmem>>, %arg39: memref<1x128xf32, #tpu.memory_space<vmem>>, %arg40: memref<128x16xf32, #tpu.memory_space<vmem>>, %arg41: memref<256x32xf32, #tpu.memory_space<vmem>>, %arg42: memref<16x128xf32, #tpu.memory_space<vmem>>, %arg43: memref<1000x64xf32, #tpu.memory_space<vmem>>, %arg44: memref<1000x128xf32, #tpu.memory_space<vmem>>) attributes {dimension_semantics = [#tpu.dimension_semantics<arbitrary>], iteration_bounds = array<i64: 10>, scalar_prefetch = 0 : i64, scratch_operands = 0 : i64, tpu.core_type = #tpu.core_type<tc>, window_params = [{transform_indices = @transform_0, window_bounds = array<i64: 1000, 64>}, {transform_indices = @transform_1, window_bounds = array<i64: 1000, 128>}, {transform_indices = @transform_2, window_bounds = array<i64: 1000, 128>}, {transform_indices = @transform_3, window_bounds = array<i64: 1000, 128>}, {transform_indices = @transform_4, window_bounds = array<i64: 1000, 128>}, {transform_indices = @transform_5, window_bounds = array<i64: 1000, 128>}, {pipeline_mode = #tpu.pipeline_mode<synchronous>, transform_indices = @transform_6, window_bounds = array<i64: 128, 256>}, {pipeline_mode = #tpu.pipeline_mode<synchronous>, transform_indices = @transform_7, window_bounds = array<i64: 128, 256>}, {pipeline_mode = #tpu.pipeline_mode<synchronous>, transform_indices = @transform_8, window_bounds = array<i64: 1, 256>}, {pipeline_mode = #tpu.pipeline_mode<synchronous>, transform_indices = @transform_9, window_bounds = array<i64: 128, 256>}, {pipeline_mode = #tpu.pipeline_mode<synchronous>, transform_indices = @transform_10, window_bounds = array<i64: 128, 256>}, {pipeline_mode = #tpu.pipeline_mode<synchronous>, transform_indices = @transform_11, window_bounds = array<i64: 1, 256>}, {pipeline_mode = #tpu.pipeline_mode<synchronous>, transform_indices = @transform_12, window_bounds = array<i64: 128, 256>}, {pipeline_mode = #tpu.pipeline_mode<synchronous>, transform_indices = @transform_13, window_bounds = array<i64: 128, 256>}, {pipeline_mode = #tpu.pipeline_mode<synchronous>, transform_indices = @transform_14, window_bounds = array<i64: 1, 256>}, {pipeline_mode = #tpu.pipeline_mode<synchronous>, transform_indices = @transform_15, window_bounds = array<i64: 32, 32>}, {pipeline_mode = #tpu.pipeline_mode<synchronous>, transform_indices = @transform_16, window_bounds = array<i64: 64, 64>}, {pipeline_mode = #tpu.pipeline_mode<synchronous>, transform_indices = @transform_17, window_bounds = array<i64: 64, 64>}, {pipeline_mode = #tpu.pipeline_mode<synchronous>, transform_indices = @transform_18, window_bounds = array<i64: 32, 64>}, {pipeline_mode = #tpu.pipeline_mode<synchronous>, transform_indices = @transform_19, window_bounds = array<i64: 1, 64>}, {pipeline_mode = #tpu.pipeline_mode<synchronous>, transform_indices = @transform_20, window_bounds = array<i64: 256, 128>}, {pipeline_mode = #tpu.pipeline_mode<synchronous>, transform_indices = @transform_21, window_bounds = array<i64: 1, 128>}, {pipeline_mode = #tpu.pipeline_mode<synchronous>, transform_indices = @transform_22, window_bounds = array<i64: 64, 16>}, {pipeline_mode = #tpu.pipeline_mode<synchronous>, transform_indices = @transform_23, window_bounds = array<i64: 1, 16>}, {pipeline_mode = #tpu.pipeline_mode<synchronous>, transform_indices = @transform_24, window_bounds = array<i64: 8, 128, 128>}, {pipeline_mode = #tpu.pipeline_mode<synchronous>, transform_indices = @transform_25, window_bounds = array<i64: 8, 128>}, {pipeline_mode = #tpu.pipeline_mode<synchronous>, transform_indices = @transform_26, window_bounds = array<i64: 128, 128>}, {pipeline_mode = #tpu.pipeline_mode<synchronous>, transform_indices = @transform_27, window_bounds = array<i64: 1, 128>}, {pipeline_mode = #tpu.pipeline_mode<synchronous>, transform_indices = @transform_28, window_bounds = array<i64: 128, 128>}, {pipeline_mode = #tpu.pipeline_mode<synchronous>, transform_indices = @transform_29, window_bounds = array<i64: 1, 128>}, {pipeline_mode = #tpu.pipeline_mode<synchronous>, transform_indices = @transform_30, window_bounds = array<i64: 1, 128>}, {pipeline_mode = #tpu.pipeline_mode<synchronous>, transform_indices = @transform_31, window_bounds = array<i64: 128, 128>}, {pipeline_mode = #tpu.pipeline_mode<synchronous>, transform_indices = @transform_32, window_bounds = array<i64: 1, 128>}, {pipeline_mode = #tpu.pipeline_mode<synchronous>, transform_indices = @transform_33, window_bounds = array<i64: 16, 16>}, {pipeline_mode = #tpu.pipeline_mode<synchronous>, transform_indices = @transform_34, window_bounds = array<i64: 64, 16>}, {pipeline_mode = #tpu.pipeline_mode<synchronous>, transform_indices = @transform_35, window_bounds = array<i64: 1, 16>}, {pipeline_mode = #tpu.pipeline_mode<synchronous>, transform_indices = @transform_36, window_bounds = array<i64: 1, 64>}, {pipeline_mode = #tpu.pipeline_mode<synchronous>, transform_indices = @transform_37, window_bounds = array<i64: 1, 64>}, {pipeline_mode = #tpu.pipeline_mode<synchronous>, transform_indices = @transform_38, window_bounds = array<i64: 1, 128>}, {pipeline_mode = #tpu.pipeline_mode<synchronous>, transform_indices = @transform_39, window_bounds = array<i64: 128, 16>}, {pipeline_mode = #tpu.pipeline_mode<synchronous>, transform_indices = @transform_40, window_bounds = array<i64: 256, 32>}, {pipeline_mode = #tpu.pipeline_mode<synchronous>, transform_indices = @transform_41, window_bounds = array<i64: 16, 128>}, {transform_indices = @transform_42, window_bounds = array<i64: 1000, 64>}, {transform_indices = @transform_43, window_bounds = array<i64: 1000, 128>}]} {
    %get3A = arith.constant 0 : index
    %get3A_0 = arith.constant 0 : index
    %get3A_1 = vector.load %arg7[%get3A, %get3A_0] : memref<128x256xf32, #tpu.memory_space<vmem>>, vector<128x256xf32>
    %get3A_2 = arith.constant 0 : index
    %get3A_3 = arith.constant 0 : index
    %get3A_4 = vector.load %arg8[%get3A_2, %get3A_3] : memref<128x256xf32, #tpu.memory_space<vmem>>, vector<128x256xf32>
    %get3A_5 = arith.constant 0 : index
    %get3A_6 = arith.constant 0 : index
    %get3A_7 = vector.load %arg9[%get3A_5, %get3A_6] : memref<1x256xf32, #tpu.memory_space<vmem>>, vector<1x256xf32>
    %get3A_8 = arith.constant 0 : index
    %get3A_9 = arith.constant 0 : index
    %get3A_10 = vector.load %arg10[%get3A_8, %get3A_9] : memref<128x256xf32, #tpu.memory_space<vmem>>, vector<128x256xf32>
    %get3A_11 = arith.constant 0 : index
    %get3A_12 = arith.constant 0 : index
    %get3A_13 = vector.load %arg11[%get3A_11, %get3A_12] : memref<128x256xf32, #tpu.memory_space<vmem>>, vector<128x256xf32>
    %get3A_14 = arith.constant 0 : index
    %get3A_15 = arith.constant 0 : index
    %get3A_16 = vector.load %arg12[%get3A_14, %get3A_15] : memref<1x256xf32, #tpu.memory_space<vmem>>, vector<1x256xf32>
    %get3A_17 = arith.constant 0 : index
    %get3A_18 = arith.constant 0 : index
    %get3A_19 = vector.load %arg13[%get3A_17, %get3A_18] : memref<128x256xf32, #tpu.memory_space<vmem>>, vector<128x256xf32>
    %get3A_20 = arith.constant 0 : index
    %get3A_21 = arith.constant 0 : index
    %get3A_22 = vector.load %arg14[%get3A_20, %get3A_21] : memref<128x256xf32, #tpu.memory_space<vmem>>, vector<128x256xf32>
    %get3A_23 = arith.constant 0 : index
    %get3A_24 = arith.constant 0 : index
    %get3A_25 = vector.load %arg15[%get3A_23, %get3A_24] : memref<1x256xf32, #tpu.memory_space<vmem>>, vector<1x256xf32>
    %get3A_26 = arith.constant 0 : index
    %get3A_27 = arith.constant 0 : index
    %get3A_28 = vector.load %arg16[%get3A_26, %get3A_27] : memref<32x32xf32, #tpu.memory_space<vmem>>, vector<32x32xf32>
    %get3A_29 = arith.constant 0 : index
    %get3A_30 = arith.constant 0 : index
    %get3A_31 = vector.load %arg17[%get3A_29, %get3A_30] : memref<64x64xf32, #tpu.memory_space<vmem>>, vector<64x64xf32>
    %get3A_32 = arith.constant 0 : index
    %get3A_33 = arith.constant 0 : index
    %get3A_34 = vector.load %arg18[%get3A_32, %get3A_33] : memref<64x64xf32, #tpu.memory_space<vmem>>, vector<64x64xf32>
    %get3A_35 = arith.constant 0 : index
    %get3A_36 = arith.constant 0 : index
    %get3A_37 = vector.load %arg19[%get3A_35, %get3A_36] : memref<32x64xf32, #tpu.memory_space<vmem>>, vector<32x64xf32>
    %get3A_38 = arith.constant 0 : index
    %get3A_39 = arith.constant 0 : index
    %get3A_40 = vector.load %arg20[%get3A_38, %get3A_39] : memref<1x64xf32, #tpu.memory_space<vmem>>, vector<1x64xf32>
    %get3A_41 = arith.constant 0 : index
    %get3A_42 = arith.constant 0 : index
    %get3A_43 = vector.load %arg21[%get3A_41, %get3A_42] : memref<256x128xf32, #tpu.memory_space<vmem>>, vector<256x128xf32>
    %get3A_44 = arith.constant 0 : index
    %get3A_45 = arith.constant 0 : index
    %get3A_46 = vector.load %arg22[%get3A_44, %get3A_45] : memref<1x128xf32, #tpu.memory_space<vmem>>, vector<1x128xf32>
    %get3A_47 = arith.constant 0 : index
    %get3A_48 = arith.constant 0 : index
    %get3A_49 = vector.load %arg23[%get3A_47, %get3A_48] : memref<64x16xf32, #tpu.memory_space<vmem>>, vector<64x16xf32>
    %get3A_50 = arith.constant 0 : index
    %get3A_51 = arith.constant 0 : index
    %get3A_52 = vector.load %arg24[%get3A_50, %get3A_51] : memref<1x16xf32, #tpu.memory_space<vmem>>, vector<1x16xf32>
    %get3A_53 = arith.constant 0 : index
    %get3A_54 = arith.constant 0 : index
    %get3A_55 = arith.constant 0 : index
    %get3A_56 = vector.load %arg25[%get3A_53, %get3A_54, %get3A_55] : memref<8x128x128xf32, #tpu.memory_space<vmem>>, vector<8x128x128xf32>
    %get3A_57 = arith.constant 0 : index
    %get3A_58 = arith.constant 0 : index
    %get3A_59 = vector.load %arg26[%get3A_57, %get3A_58] : memref<8x128xf32, #tpu.memory_space<vmem>>, vector<8x128xf32>
    %get3A_60 = arith.constant 0 : index
    %get3A_61 = arith.constant 0 : index
    %get3A_62 = vector.load %arg27[%get3A_60, %get3A_61] : memref<128x128xf32, #tpu.memory_space<vmem>>, vector<128x128xf32>
    %get3A_63 = arith.constant 0 : index
    %get3A_64 = arith.constant 0 : index
    %get3A_65 = vector.load %arg28[%get3A_63, %get3A_64] : memref<1x128xf32, #tpu.memory_space<vmem>>, vector<1x128xf32>
    %get3A_66 = arith.constant 0 : index
    %get3A_67 = arith.constant 0 : index
    %get3A_68 = vector.load %arg29[%get3A_66, %get3A_67] : memref<128x128xf32, #tpu.memory_space<vmem>>, vector<128x128xf32>
    %get3A_69 = arith.constant 0 : index
    %get3A_70 = arith.constant 0 : index
    %get3A_71 = vector.load %arg30[%get3A_69, %get3A_70] : memref<1x128xf32, #tpu.memory_space<vmem>>, vector<1x128xf32>
    %get3A_72 = arith.constant 0 : index
    %get3A_73 = arith.constant 0 : index
    %get3A_74 = vector.load %arg31[%get3A_72, %get3A_73] : memref<1x128xf32, #tpu.memory_space<vmem>>, vector<1x128xf32>
    %get3A_75 = arith.constant 0 : index
    %get3A_76 = arith.constant 0 : index
    %get3A_77 = vector.load %arg32[%get3A_75, %get3A_76] : memref<128x128xf32, #tpu.memory_space<vmem>>, vector<128x128xf32>
    %get3A_78 = arith.constant 0 : index
    %get3A_79 = arith.constant 0 : index
    %get3A_80 = vector.load %arg33[%get3A_78, %get3A_79] : memref<1x128xf32, #tpu.memory_space<vmem>>, vector<1x128xf32>
    %get3A_81 = arith.constant 0 : index
    %get3A_82 = arith.constant 0 : index
    %get3A_83 = vector.load %arg34[%get3A_81, %get3A_82] : memref<16x16xf32, #tpu.memory_space<vmem>>, vector<16x16xf32>
    %get3A_84 = arith.constant 0 : index
    %get3A_85 = arith.constant 0 : index
    %get3A_86 = vector.load %arg35[%get3A_84, %get3A_85] : memref<64x16xf32, #tpu.memory_space<vmem>>, vector<64x16xf32>
    %get3A_87 = arith.constant 0 : index
    %get3A_88 = arith.constant 0 : index
    %get3A_89 = vector.load %arg36[%get3A_87, %get3A_88] : memref<1x16xf32, #tpu.memory_space<vmem>>, vector<1x16xf32>
    %get3A_90 = arith.constant 0 : index
    %get3A_91 = arith.constant 0 : index
    %get3A_92 = vector.load %arg37[%get3A_90, %get3A_91] : memref<1x64xf32, #tpu.memory_space<vmem>>, vector<1x64xf32>
    %get3A_93 = arith.constant 0 : index
    %get3A_94 = arith.constant 0 : index
    %get3A_95 = vector.load %arg38[%get3A_93, %get3A_94] : memref<1x64xf32, #tpu.memory_space<vmem>>, vector<1x64xf32>
    %get3A_96 = arith.constant 0 : index
    %get3A_97 = arith.constant 0 : index
    %get3A_98 = vector.load %arg39[%get3A_96, %get3A_97] : memref<1x128xf32, #tpu.memory_space<vmem>>, vector<1x128xf32>
    %get3A_99 = arith.constant 0 : index
    %get3A_100 = arith.constant 0 : index
    %get3A_101 = vector.load %arg40[%get3A_99, %get3A_100] : memref<128x16xf32, #tpu.memory_space<vmem>>, vector<128x16xf32>
    %get3A_102 = arith.constant 0 : index
    %get3A_103 = arith.constant 0 : index
    %get3A_104 = vector.load %arg41[%get3A_102, %get3A_103] : memref<256x32xf32, #tpu.memory_space<vmem>>, vector<256x32xf32>
    %get3A_105 = arith.constant 0 : index
    %get3A_106 = arith.constant 0 : index
    %get3A_107 = vector.load %arg42[%get3A_105, %get3A_106] : memref<16x128xf32, #tpu.memory_space<vmem>>, vector<16x128xf32>
    %get3A_108 = arith.constant 0 : index
    %get3A_109 = arith.constant 0 : index
    %get3A_110 = vector.load %arg3[%get3A_108, %get3A_109] : memref<1000x128xf32, #tpu.memory_space<vmem>>, vector<1000x128xf32>
    %get3A_111 = arith.constant 0 : index
    %get3A_112 = arith.constant 0 : index
    %get3A_113 = vector.load %arg4[%get3A_111, %get3A_112] : memref<1000x128xf32, #tpu.memory_space<vmem>>, vector<1000x128xf32>
    %add3A = arith.addf %get3A_110, %get3A_113 : vector<1000x128xf32>
    %get3A_114 = arith.constant 0 : index
    %get3A_115 = arith.constant 0 : index
    %get3A_116 = vector.load %arg5[%get3A_114, %get3A_115] : memref<1000x128xf32, #tpu.memory_space<vmem>>, vector<1000x128xf32>
    %get3A_117 = arith.constant 0 : index
    %get3A_118 = arith.constant 0 : index
    %get3A_119 = vector.load %arg6[%get3A_117, %get3A_118] : memref<1000x128xf32, #tpu.memory_space<vmem>>, vector<1000x128xf32>
    %add3A_120 = arith.addf %get3A_116, %get3A_119 : vector<1000x128xf32>
    %get3A_121 = arith.constant 0 : index
    %get3A_122 = arith.constant 0 : index
    %get3A_123 = vector.load %arg1[%get3A_121, %get3A_122] : memref<1000x64xf32, #tpu.memory_space<vmem>>, vector<1000x64xf32>
    %slice3A = vector.extract_strided_slice %add3A {offsets = [0, 0], sizes = [1000, 64], strides = [1, 1]} : vector<1000x128xf32> to vector<1000x64xf32>
    %get3A_124 = arith.constant 0 : index
    %get3A_125 = arith.constant 0 : index
    %get3A_126 = vector.load %arg2[%get3A_124, %get3A_125] : memref<1000x128xf32, #tpu.memory_space<vmem>>, vector<1000x128xf32>
    %dot_general3A = arith.constant dense<0.000000e+00> : vector<1000x256xf32>
    %dot_general3A_127 = tpu.matmul %get3A_126, %get3A_1, %dot_general3A {dimension_numbers = #tpu.dot_dimension_numbers<[1], [0], [0], [1], [0, 0, 1, 1], [], []>, transpose_lhs_hint = false} : vector<1000x128xf32>, vector<128x256xf32>, vector<1000x256xf32> -> vector<1000x256xf32>
    %dot_general3A_128 = arith.constant dense<0.000000e+00> : vector<1000x256xf32>
    %dot_general3A_129 = tpu.matmul %add3A_120, %get3A_4, %dot_general3A_128 {dimension_numbers = #tpu.dot_dimension_numbers<[1], [0], [0], [1], [0, 0, 1, 1], [], []>, transpose_lhs_hint = false} : vector<1000x128xf32>, vector<128x256xf32>, vector<1000x256xf32> -> vector<1000x256xf32>
    %add3A_130 = arith.addf %dot_general3A_127, %dot_general3A_129 : vector<1000x256xf32>
    %add3A_131 = vector.broadcast %get3A_7 : vector<1x256xf32> to vector<1000x256xf32>
    %add3A_132 = arith.addf %add3A_130, %add3A_131 : vector<1000x256xf32>
    %dot_general3A_133 = arith.constant dense<0.000000e+00> : vector<1000x256xf32>
    %dot_general3A_134 = tpu.matmul %get3A_126, %get3A_10, %dot_general3A_133 {dimension_numbers = #tpu.dot_dimension_numbers<[1], [0], [0], [1], [0, 0, 1, 1], [], []>, transpose_lhs_hint = false} : vector<1000x128xf32>, vector<128x256xf32>, vector<1000x256xf32> -> vector<1000x256xf32>
    %dot_general3A_135 = arith.constant dense<0.000000e+00> : vector<1000x256xf32>
    %dot_general3A_136 = tpu.matmul %add3A_120, %get3A_13, %dot_general3A_135 {dimension_numbers = #tpu.dot_dimension_numbers<[1], [0], [0], [1], [0, 0, 1, 1], [], []>, transpose_lhs_hint = false} : vector<1000x128xf32>, vector<128x256xf32>, vector<1000x256xf32> -> vector<1000x256xf32>
    %add3A_137 = arith.addf %dot_general3A_134, %dot_general3A_136 : vector<1000x256xf32>
    %add3A_138 = vector.broadcast %get3A_16 : vector<1x256xf32> to vector<1000x256xf32>
    %add3A_139 = arith.addf %add3A_137, %add3A_138 : vector<1000x256xf32>
    %mul3A = arith.mulf %add3A_132, %add3A_139 : vector<1000x256xf32>
    %dot_general3A_140 = arith.constant dense<0.000000e+00> : vector<1000x32xf32>
    %dot_general3A_141 = tpu.matmul %mul3A, %get3A_104, %dot_general3A_140 {dimension_numbers = #tpu.dot_dimension_numbers<[1], [0], [0], [1], [0, 0, 1, 1], [], []>, transpose_lhs_hint = false} : vector<1000x256xf32>, vector<256x32xf32>, vector<1000x32xf32> -> vector<1000x32xf32>
    %dot_general3A_142 = arith.constant dense<0.000000e+00> : vector<1000x32xf32>
    %dot_general3A_143 = tpu.matmul %dot_general3A_141, %get3A_28, %dot_general3A_142 {dimension_numbers = #tpu.dot_dimension_numbers<[1], [0], [0], [1], [0, 0, 1, 1], [], []>, transpose_lhs_hint = false} : vector<1000x32xf32>, vector<32x32xf32>, vector<1000x32xf32> -> vector<1000x32xf32>
    %dot_general3A_144 = arith.constant dense<0.000000e+00> : vector<1000x64xf32>
    %dot_general3A_145 = tpu.matmul %get3A_123, %get3A_31, %dot_general3A_144 {dimension_numbers = #tpu.dot_dimension_numbers<[1], [0], [0], [1], [0, 0, 1, 1], [], []>, transpose_lhs_hint = false} : vector<1000x64xf32>, vector<64x64xf32>, vector<1000x64xf32> -> vector<1000x64xf32>
    %dot_general3A_146 = arith.constant dense<0.000000e+00> : vector<1000x64xf32>
    %dot_general3A_147 = tpu.matmul %slice3A, %get3A_34, %dot_general3A_146 {dimension_numbers = #tpu.dot_dimension_numbers<[1], [0], [0], [1], [0, 0, 1, 1], [], []>, transpose_lhs_hint = false} : vector<1000x64xf32>, vector<64x64xf32>, vector<1000x64xf32> -> vector<1000x64xf32>
    %add3A_148 = arith.addf %dot_general3A_145, %dot_general3A_147 : vector<1000x64xf32>
    %dot_general3A_149 = arith.constant dense<0.000000e+00> : vector<1000x64xf32>
    %dot_general3A_150 = tpu.matmul %dot_general3A_143, %get3A_37, %dot_general3A_149 {dimension_numbers = #tpu.dot_dimension_numbers<[1], [0], [0], [1], [0, 0, 1, 1], [], []>, transpose_lhs_hint = false} : vector<1000x32xf32>, vector<32x64xf32>, vector<1000x64xf32> -> vector<1000x64xf32>
    %add3A_151 = arith.addf %add3A_148, %dot_general3A_150 : vector<1000x64xf32>
    %add3A_152 = vector.broadcast %get3A_40 : vector<1x64xf32> to vector<1000x64xf32>
    %add3A_153 = arith.addf %add3A_151, %add3A_152 : vector<1000x64xf32>
    %dot_general3A_154 = arith.constant dense<0.000000e+00> : vector<1000x256xf32>
    %dot_general3A_155 = tpu.matmul %get3A_126, %get3A_19, %dot_general3A_154 {dimension_numbers = #tpu.dot_dimension_numbers<[1], [0], [0], [1], [0, 0, 1, 1], [], []>, transpose_lhs_hint = false} : vector<1000x128xf32>, vector<128x256xf32>, vector<1000x256xf32> -> vector<1000x256xf32>
    %dot_general3A_156 = arith.constant dense<0.000000e+00> : vector<1000x256xf32>
    %dot_general3A_157 = tpu.matmul %add3A_120, %get3A_22, %dot_general3A_156 {dimension_numbers = #tpu.dot_dimension_numbers<[1], [0], [0], [1], [0, 0, 1, 1], [], []>, transpose_lhs_hint = false} : vector<1000x128xf32>, vector<128x256xf32>, vector<1000x256xf32> -> vector<1000x256xf32>
    %add3A_158 = arith.addf %dot_general3A_155, %dot_general3A_157 : vector<1000x256xf32>
    %add3A_159 = vector.broadcast %get3A_25 : vector<1x256xf32> to vector<1000x256xf32>
    %add3A_160 = arith.addf %add3A_158, %add3A_159 : vector<1000x256xf32>
    %dot_general3A_161 = arith.constant dense<0.000000e+00> : vector<1000x128xf32>
    %dot_general3A_162 = tpu.matmul %add3A_160, %get3A_43, %dot_general3A_161 {dimension_numbers = #tpu.dot_dimension_numbers<[1], [0], [0], [1], [0, 0, 1, 1], [], []>, transpose_lhs_hint = false} : vector<1000x256xf32>, vector<256x128xf32>, vector<1000x128xf32> -> vector<1000x128xf32>
    %add3A_163 = vector.broadcast %get3A_46 : vector<1x128xf32> to vector<1000x128xf32>
    %add3A_164 = arith.addf %dot_general3A_162, %add3A_163 : vector<1000x128xf32>
    %logistic3A = arith.negf %add3A_153 : vector<1000x64xf32>
    %logistic3A_165 = math.exp %logistic3A : vector<1000x64xf32>
    %logistic3A_166 = arith.constant 1.000000e+00 : f32
    %logistic3A_167 = vector.broadcast %logistic3A_166 : f32 to vector<1000x64xf32>
    %logistic3A_168 = arith.addf %logistic3A_167, %logistic3A_165 : vector<1000x64xf32>
    %logistic3A_169 = arith.divf %logistic3A_167, %logistic3A_168 : vector<1000x64xf32>
    %dot_general3A_170 = arith.constant dense<0.000000e+00> : vector<1000x16xf32>
    %dot_general3A_171 = tpu.matmul %logistic3A_169, %get3A_49, %dot_general3A_170 {dimension_numbers = #tpu.dot_dimension_numbers<[1], [0], [0], [1], [0, 0, 1, 1], [], []>, transpose_lhs_hint = false} : vector<1000x64xf32>, vector<64x16xf32>, vector<1000x16xf32> -> vector<1000x16xf32>
    %add3A_172 = vector.broadcast %get3A_52 : vector<1x16xf32> to vector<1000x16xf32>
    %add3A_173 = arith.addf %dot_general3A_171, %add3A_172 : vector<1000x16xf32>
    %logistic3A_174 = arith.negf %add3A_173 : vector<1000x16xf32>
    %logistic3A_175 = math.exp %logistic3A_174 : vector<1000x16xf32>
    %logistic3A_176 = arith.constant 1.000000e+00 : f32
    %logistic3A_177 = vector.broadcast %logistic3A_176 : f32 to vector<1000x16xf32>
    %logistic3A_178 = arith.addf %logistic3A_177, %logistic3A_175 : vector<1000x16xf32>
    %logistic3A_179 = arith.divf %logistic3A_177, %logistic3A_178 : vector<1000x16xf32>
    %dot_general3A_180 = arith.constant dense<0.000000e+00> : vector<1000x128xf32>
    %dot_general3A_181 = tpu.matmul %logistic3A_179, %get3A_107, %dot_general3A_180 {dimension_numbers = #tpu.dot_dimension_numbers<[1], [0], [0], [1], [0, 0, 1, 1], [], []>, transpose_lhs_hint = false} : vector<1000x16xf32>, vector<16x128xf32>, vector<1000x128xf32> -> vector<1000x128xf32>
    %mul3A_182 = arith.mulf %add3A_164, %dot_general3A_181 : vector<1000x128xf32>
    %max3A = arith.constant 0.000000e+00 : f32
    %max3A_183 = vector.broadcast %max3A : f32 to vector<1000x64xf32>
    %max3A_184 = arith.maximumf %add3A_153, %max3A_183 : vector<1000x64xf32>
    %dot_general3A_185 = arith.constant dense<0.000000e+00> : vector<1000x128xf32>
    %dot_general3A_186 = tpu.matmul %mul3A_182, %get3A_62, %dot_general3A_185 {dimension_numbers = #tpu.dot_dimension_numbers<[1], [0], [0], [1], [0, 0, 1, 1], [], []>, transpose_lhs_hint = false} : vector<1000x128xf32>, vector<128x128xf32>, vector<1000x128xf32> -> vector<1000x128xf32>
    %add3A_187 = vector.broadcast %get3A_65 : vector<1x128xf32> to vector<1000x128xf32>
    %add3A_188 = arith.addf %dot_general3A_186, %add3A_187 : vector<1000x128xf32>
    %slice3A_189 = vector.extract_strided_slice %get3A_56 {offsets = [0, 0, 0], sizes = [1, 128, 128], strides = [1, 1, 1]} : vector<8x128x128xf32> to vector<1x128x128xf32>
    %squeeze3A = vector.shape_cast %slice3A_189 : vector<1x128x128xf32> to vector<128x128xf32>
    %dot_general3A_190 = arith.constant dense<0.000000e+00> : vector<1000x128xf32>
    %dot_general3A_191 = tpu.matmul %mul3A_182, %squeeze3A, %dot_general3A_190 {dimension_numbers = #tpu.dot_dimension_numbers<[1], [0], [0], [1], [0, 0, 1, 1], [], []>, transpose_lhs_hint = false} : vector<1000x128xf32>, vector<128x128xf32>, vector<1000x128xf32> -> vector<1000x128xf32>
    %slice3A_192 = vector.extract_strided_slice %get3A_59 {offsets = [0, 0], sizes = [1, 128], strides = [1, 1]} : vector<8x128xf32> to vector<1x128xf32>
    %squeeze3A_193 = vector.shape_cast %slice3A_192 : vector<1x128xf32> to vector<128xf32>
    %broadcast_in_dim3A = vector.shape_cast %squeeze3A_193 : vector<128xf32> to vector<1x128xf32>
    %add3A_194 = vector.broadcast %broadcast_in_dim3A : vector<1x128xf32> to vector<1000x128xf32>
    %add3A_195 = arith.addf %dot_general3A_191, %add3A_194 : vector<1000x128xf32>
    %slice3A_196 = vector.extract_strided_slice %add3A_188 {offsets = [0, 0], sizes = [1000, 16], strides = [1, 1]} : vector<1000x128xf32> to vector<1000x16xf32>
    %dot_general3A_197 = arith.constant dense<0.000000e+00> : vector<1000x128xf32>
    %dot_general3A_198 = tpu.matmul %slice3A_196, %get3A_107, %dot_general3A_197 {dimension_numbers = #tpu.dot_dimension_numbers<[1], [0], [0], [1], [0, 0, 1, 1], [], []>, transpose_lhs_hint = false} : vector<1000x16xf32>, vector<16x128xf32>, vector<1000x128xf32> -> vector<1000x128xf32>
    %mul3A_199 = arith.mulf %add3A_195, %dot_general3A_198 : vector<1000x128xf32>
    %slice3A_200 = vector.extract_strided_slice %get3A_56 {offsets = [1, 0, 0], sizes = [1, 128, 128], strides = [1, 1, 1]} : vector<8x128x128xf32> to vector<1x128x128xf32>
    %squeeze3A_201 = vector.shape_cast %slice3A_200 : vector<1x128x128xf32> to vector<128x128xf32>
    %dot_general3A_202 = arith.constant dense<0.000000e+00> : vector<1000x128xf32>
    %dot_general3A_203 = tpu.matmul %mul3A_182, %squeeze3A_201, %dot_general3A_202 {dimension_numbers = #tpu.dot_dimension_numbers<[1], [0], [0], [1], [0, 0, 1, 1], [], []>, transpose_lhs_hint = false} : vector<1000x128xf32>, vector<128x128xf32>, vector<1000x128xf32> -> vector<1000x128xf32>
    %slice3A_204 = vector.extract_strided_slice %get3A_59 {offsets = [1, 0], sizes = [1, 128], strides = [1, 1]} : vector<8x128xf32> to vector<1x128xf32>
    %squeeze3A_205 = vector.shape_cast %slice3A_204 : vector<1x128xf32> to vector<128xf32>
    %broadcast_in_dim3A_206 = vector.shape_cast %squeeze3A_205 : vector<128xf32> to vector<1x128xf32>
    %add3A_207 = vector.broadcast %broadcast_in_dim3A_206 : vector<1x128xf32> to vector<1000x128xf32>
    %add3A_208 = arith.addf %dot_general3A_203, %add3A_207 : vector<1000x128xf32>
    %slice3A_209 = vector.extract_strided_slice %add3A_188 {offsets = [0, 16], sizes = [1000, 16], strides = [1, 1]} : vector<1000x128xf32> to vector<1000x16xf32>
    %dot_general3A_210 = arith.constant dense<0.000000e+00> : vector<1000x128xf32>
    %dot_general3A_211 = tpu.matmul %slice3A_209, %get3A_107, %dot_general3A_210 {dimension_numbers = #tpu.dot_dimension_numbers<[1], [0], [0], [1], [0, 0, 1, 1], [], []>, transpose_lhs_hint = false} : vector<1000x16xf32>, vector<16x128xf32>, vector<1000x128xf32> -> vector<1000x128xf32>
    %mul3A_212 = arith.mulf %add3A_208, %dot_general3A_211 : vector<1000x128xf32>
    %add3A_213 = arith.addf %mul3A_199, %mul3A_212 : vector<1000x128xf32>
    %slice3A_214 = vector.extract_strided_slice %get3A_56 {offsets = [2, 0, 0], sizes = [1, 128, 128], strides = [1, 1, 1]} : vector<8x128x128xf32> to vector<1x128x128xf32>
    %squeeze3A_215 = vector.shape_cast %slice3A_214 : vector<1x128x128xf32> to vector<128x128xf32>
    %dot_general3A_216 = arith.constant dense<0.000000e+00> : vector<1000x128xf32>
    %dot_general3A_217 = tpu.matmul %mul3A_182, %squeeze3A_215, %dot_general3A_216 {dimension_numbers = #tpu.dot_dimension_numbers<[1], [0], [0], [1], [0, 0, 1, 1], [], []>, transpose_lhs_hint = false} : vector<1000x128xf32>, vector<128x128xf32>, vector<1000x128xf32> -> vector<1000x128xf32>
    %slice3A_218 = vector.extract_strided_slice %get3A_59 {offsets = [2, 0], sizes = [1, 128], strides = [1, 1]} : vector<8x128xf32> to vector<1x128xf32>
    %squeeze3A_219 = vector.shape_cast %slice3A_218 : vector<1x128xf32> to vector<128xf32>
    %broadcast_in_dim3A_220 = vector.shape_cast %squeeze3A_219 : vector<128xf32> to vector<1x128xf32>
    %add3A_221 = vector.broadcast %broadcast_in_dim3A_220 : vector<1x128xf32> to vector<1000x128xf32>
    %add3A_222 = arith.addf %dot_general3A_217, %add3A_221 : vector<1000x128xf32>
    %slice3A_223 = vector.extract_strided_slice %add3A_188 {offsets = [0, 32], sizes = [1000, 16], strides = [1, 1]} : vector<1000x128xf32> to vector<1000x16xf32>
    %dot_general3A_224 = arith.constant dense<0.000000e+00> : vector<1000x128xf32>
    %dot_general3A_225 = tpu.matmul %slice3A_223, %get3A_107, %dot_general3A_224 {dimension_numbers = #tpu.dot_dimension_numbers<[1], [0], [0], [1], [0, 0, 1, 1], [], []>, transpose_lhs_hint = false} : vector<1000x16xf32>, vector<16x128xf32>, vector<1000x128xf32> -> vector<1000x128xf32>
    %mul3A_226 = arith.mulf %add3A_222, %dot_general3A_225 : vector<1000x128xf32>
    %add3A_227 = arith.addf %add3A_213, %mul3A_226 : vector<1000x128xf32>
    %slice3A_228 = vector.extract_strided_slice %get3A_56 {offsets = [3, 0, 0], sizes = [1, 128, 128], strides = [1, 1, 1]} : vector<8x128x128xf32> to vector<1x128x128xf32>
    %squeeze3A_229 = vector.shape_cast %slice3A_228 : vector<1x128x128xf32> to vector<128x128xf32>
    %dot_general3A_230 = arith.constant dense<0.000000e+00> : vector<1000x128xf32>
    %dot_general3A_231 = tpu.matmul %mul3A_182, %squeeze3A_229, %dot_general3A_230 {dimension_numbers = #tpu.dot_dimension_numbers<[1], [0], [0], [1], [0, 0, 1, 1], [], []>, transpose_lhs_hint = false} : vector<1000x128xf32>, vector<128x128xf32>, vector<1000x128xf32> -> vector<1000x128xf32>
    %slice3A_232 = vector.extract_strided_slice %get3A_59 {offsets = [3, 0], sizes = [1, 128], strides = [1, 1]} : vector<8x128xf32> to vector<1x128xf32>
    %squeeze3A_233 = vector.shape_cast %slice3A_232 : vector<1x128xf32> to vector<128xf32>
    %broadcast_in_dim3A_234 = vector.shape_cast %squeeze3A_233 : vector<128xf32> to vector<1x128xf32>
    %add3A_235 = vector.broadcast %broadcast_in_dim3A_234 : vector<1x128xf32> to vector<1000x128xf32>
    %add3A_236 = arith.addf %dot_general3A_231, %add3A_235 : vector<1000x128xf32>
    %slice3A_237 = vector.extract_strided_slice %add3A_188 {offsets = [0, 48], sizes = [1000, 16], strides = [1, 1]} : vector<1000x128xf32> to vector<1000x16xf32>
    %dot_general3A_238 = arith.constant dense<0.000000e+00> : vector<1000x128xf32>
    %dot_general3A_239 = tpu.matmul %slice3A_237, %get3A_107, %dot_general3A_238 {dimension_numbers = #tpu.dot_dimension_numbers<[1], [0], [0], [1], [0, 0, 1, 1], [], []>, transpose_lhs_hint = false} : vector<1000x16xf32>, vector<16x128xf32>, vector<1000x128xf32> -> vector<1000x128xf32>
    %mul3A_240 = arith.mulf %add3A_236, %dot_general3A_239 : vector<1000x128xf32>
    %add3A_241 = arith.addf %add3A_227, %mul3A_240 : vector<1000x128xf32>
    %slice3A_242 = vector.extract_strided_slice %get3A_56 {offsets = [4, 0, 0], sizes = [1, 128, 128], strides = [1, 1, 1]} : vector<8x128x128xf32> to vector<1x128x128xf32>
    %squeeze3A_243 = vector.shape_cast %slice3A_242 : vector<1x128x128xf32> to vector<128x128xf32>
    %dot_general3A_244 = arith.constant dense<0.000000e+00> : vector<1000x128xf32>
    %dot_general3A_245 = tpu.matmul %mul3A_182, %squeeze3A_243, %dot_general3A_244 {dimension_numbers = #tpu.dot_dimension_numbers<[1], [0], [0], [1], [0, 0, 1, 1], [], []>, transpose_lhs_hint = false} : vector<1000x128xf32>, vector<128x128xf32>, vector<1000x128xf32> -> vector<1000x128xf32>
    %slice3A_246 = vector.extract_strided_slice %get3A_59 {offsets = [4, 0], sizes = [1, 128], strides = [1, 1]} : vector<8x128xf32> to vector<1x128xf32>
    %squeeze3A_247 = vector.shape_cast %slice3A_246 : vector<1x128xf32> to vector<128xf32>
    %broadcast_in_dim3A_248 = vector.shape_cast %squeeze3A_247 : vector<128xf32> to vector<1x128xf32>
    %add3A_249 = vector.broadcast %broadcast_in_dim3A_248 : vector<1x128xf32> to vector<1000x128xf32>
    %add3A_250 = arith.addf %dot_general3A_245, %add3A_249 : vector<1000x128xf32>
    %slice3A_251 = vector.extract_strided_slice %add3A_188 {offsets = [0, 64], sizes = [1000, 16], strides = [1, 1]} : vector<1000x128xf32> to vector<1000x16xf32>
    %dot_general3A_252 = arith.constant dense<0.000000e+00> : vector<1000x128xf32>
    %dot_general3A_253 = tpu.matmul %slice3A_251, %get3A_107, %dot_general3A_252 {dimension_numbers = #tpu.dot_dimension_numbers<[1], [0], [0], [1], [0, 0, 1, 1], [], []>, transpose_lhs_hint = false} : vector<1000x16xf32>, vector<16x128xf32>, vector<1000x128xf32> -> vector<1000x128xf32>
    %mul3A_254 = arith.mulf %add3A_250, %dot_general3A_253 : vector<1000x128xf32>
    %add3A_255 = arith.addf %add3A_241, %mul3A_254 : vector<1000x128xf32>
    %slice3A_256 = vector.extract_strided_slice %get3A_56 {offsets = [5, 0, 0], sizes = [1, 128, 128], strides = [1, 1, 1]} : vector<8x128x128xf32> to vector<1x128x128xf32>
    %squeeze3A_257 = vector.shape_cast %slice3A_256 : vector<1x128x128xf32> to vector<128x128xf32>
    %dot_general3A_258 = arith.constant dense<0.000000e+00> : vector<1000x128xf32>
    %dot_general3A_259 = tpu.matmul %mul3A_182, %squeeze3A_257, %dot_general3A_258 {dimension_numbers = #tpu.dot_dimension_numbers<[1], [0], [0], [1], [0, 0, 1, 1], [], []>, transpose_lhs_hint = false} : vector<1000x128xf32>, vector<128x128xf32>, vector<1000x128xf32> -> vector<1000x128xf32>
    %slice3A_260 = vector.extract_strided_slice %get3A_59 {offsets = [5, 0], sizes = [1, 128], strides = [1, 1]} : vector<8x128xf32> to vector<1x128xf32>
    %squeeze3A_261 = vector.shape_cast %slice3A_260 : vector<1x128xf32> to vector<128xf32>
    %broadcast_in_dim3A_262 = vector.shape_cast %squeeze3A_261 : vector<128xf32> to vector<1x128xf32>
    %add3A_263 = vector.broadcast %broadcast_in_dim3A_262 : vector<1x128xf32> to vector<1000x128xf32>
    %add3A_264 = arith.addf %dot_general3A_259, %add3A_263 : vector<1000x128xf32>
    %slice3A_265 = vector.extract_strided_slice %add3A_188 {offsets = [0, 80], sizes = [1000, 16], strides = [1, 1]} : vector<1000x128xf32> to vector<1000x16xf32>
    %dot_general3A_266 = arith.constant dense<0.000000e+00> : vector<1000x128xf32>
    %dot_general3A_267 = tpu.matmul %slice3A_265, %get3A_107, %dot_general3A_266 {dimension_numbers = #tpu.dot_dimension_numbers<[1], [0], [0], [1], [0, 0, 1, 1], [], []>, transpose_lhs_hint = false} : vector<1000x16xf32>, vector<16x128xf32>, vector<1000x128xf32> -> vector<1000x128xf32>
    %mul3A_268 = arith.mulf %add3A_264, %dot_general3A_267 : vector<1000x128xf32>
    %add3A_269 = arith.addf %add3A_255, %mul3A_268 : vector<1000x128xf32>
    %slice3A_270 = vector.extract_strided_slice %get3A_56 {offsets = [6, 0, 0], sizes = [1, 128, 128], strides = [1, 1, 1]} : vector<8x128x128xf32> to vector<1x128x128xf32>
    %squeeze3A_271 = vector.shape_cast %slice3A_270 : vector<1x128x128xf32> to vector<128x128xf32>
    %dot_general3A_272 = arith.constant dense<0.000000e+00> : vector<1000x128xf32>
    %dot_general3A_273 = tpu.matmul %mul3A_182, %squeeze3A_271, %dot_general3A_272 {dimension_numbers = #tpu.dot_dimension_numbers<[1], [0], [0], [1], [0, 0, 1, 1], [], []>, transpose_lhs_hint = false} : vector<1000x128xf32>, vector<128x128xf32>, vector<1000x128xf32> -> vector<1000x128xf32>
    %slice3A_274 = vector.extract_strided_slice %get3A_59 {offsets = [6, 0], sizes = [1, 128], strides = [1, 1]} : vector<8x128xf32> to vector<1x128xf32>
    %squeeze3A_275 = vector.shape_cast %slice3A_274 : vector<1x128xf32> to vector<128xf32>
    %broadcast_in_dim3A_276 = vector.shape_cast %squeeze3A_275 : vector<128xf32> to vector<1x128xf32>
    %add3A_277 = vector.broadcast %broadcast_in_dim3A_276 : vector<1x128xf32> to vector<1000x128xf32>
    %add3A_278 = arith.addf %dot_general3A_273, %add3A_277 : vector<1000x128xf32>
    %slice3A_279 = vector.extract_strided_slice %add3A_188 {offsets = [0, 96], sizes = [1000, 16], strides = [1, 1]} : vector<1000x128xf32> to vector<1000x16xf32>
    %dot_general3A_280 = arith.constant dense<0.000000e+00> : vector<1000x128xf32>
    %dot_general3A_281 = tpu.matmul %slice3A_279, %get3A_107, %dot_general3A_280 {dimension_numbers = #tpu.dot_dimension_numbers<[1], [0], [0], [1], [0, 0, 1, 1], [], []>, transpose_lhs_hint = false} : vector<1000x16xf32>, vector<16x128xf32>, vector<1000x128xf32> -> vector<1000x128xf32>
    %mul3A_282 = arith.mulf %add3A_278, %dot_general3A_281 : vector<1000x128xf32>
    %add3A_283 = arith.addf %add3A_269, %mul3A_282 : vector<1000x128xf32>
    %slice3A_284 = vector.extract_strided_slice %get3A_56 {offsets = [7, 0, 0], sizes = [1, 128, 128], strides = [1, 1, 1]} : vector<8x128x128xf32> to vector<1x128x128xf32>
    %squeeze3A_285 = vector.shape_cast %slice3A_284 : vector<1x128x128xf32> to vector<128x128xf32>
    %dot_general3A_286 = arith.constant dense<0.000000e+00> : vector<1000x128xf32>
    %dot_general3A_287 = tpu.matmul %mul3A_182, %squeeze3A_285, %dot_general3A_286 {dimension_numbers = #tpu.dot_dimension_numbers<[1], [0], [0], [1], [0, 0, 1, 1], [], []>, transpose_lhs_hint = false} : vector<1000x128xf32>, vector<128x128xf32>, vector<1000x128xf32> -> vector<1000x128xf32>
    %slice3A_288 = vector.extract_strided_slice %get3A_59 {offsets = [7, 0], sizes = [1, 128], strides = [1, 1]} : vector<8x128xf32> to vector<1x128xf32>
    %squeeze3A_289 = vector.shape_cast %slice3A_288 : vector<1x128xf32> to vector<128xf32>
    %broadcast_in_dim3A_290 = vector.shape_cast %squeeze3A_289 : vector<128xf32> to vector<1x128xf32>
    %add3A_291 = vector.broadcast %broadcast_in_dim3A_290 : vector<1x128xf32> to vector<1000x128xf32>
    %add3A_292 = arith.addf %dot_general3A_287, %add3A_291 : vector<1000x128xf32>
    %slice3A_293 = vector.extract_strided_slice %add3A_188 {offsets = [0, 112], sizes = [1000, 16], strides = [1, 1]} : vector<1000x128xf32> to vector<1000x16xf32>
    %dot_general3A_294 = arith.constant dense<0.000000e+00> : vector<1000x128xf32>
    %dot_general3A_295 = tpu.matmul %slice3A_293, %get3A_107, %dot_general3A_294 {dimension_numbers = #tpu.dot_dimension_numbers<[1], [0], [0], [1], [0, 0, 1, 1], [], []>, transpose_lhs_hint = false} : vector<1000x16xf32>, vector<16x128xf32>, vector<1000x128xf32> -> vector<1000x128xf32>
    %mul3A_296 = arith.mulf %add3A_292, %dot_general3A_295 : vector<1000x128xf32>
    %add3A_297 = arith.addf %add3A_283, %mul3A_296 : vector<1000x128xf32>
    %dot_general3A_298 = arith.constant dense<0.000000e+00> : vector<1000x128xf32>
    %dot_general3A_299 = tpu.matmul %add3A_297, %get3A_68, %dot_general3A_298 {dimension_numbers = #tpu.dot_dimension_numbers<[1], [0], [0], [1], [0, 0, 1, 1], [], []>, transpose_lhs_hint = false} : vector<1000x128xf32>, vector<128x128xf32>, vector<1000x128xf32> -> vector<1000x128xf32>
    %add3A_300 = vector.broadcast %get3A_71 : vector<1x128xf32> to vector<1000x128xf32>
    %add3A_301 = arith.addf %dot_general3A_299, %add3A_300 : vector<1000x128xf32>
    %mul3A_302 = arith.mulf %add3A_301, %add3A_301 : vector<1000x128xf32>
    %dot_general3A_303 = arith.constant dense<0.000000e+00> : vector<1000x16xf32>
    %dot_general3A_304 = tpu.matmul %mul3A_302, %get3A_101, %dot_general3A_303 {dimension_numbers = #tpu.dot_dimension_numbers<[1], [0], [0], [1], [0, 0, 1, 1], [], []>, transpose_lhs_hint = false} : vector<1000x128xf32>, vector<128x16xf32>, vector<1000x16xf32> -> vector<1000x16xf32>
    %sqrt3A = math.sqrt %dot_general3A_304 : vector<1000x16xf32>
    %mul3A_305 = vector.broadcast %get3A_74 : vector<1x128xf32> to vector<1000x128xf32>
    %mul3A_306 = arith.mulf %mul3A_305, %add3A_301 : vector<1000x128xf32>
    %reduce_sum3A = arith.constant dense<0.000000e+00> : vector<1000xf32>
    %reduce_sum3A_307 = vector.multi_reduction <add>, %sqrt3A, %reduce_sum3A [1] : vector<1000x16xf32> to vector<1000xf32>
    %broadcast_in_dim3A_308 = vector.shape_cast %reduce_sum3A_307 : vector<1000xf32> to vector<1000x1xf32>
    %div3A = arith.constant 1.600000e+01 : f32
    %div3A_309 = vector.broadcast %div3A : f32 to vector<1000x1xf32>
    %div3A_310 = arith.divf %broadcast_in_dim3A_308, %div3A_309 : vector<1000x1xf32>
    %add3A_311 = arith.constant 9.99999997E-7 : f32
    %add3A_312 = vector.broadcast %add3A_311 : f32 to vector<1000x1xf32>
    %add3A_313 = arith.addf %div3A_310, %add3A_312 : vector<1000x1xf32>
    %div3A_314 = vector.broadcast %add3A_313 : vector<1000x1xf32> to vector<1000x128xf32>
    %div3A_315 = arith.divf %mul3A_306, %div3A_314 : vector<1000x128xf32>
    %add3A_316 = arith.addf %div3A_315, %mul3A_182 : vector<1000x128xf32>
    %slice3A_317 = vector.extract_strided_slice %add3A_316 {offsets = [0, 0], sizes = [1000, 16], strides = [1, 1]} : vector<1000x128xf32> to vector<1000x16xf32>
    %integer_pow3A = arith.mulf %slice3A_317, %slice3A_317 : vector<1000x16xf32>
    %integer_pow3A_318 = arith.mulf %slice3A_317, %integer_pow3A : vector<1000x16xf32>
    %mul3A_319 = arith.constant 4.471500e-02 : f32
    %mul3A_320 = vector.broadcast %mul3A_319 : f32 to vector<1000x16xf32>
    %mul3A_321 = arith.mulf %mul3A_320, %integer_pow3A_318 : vector<1000x16xf32>
    %add3A_322 = arith.addf %slice3A_317, %mul3A_321 : vector<1000x16xf32>
    %mul3A_323 = arith.constant 2.000000e+00 : f32
    %mul3A_324 = vector.broadcast %mul3A_323 : f32 to vector<1000x16xf32>
    %mul3A_325 = arith.mulf %mul3A_324, %add3A_322 : vector<1000x16xf32>
    %mul3A_326 = arith.constant 0.797884583 : f32
    %mul3A_327 = vector.broadcast %mul3A_326 : f32 to vector<1000x16xf32>
    %mul3A_328 = arith.mulf %mul3A_327, %mul3A_325 : vector<1000x16xf32>
    %logistic3A_329 = arith.negf %mul3A_328 : vector<1000x16xf32>
    %logistic3A_330 = math.exp %logistic3A_329 : vector<1000x16xf32>
    %logistic3A_331 = arith.constant 1.000000e+00 : f32
    %logistic3A_332 = vector.broadcast %logistic3A_331 : f32 to vector<1000x16xf32>
    %logistic3A_333 = arith.addf %logistic3A_332, %logistic3A_330 : vector<1000x16xf32>
    %logistic3A_334 = arith.divf %logistic3A_332, %logistic3A_333 : vector<1000x16xf32>
    %dot_general3A_335 = arith.constant dense<0.000000e+00> : vector<1000x128xf32>
    %dot_general3A_336 = tpu.matmul %logistic3A_334, %get3A_107, %dot_general3A_335 {dimension_numbers = #tpu.dot_dimension_numbers<[1], [0], [0], [1], [0, 0, 1, 1], [], []>, transpose_lhs_hint = false} : vector<1000x16xf32>, vector<16x128xf32>, vector<1000x128xf32> -> vector<1000x128xf32>
    %mul3A_337 = arith.mulf %add3A_316, %dot_general3A_336 : vector<1000x128xf32>
    %dot_general3A_338 = arith.constant dense<0.000000e+00> : vector<1000x128xf32>
    %dot_general3A_339 = tpu.matmul %mul3A_337, %get3A_77, %dot_general3A_338 {dimension_numbers = #tpu.dot_dimension_numbers<[1], [0], [0], [1], [0, 0, 1, 1], [], []>, transpose_lhs_hint = false} : vector<1000x128xf32>, vector<128x128xf32>, vector<1000x128xf32> -> vector<1000x128xf32>
    %add3A_340 = vector.broadcast %get3A_80 : vector<1x128xf32> to vector<1000x128xf32>
    %add3A_341 = arith.addf %dot_general3A_339, %add3A_340 : vector<1000x128xf32>
    %slice3A_342 = vector.extract_strided_slice %add3A_341 {offsets = [0, 0], sizes = [1000, 16], strides = [1, 1]} : vector<1000x128xf32> to vector<1000x16xf32>
    %dot_general3A_343 = arith.constant dense<0.000000e+00> : vector<1000x16xf32>
    %dot_general3A_344 = tpu.matmul %slice3A_342, %get3A_83, %dot_general3A_343 {dimension_numbers = #tpu.dot_dimension_numbers<[1], [0], [0], [1], [0, 0, 1, 1], [], []>, transpose_lhs_hint = false} : vector<1000x16xf32>, vector<16x16xf32>, vector<1000x16xf32> -> vector<1000x16xf32>
    %dot_general3A_345 = arith.constant dense<0.000000e+00> : vector<1000x16xf32>
    %dot_general3A_346 = tpu.matmul %max3A_184, %get3A_86, %dot_general3A_345 {dimension_numbers = #tpu.dot_dimension_numbers<[1], [0], [0], [1], [0, 0, 1, 1], [], []>, transpose_lhs_hint = false} : vector<1000x64xf32>, vector<64x16xf32>, vector<1000x16xf32> -> vector<1000x16xf32>
    %add3A_347 = arith.addf %dot_general3A_344, %dot_general3A_346 : vector<1000x16xf32>
    %add3A_348 = vector.broadcast %get3A_89 : vector<1x16xf32> to vector<1000x16xf32>
    %add3A_349 = arith.addf %add3A_347, %add3A_348 : vector<1000x16xf32>
    %slice3A_350 = vector.extract_strided_slice %add3A_341 {offsets = [0, 16], sizes = [1000, 112], strides = [1, 1]} : vector<1000x128xf32> to vector<1000x112xf32>
    %concatenate3A = tpu.concatenate %add3A_349, %slice3A_350 in 1 : vector<1000x16xf32>, vector<1000x112xf32> -> vector<1000x128xf32>
    %reduce_sum3A_351 = arith.constant dense<0.000000e+00> : vector<1000xf32>
    %reduce_sum3A_352 = vector.multi_reduction <add>, %max3A_184, %reduce_sum3A_351 [1] : vector<1000x64xf32> to vector<1000xf32>
    %broadcast_in_dim3A_353 = vector.shape_cast %reduce_sum3A_352 : vector<1000xf32> to vector<1000x1xf32>
    %div3A_354 = arith.constant 6.400000e+01 : f32
    %div3A_355 = vector.broadcast %div3A_354 : f32 to vector<1000x1xf32>
    %div3A_356 = arith.divf %broadcast_in_dim3A_353, %div3A_355 : vector<1000x1xf32>
    %sub3A = vector.broadcast %div3A_356 : vector<1000x1xf32> to vector<1000x64xf32>
    %sub3A_357 = arith.subf %max3A_184, %sub3A : vector<1000x64xf32>
    %integer_pow3A_358 = arith.mulf %sub3A_357, %sub3A_357 : vector<1000x64xf32>
    %reduce_sum3A_359 = arith.constant dense<0.000000e+00> : vector<1000xf32>
    %reduce_sum3A_360 = vector.multi_reduction <add>, %integer_pow3A_358, %reduce_sum3A_359 [1] : vector<1000x64xf32> to vector<1000xf32>
    %broadcast_in_dim3A_361 = vector.shape_cast %reduce_sum3A_360 : vector<1000xf32> to vector<1000x1xf32>
    %div3A_362 = arith.constant 6.400000e+01 : f32
    %div3A_363 = vector.broadcast %div3A_362 : f32 to vector<1000x1xf32>
    %div3A_364 = arith.divf %broadcast_in_dim3A_361, %div3A_363 : vector<1000x1xf32>
    %sub3A_365 = vector.broadcast %div3A_356 : vector<1000x1xf32> to vector<1000x64xf32>
    %sub3A_366 = arith.subf %max3A_184, %sub3A_365 : vector<1000x64xf32>
    %add3A_367 = arith.constant 9.99999974E-6 : f32
    %add3A_368 = vector.broadcast %add3A_367 : f32 to vector<1000x1xf32>
    %add3A_369 = arith.addf %div3A_364, %add3A_368 : vector<1000x1xf32>
    %rsqrt3A = math.rsqrt %add3A_369 : vector<1000x1xf32>
    %mul3A_370 = vector.broadcast %rsqrt3A : vector<1000x1xf32> to vector<1000x64xf32>
    %mul3A_371 = arith.mulf %sub3A_366, %mul3A_370 : vector<1000x64xf32>
    %mul3A_372 = vector.broadcast %get3A_92 : vector<1x64xf32> to vector<1000x64xf32>
    %mul3A_373 = arith.mulf %mul3A_371, %mul3A_372 : vector<1000x64xf32>
    %add3A_374 = vector.broadcast %get3A_95 : vector<1x64xf32> to vector<1000x64xf32>
    %add3A_375 = arith.addf %mul3A_373, %add3A_374 : vector<1000x64xf32>
    %mul3A_376 = arith.mulf %concatenate3A, %concatenate3A : vector<1000x128xf32>
    %dot_general3A_377 = arith.constant dense<0.000000e+00> : vector<1000x16xf32>
    %dot_general3A_378 = tpu.matmul %mul3A_376, %get3A_101, %dot_general3A_377 {dimension_numbers = #tpu.dot_dimension_numbers<[1], [0], [0], [1], [0, 0, 1, 1], [], []>, transpose_lhs_hint = false} : vector<1000x128xf32>, vector<128x16xf32>, vector<1000x16xf32> -> vector<1000x16xf32>
    %sqrt3A_379 = math.sqrt %dot_general3A_378 : vector<1000x16xf32>
    %mul3A_380 = vector.broadcast %get3A_98 : vector<1x128xf32> to vector<1000x128xf32>
    %mul3A_381 = arith.mulf %mul3A_380, %concatenate3A : vector<1000x128xf32>
    %reduce_sum3A_382 = arith.constant dense<0.000000e+00> : vector<1000xf32>
    %reduce_sum3A_383 = vector.multi_reduction <add>, %sqrt3A_379, %reduce_sum3A_382 [1] : vector<1000x16xf32> to vector<1000xf32>
    %broadcast_in_dim3A_384 = vector.shape_cast %reduce_sum3A_383 : vector<1000xf32> to vector<1000x1xf32>
    %div3A_385 = arith.constant 1.600000e+01 : f32
    %div3A_386 = vector.broadcast %div3A_385 : f32 to vector<1000x1xf32>
    %div3A_387 = arith.divf %broadcast_in_dim3A_384, %div3A_386 : vector<1000x1xf32>
    %add3A_388 = arith.constant 9.99999997E-7 : f32
    %add3A_389 = vector.broadcast %add3A_388 : f32 to vector<1000x1xf32>
    %add3A_390 = arith.addf %div3A_387, %add3A_389 : vector<1000x1xf32>
    %div3A_391 = vector.broadcast %add3A_390 : vector<1000x1xf32> to vector<1000x128xf32>
    %div3A_392 = arith.divf %mul3A_381, %div3A_391 : vector<1000x128xf32>
    %swap3A = arith.constant 0 : index
    %swap3A_393 = arith.constant 0 : index
    %swap3A_394 = vector.load %arg43[%swap3A, %swap3A_393] : memref<1000x64xf32, #tpu.memory_space<vmem>>, vector<1000x64xf32>
    tpu.vector_store %arg43[%swap3A, %swap3A_393], %add3A_375 {strides = array<i32>} : memref<1000x64xf32, #tpu.memory_space<vmem>>, vector<1000x64xf32>,
    %swap3A_395 = arith.constant 0 : index
    %swap3A_396 = arith.constant 0 : index
    %swap3A_397 = vector.load %arg44[%swap3A_395, %swap3A_396] : memref<1000x128xf32, #tpu.memory_space<vmem>>, vector<1000x128xf32>
    tpu.vector_store %arg44[%swap3A_395, %swap3A_396], %div3A_392 {strides = array<i32>} : memref<1000x128xf32, #tpu.memory_space<vmem>>, vector<1000x128xf32>,
    return
  }
  func.func @transform_0(%arg0: i32) -> (i32, i32) {
    %c0_i32 = arith.constant 0 : i32
    %c0_i32_0 = arith.constant 0 : i32
    return %arg0, %c0_i32 : i32, i32
  }
  func.func @transform_1(%arg0: i32) -> (i32, i32) {
    %c0_i32 = arith.constant 0 : i32
    %c0_i32_0 = arith.constant 0 : i32
    return %arg0, %c0_i32 : i32, i32
  }
  func.func @transform_2(%arg0: i32) -> (i32, i32) {
    %c0_i32 = arith.constant 0 : i32
    %c0_i32_0 = arith.constant 0 : i32
    return %arg0, %c0_i32 : i32, i32
  }
  func.func @transform_3(%arg0: i32) -> (i32, i32) {
    %c0_i32 = arith.constant 0 : i32
    %c0_i32_0 = arith.constant 0 : i32
    return %arg0, %c0_i32 : i32, i32
  }
  func.func @transform_4(%arg0: i32) -> (i32, i32) {
    %c0_i32 = arith.constant 0 : i32
    %c0_i32_0 = arith.constant 0 : i32
    return %arg0, %c0_i32 : i32, i32
  }
  func.func @transform_5(%arg0: i32) -> (i32, i32) {
    %c0_i32 = arith.constant 0 : i32
    %c0_i32_0 = arith.constant 0 : i32
    return %arg0, %c0_i32 : i32, i32
  }
  func.func @transform_6(%arg0: i32) -> (i32, i32) {
    %c0_i32 = arith.constant 0 : i32
    %c0_i32_0 = arith.constant 0 : i32
    %c0_i32_1 = arith.constant 0 : i32
    return %c0_i32, %c0_i32_0 : i32, i32
  }
  func.func @transform_7(%arg0: i32) -> (i32, i32) {
    %c0_i32 = arith.constant 0 : i32
    %c0_i32_0 = arith.constant 0 : i32
    %c0_i32_1 = arith.constant 0 : i32
    return %c0_i32, %c0_i32_0 : i32, i32
  }
  func.func @transform_8(%arg0: i32) -> (i32, i32) {
    %c0_i32 = arith.constant 0 : i32
    %c0_i32_0 = arith.constant 0 : i32
    %c0_i32_1 = arith.constant 0 : i32
    return %c0_i32, %c0_i32_0 : i32, i32
  }
  func.func @transform_9(%arg0: i32) -> (i32, i32) {
    %c0_i32 = arith.constant 0 : i32
    %c0_i32_0 = arith.constant 0 : i32
    %c0_i32_1 = arith.constant 0 : i32
    return %c0_i32, %c0_i32_0 : i32, i32
  }
  func.func @transform_10(%arg0: i32) -> (i32, i32) {
    %c0_i32 = arith.constant 0 : i32
    %c0_i32_0 = arith.constant 0 : i32
    %c0_i32_1 = arith.constant 0 : i32
    return %c0_i32, %c0_i32_0 : i32, i32
  }
  func.func @transform_11(%arg0: i32) -> (i32, i32) {
    %c0_i32 = arith.constant 0 : i32
    %c0_i32_0 = arith.constant 0 : i32
    %c0_i32_1 = arith.constant 0 : i32
    return %c0_i32, %c0_i32_0 : i32, i32
  }
  func.func @transform_12(%arg0: i32) -> (i32, i32) {
    %c0_i32 = arith.constant 0 : i32
    %c0_i32_0 = arith.constant 0 : i32
    %c0_i32_1 = arith.constant 0 : i32
    return %c0_i32, %c0_i32_0 : i32, i32
  }
  func.func @transform_13(%arg0: i32) -> (i32, i32) {
    %c0_i32 = arith.constant 0 : i32
    %c0_i32_0 = arith.constant 0 : i32
    %c0_i32_1 = arith.constant 0 : i32
    return %c0_i32, %c0_i32_0 : i32, i32
  }
  func.func @transform_14(%arg0: i32) -> (i32, i32) {
    %c0_i32 = arith.constant 0 : i32
    %c0_i32_0 = arith.constant 0 : i32
    %c0_i32_1 = arith.constant 0 : i32
    return %c0_i32, %c0_i32_0 : i32, i32
  }
  func.func @transform_15(%arg0: i32) -> (i32, i32) {
    %c0_i32 = arith.constant 0 : i32
    %c0_i32_0 = arith.constant 0 : i32
    %c0_i32_1 = arith.constant 0 : i32
    return %c0_i32, %c0_i32_0 : i32, i32
  }
  func.func @transform_16(%arg0: i32) -> (i32, i32) {
    %c0_i32 = arith.constant 0 : i32
    %c0_i32_0 = arith.constant 0 : i32
    %c0_i32_1 = arith.constant 0 : i32
    return %c0_i32, %c0_i32_0 : i32, i32
  }
  func.func @transform_17(%arg0: i32) -> (i32, i32) {
    %c0_i32 = arith.constant 0 : i32
    %c0_i32_0 = arith.constant 0 : i32
    %c0_i32_1 = arith.constant 0 : i32
    return %c0_i32, %c0_i32_0 : i32, i32
  }
  func.func @transform_18(%arg0: i32) -> (i32, i32) {
    %c0_i32 = arith.constant 0 : i32
    %c0_i32_0 = arith.constant 0 : i32
    %c0_i32_1 = arith.constant 0 : i32
    return %c0_i32, %c0_i32_0 : i32, i32
  }
  func.func @transform_19(%arg0: i32) -> (i32, i32) {
    %c0_i32 = arith.constant 0 : i32
    %c0_i32_0 = arith.constant 0 : i32
    %c0_i32_1 = arith.constant 0 : i32
    return %c0_i32, %c0_i32_0 : i32, i32
  }
  func.func @transform_20(%arg0: i32) -> (i32, i32) {
    %c0_i32 = arith.constant 0 : i32
    %c0_i32_0 = arith.constant 0 : i32
    %c0_i32_1 = arith.constant 0 : i32
    return %c0_i32, %c0_i32_0 : i32, i32
  }
  func.func @transform_21(%arg0: i32) -> (i32, i32) {
    %c0_i32 = arith.constant 0 : i32
    %c0_i32_0 = arith.constant 0 : i32
    %c0_i32_1 = arith.constant 0 : i32
    return %c0_i32, %c0_i32_0 : i32, i32
  }
  func.func @transform_22(%arg0: i32) -> (i32, i32) {
    %c0_i32 = arith.constant 0 : i32
    %c0_i32_0 = arith.constant 0 : i32
    %c0_i32_1 = arith.constant 0 : i32
    return %c0_i32, %c0_i32_0 : i32, i32
  }
  func.func @transform_23(%arg0: i32) -> (i32, i32) {
    %c0_i32 = arith.constant 0 : i32
    %c0_i32_0 = arith.constant 0 : i32
    %c0_i32_1 = arith.constant 0 : i32
    return %c0_i32, %c0_i32_0 : i32, i32
  }
  func.func @transform_24(%arg0: i32) -> (i32, i32, i32) {
    %c0_i32 = arith.constant 0 : i32
    %c0_i32_0 = arith.constant 0 : i32
    %c0_i32_1 = arith.constant 0 : i32
    %c0_i32_2 = arith.constant 0 : i32
    return %c0_i32, %c0_i32_0, %c0_i32_1 : i32, i32, i32
  }
  func.func @transform_25(%arg0: i32) -> (i32, i32) {
    %c0_i32 = arith.constant 0 : i32
    %c0_i32_0 = arith.constant 0 : i32
    %c0_i32_1 = arith.constant 0 : i32
    return %c0_i32, %c0_i32_0 : i32, i32
  }
  func.func @transform_26(%arg0: i32) -> (i32, i32) {
    %c0_i32 = arith.constant 0 : i32
    %c0_i32_0 = arith.constant 0 : i32
    %c0_i32_1 = arith.constant 0 : i32
    return %c0_i32, %c0_i32_0 : i32, i32
  }
  func.func @transform_27(%arg0: i32) -> (i32, i32) {
    %c0_i32 = arith.constant 0 : i32
    %c0_i32_0 = arith.constant 0 : i32
    %c0_i32_1 = arith.constant 0 : i32
    return %c0_i32, %c0_i32_0 : i32, i32
  }
  func.func @transform_28(%arg0: i32) -> (i32, i32) {
    %c0_i32 = arith.constant 0 : i32
    %c0_i32_0 = arith.constant 0 : i32
    %c0_i32_1 = arith.constant 0 : i32
    return %c0_i32, %c0_i32_0 : i32, i32
  }
  func.func @transform_29(%arg0: i32) -> (i32, i32) {
    %c0_i32 = arith.constant 0 : i32
    %c0_i32_0 = arith.constant 0 : i32
    %c0_i32_1 = arith.constant 0 : i32
    return %c0_i32, %c0_i32_0 : i32, i32
  }
  func.func @transform_30(%arg0: i32) -> (i32, i32) {
    %c0_i32 = arith.constant 0 : i32
    %c0_i32_0 = arith.constant 0 : i32
    %c0_i32_1 = arith.constant 0 : i32
    return %c0_i32, %c0_i32_0 : i32, i32
  }
  func.func @transform_31(%arg0: i32) -> (i32, i32) {
    %c0_i32 = arith.constant 0 : i32
    %c0_i32_0 = arith.constant 0 : i32
    %c0_i32_1 = arith.constant 0 : i32
    return %c0_i32, %c0_i32_0 : i32, i32
  }
  func.func @transform_32(%arg0: i32) -> (i32, i32) {
    %c0_i32 = arith.constant 0 : i32
    %c0_i32_0 = arith.constant 0 : i32
    %c0_i32_1 = arith.constant 0 : i32
    return %c0_i32, %c0_i32_0 : i32, i32
  }
  func.func @transform_33(%arg0: i32) -> (i32, i32) {
    %c0_i32 = arith.constant 0 : i32
    %c0_i32_0 = arith.constant 0 : i32
    %c0_i32_1 = arith.constant 0 : i32
    return %c0_i32, %c0_i32_0 : i32, i32
  }
  func.func @transform_34(%arg0: i32) -> (i32, i32) {
    %c0_i32 = arith.constant 0 : i32
    %c0_i32_0 = arith.constant 0 : i32
    %c0_i32_1 = arith.constant 0 : i32
    return %c0_i32, %c0_i32_0 : i32, i32
  }
  func.func @transform_35(%arg0: i32) -> (i32, i32) {
    %c0_i32 = arith.constant 0 : i32
    %c0_i32_0 = arith.constant 0 : i32
    %c0_i32_1 = arith.constant 0 : i32
    return %c0_i32, %c0_i32_0 : i32, i32
  }
  func.func @transform_36(%arg0: i32) -> (i32, i32) {
    %c0_i32 = arith.constant 0 : i32
    %c0_i32_0 = arith.constant 0 : i32
    %c0_i32_1 = arith.constant 0 : i32
    return %c0_i32, %c0_i32_0 : i32, i32
  }
  func.func @transform_37(%arg0: i32) -> (i32, i32) {
    %c0_i32 = arith.constant 0 : i32
    %c0_i32_0 = arith.constant 0 : i32
    %c0_i32_1 = arith.constant 0 : i32
    return %c0_i32, %c0_i32_0 : i32, i32
  }
  func.func @transform_38(%arg0: i32) -> (i32, i32) {
    %c0_i32 = arith.constant 0 : i32
    %c0_i32_0 = arith.constant 0 : i32
    %c0_i32_1 = arith.constant 0 : i32
    return %c0_i32, %c0_i32_0 : i32, i32
  }
  func.func @transform_39(%arg0: i32) -> (i32, i32) {
    %c0_i32 = arith.constant 0 : i32
    %c0_i32_0 = arith.constant 0 : i32
    %c0_i32_1 = arith.constant 0 : i32
    return %c0_i32, %c0_i32_0 : i32, i32
  }
  func.func @transform_40(%arg0: i32) -> (i32, i32) {
    %c0_i32 = arith.constant 0 : i32
    %c0_i32_0 = arith.constant 0 : i32
    %c0_i32_1 = arith.constant 0 : i32
    return %c0_i32, %c0_i32_0 : i32, i32
  }
  func.func @transform_41(%arg0: i32) -> (i32, i32) {
    %c0_i32 = arith.constant 0 : i32
    %c0_i32_0 = arith.constant 0 : i32
    %c0_i32_1 = arith.constant 0 : i32
    return %c0_i32, %c0_i32_0 : i32, i32
  }
  func.func @transform_42(%arg0: i32) -> (i32, i32) {
    %c0_i32 = arith.constant 0 : i32
    %c0_i32_0 = arith.constant 0 : i32
    return %arg0, %c0_i32 : i32, i32
  }
  func.func @transform_43(%arg0: i32) -> (i32, i32) {
    %c0_i32 = arith.constant 0 : i32
    %c0_i32_0 = arith.constant 0 : i32
    return %arg0, %c0_i32 : i32, i32
  }
}

</mosaic_0001>

<sc_bundles>
// kernel: kernel.12.cloned.1.call-start
scs
__scs_entry_jumppad:
0x0: {  	(pc) =	sbr.rel $0x88, $3  }
0x1: {  	(tag) =	ssettag $0x0;
	lr =	simm.s32 $0x1  }
0x2: {  	[smem:$0x3F67] =	sst lr;
	_ =	strace $0xD0000000  }
0x3: {  	_ = 	snop  }
0x4: {  	_ = 	snop  }
0x5: {  	_ = 	snop  }
0x6: {  	_ = 	snop  }
0x7: {  	_ = 	snop  }
__scs_overlays_trampoline_lowered:
0x8: {  	[smem:$0x3F76] =	sst s0  }
0x9: {  	[smem:$0x3F77] =	sst s1  }
0xa: {  	[smem:$0x3F78] =	sst s2  }
0xb: {  	[smem:$0x3F79] =	sst s3  }
0xc: {  	[smem:$0x3F7A] =	sst s4  }
0xd: {  	[smem:$0x3F7B] =	sst s5  }
0xe: {  	[smem:$0x3F7C] =	sst s6  }
0xf: {  	[smem:$0x3F7D] =	sst s7  }
0x10: {  	[smem:$0x3F7E] =	sst s8  }
0x11: {  	[smem:$0x3F7F] =	sst s9;
	s0 =	simm.s32 @!p0 $0x0  }
0x12: {  	s1 =	sld [smem:$0x3F65];
	s0 =	simm.s32 @p0 $0x1  }
0x13: {  	[smem:$0x3F80] =	sst s0;
	s0 =	simm.s32 @!p1 $0x0  }
0x14: {  	s2 =	sld [smem:$0x3F64];
	s0 =	simm.s32 @p1 $0x1  }
0x15: {  	[smem:$0x3F81] =	sst s0;
	s0 =	simm.s32 @!p2 $0x0  }
0x16: {  	s3 =	sld [smem:$0x3FDB];
	s0 =	simm.s32 @p2 $0x1  }
0x17: {  	s4 =	simm.s32 $0x1BF5;
	[smem:$0x3F83] =	sst s0  }
0x18: {  	s0 =	sld [smem:$0x3F66];
	_ =	swait.ge [sflag:s4], $0x0  }
0x19: {  	s7 =	sld [smem:$0x3F67]  }
0x1a: {  	s8 =	sadd.s32 $0xFFFFE003, lr  }
0x1b: {  	s9 =	sadd.s32 $0xFFFFFEF7, lr;
	s5 =	simm.s32 $0xFFFFFFFF;
	p2 =	slt.u32 s8, $0xFFFFF086  }
0x1c: {  	p1 =	slt.u32 s9, $0xF7A;
	s5 =	simm.s32 @!p2 $0x0  }
0x1d: {  	s5 =	simm.s32 @p1 $0x1;
	p0 =	seq.s32 s7, s2  }
0x1e: {  	s7 =	smul.u32 @!p0 $0xF7A, s2;
	p2 =	seq.s32 @!p0 s5, $0x0  }
0x1f: {  	s9 =	smul.u32 $0xF7A, s1;
	s8 =	simm.s32 @!p0 $0x1BF5;
	p2 =	por !p2, p0  }
0x20: {  	[sflag:s8] =	ssyncset.s32 @!p0 $0xFFFFF086;
	s6 =	sadd.s32 @!p0 s3, s7;
	s7 =	simm.s32 @!p0 $0x108  }
0x21: {  	s3 =	sadd.s32 s3, s9;
	s6 =	sadd.s32 @!p0 $0x88, s6;
	s7 =	simm.s32 @p2 $0x1082  }
0x22: {  	[simem:s7], [sflag:s8] =	dma.local @!p0 [hbm:s6], $0xF7A  }
0x23: {  	s9 =	sor.u32 $0xD0000000, s2;
	s6 =	simm.s32 $0x108;
	_ =	swait.ge @!p0 [sflag:s8], $0x0  }
0x24: {  	s3 =	sadd.s32 $0x88, s3;
	s6 =	simm.s32 @!p1 $0x1082;
	[sflag:s4] =	ssyncset.s32 $0xFFFFF086  }
0x25: {  	[simem:s6], [sflag:s4] =	dma.local [hbm:s3], $0xF7A  }
0x26: {  	[smem:$0x3F67] =	sst s1;
	(tag) =	ssettag s2;
	_ =	strace s9  }
0x27: {  	s1 =	sld [smem:$0x3F77]  }
0x28: {  	s2 =	sld [smem:$0x3F78]  }
0x29: {  	s4 =	sld [smem:$0x3F7A]  }
0x2a: {  	p0 =	seq.s32 s5, $0x0;
	s5 =	sld [smem:$0x3F7B]  }
0x2b: {  	s6 =	sld [smem:$0x3F7C]  }
0x2c: {  	s7 =	sld [smem:$0x3F7D]  }
0x2d: {  	s3 =	simm.s32 $0x108;
	s8 =	sld [smem:$0x3F7E]  }
0x2e: {  	s3 =	simm.s32 @!p0 $0x1082;
	s9 =	sld [smem:$0x3F7F]  }
0x2f: {  	lr =	sadd.s32 s0, s3;
	s0 =	sld [smem:$0x3F76]  }
0x30: {  	s3 =	sld [smem:$0x3F79]  }
0x31: {  	[smem:$0x3F82] =	sst s10  }
0x32: {  	s10 =	sld [smem:$0x3F80];
	_ =	sdelay $0x3  }
0x33: {  	p0 =	seq.s32 s10, $0x1;
	s10 =	sld [smem:$0x3F82];
	_ =	sdelay $0x3  }
0x34: {  	[smem:$0x3F82] =	sst s10  }
0x35: {  	s10 =	sld [smem:$0x3F81];
	_ =	sdelay $0x3  }
0x36: {  	p1 =	seq.s32 s10, $0x1;
	s10 =	sld [smem:$0x3F82];
	_ =	sdelay $0x3  }
0x37: {  	[smem:$0x3F82] =	sst s10  }
0x38: {  	s10 =	sld [smem:$0x3F83]  }
0x39: {  	_ = 	snop;
	(pc) =	sbr.ind lr, $3  }
0x3a: {  	_ = 	snop  }
0x3b: {  	_ = 	snop  }
0x3c: {  	p2 =	seq.s32 s10, $0x1;
	s10 =	sld [smem:$0x3F82]  }
0x3d: {  	_ =	shalt  }
0x3e: {  	_ =	shalt  }
0x3f: {  	_ =	shalt  }
0x40: {  	_ =	shalt  }
0x41: {  	_ =	shalt  }
0x42: {  	_ =	shalt  }
0x43: {  	_ =	shalt  }
0x44: {  	_ =	shalt  }
0x45: {  	_ =	shalt  }
0x46: {  	_ =	shalt  }
0x47: {  	_ =	shalt  }
0x48: {  	_ =	shalt  }
0x49: {  	_ =	shalt  }
0x4a: {  	_ =	shalt  }
0x4b: {  	_ =	shalt  }
0x4c: {  	_ =	shalt  }
0x4d: {  	_ =	shalt  }
0x4e: {  	_ =	shalt  }
0x4f: {  	_ =	shalt  }
0x50: {  	_ =	shalt  }
0x51: {  	_ =	shalt  }
0x52: {  	_ =	shalt  }
0x53: {  	_ =	shalt  }
0x54: {  	_ =	shalt  }
0x55: {  	_ =	shalt  }
0x56: {  	_ =	shalt  }
0x57: {  	_ =	shalt  }
0x58: {  	_ =	shalt  }
0x59: {  	_ =	shalt  }
0x5a: {  	_ =	shalt  }
0x5b: {  	_ =	shalt  }
0x5c: {  	_ =	shalt  }
0x5d: {  	_ =	shalt  }
0x5e: {  	_ =	shalt  }
0x5f: {  	_ =	shalt  }
0x60: {  	_ =	shalt  }
0x61: {  	_ =	shalt  }
0x62: {  	_ =	shalt  }
0x63: {  	_ =	shalt  }
0x64: {  	_ =	shalt  }
0x65: {  	_ =	shalt  }
0x66: {  	_ =	shalt  }
0x67: {  	_ =	shalt  }
0x68: {  	_ =	shalt  }
0x69: {  	_ =	shalt  }
0x6a: {  	_ =	shalt  }
0x6b: {  	_ =	shalt  }
0x6c: {  	_ =	shalt  }
0x6d: {  	_ =	shalt  }
0x6e: {  	_ =	shalt  }
0x6f: {  	_ =	shalt  }
0x70: {  	_ =	shalt  }
0x71: {  	_ =	shalt  }
0x72: {  	_ =	shalt  }
0x73: {  	_ =	shalt  }
0x74: {  	_ =	shalt  }
0x75: {  	_ =	shalt  }
0x76: {  	_ =	shalt  }
0x77: {  	_ =	shalt  }
0x78: {  	_ =	shalt  }
0x79: {  	_ =	shalt  }
0x7a: {  	_ =	shalt  }
0x7b: {  	_ =	shalt  }
0x7c: {  	_ =	shalt  }
0x7d: {  	_ =	shalt  }
0x7e: {  	_ =	shalt  }
0x7f: {  	_ =	shalt  }
0x80: {  	_ =	shalt  }
0x81: {  	_ =	shalt  }
0x82: {  	_ =	shalt  }
0x83: {  	_ =	shalt  }
0x84: {  	_ =	shalt  }
0x85: {  	_ =	shalt  }
0x86: {  	_ =	shalt  }
0x87: {  	_ =	shalt  }
.Lfunc_end0:
.L_simem_size_0:
called_computation.1_lowered:
.L_overlay_start_0:
0x88: {  	s2 =	sld [smem:$0x3FD9]  }
0x89: {  	s3 =	sld [smem:$0x3FFE];
	_ =	sdelay $0x1  }
0x8a: {  	s1 =	srdreg.scid  }
0x8b: {  	s0 =	sand.u32 $0x1, s1  }
0x8c: {  	s16 =	sshll.u32 s0, $0xA;
	s2 =	sadd.s32 s3, s2  }
0x8d: {  	s2 =	sadd.s32 s2, s16  }
0x8e: {  	[smem:$0x3F8E] =	sst s2  }
0x8f: {  	_ = 	snop  }
0x90: {  	(tm) =	ssettm $0x1  }
0x91: {  	s17 =	sld [smem:$0x3FFB];
	_ =	sdelay $0x3  }
0x92: {  	_ =	strace s17  }
0x93: {  	s2 =	sld [smem:$0x3FFC];
	_ =	sdelay $0x3  }
0x94: {  	_ =	strace s2  }
0x95: {  	s2 =	sld [smem:$0x3FFD];
	_ =	sdelay $0x3  }
0x96: {  	_ =	strace s2  }
0x97: {  	_ =	strace $0x8FFFFFFF  }
0x98: {  	s18 =	sld [smem:$0x3FDB];
	_ =	sdelay $0x1  }
0x99: {  	s19 =	simm.s32 $_scs_section_size  }
0x9a: {  	s4 =	simm.s32 $_size__tile_overlayer_lowered;
	s5 =	simm.s32 $_tile_overlayer_lowered  }
0x9b: {  	s22 =	simm.s32 $0x1BFF;
	s21 =	sshll.u32 s5, $0x1;
	s2 =	sadd.s32 s19, s18  }
0x9c: {  	s6 =	simm.s32 $0x0;
	s20 =	sshll.u32 s4, $0x1;
	s4 =	sadd.s32 s21, s2  }
0x9d: {  	[timem:s6], [sflag:s22] =	dma.local [hbm:s4], s20  }
0x9e: {  	_ =	swait.ge [sflag:s22], s20  }
0x9f: {  	s3 =	ssub.s32 $0x0, s20;
	[sflag:s22] =	ssyncset.done $0x0  }
0xa0: {  	[sflag:s22] =	ssyncadd.s32 s3;
	_ =	sdelay $0x1  }
0xa1: {  	s23 =	simm.s32 $0x1B8B  }
0xa2: {  	_ =	swait.ge [sflag:s23], $0x1  }
0xa3: {  	[sflag:s23] =	ssyncset.done $0x0  }
0xa4: {  	s25 =	simm.s32 $0x1B8E;
	s24 =	sld [smem:$0x3FFE];
	[sflag:s23] =	ssyncadd.s32 $0xFFFFFFFF  }
0xa5: {  	s26 =	simm.s32 $execute0_lowered;
	[smem:$0x3FD2] =	sst s25  }
0xa6: {  	s4 =	sshll.u32 s26, $0x1;
	_ =	strace $0x80000046;
	[dreg:$0x1] =	wrdreg $0xFFFFFFFF  }
0xa7: {  	s28 =	simm.s32 $_size_execute0_lowered;
	s2 =	sadd.s32 s2, s4;
	[dreg:$0x0] =	wrdreg $0x0  }
0xa8: {  	s4 =	sshll.u32 s28, $0x1;
	[dreg:$0x2] =	wrdreg s2  }
0xa9: {  	[dreg:$0x3] =	wrdreg s4  }
0xaa: {  	[dreg:$0x4] =	wrdreg $0xC0  }
0xab: {  	_ =	task [dreg:s6], $0x5FFFF  }
0xac: {  	[dreg:$0x1] =	wrdreg $0xFFFFFFFF  }
0xad: {  	[dreg:$0x0] =	wrdreg $0x60  }
0xae: {  	[dreg:$0x2] =	wrdreg s24  }
0xaf: {  	[dreg:$0x3] =	wrdreg $0xA  }
0xb0: {  	_ =	task.clear_ibuf [dreg:s6], $0x4FFFF;
	_ =	strace $0x90000046  }
0xb1: {  	s29 =	simm.s32 $0xA;
	_ =	strace $0x80000048  }
0xb2: {  	_ =	swait.ge [sflag:s29], $0x1  }
0xb3: {  	[sflag:s29] =	ssyncadd.s32 $0xFFFFFFFF  }
0xb4: {  	_ =	strace $0x90000048  }
0xb5: {  	_ =	sfence  }
0xb6: {  	s30 =	sld [smem:$0x0];
	_ =	sdelay $0x2  }
0xb7: {  	s31 =	sshll.u32 s1, $0xD;
	s1 =	sshrl.u32 s1, $0x2  }
0xb8: {  	s3 =	sand.u32 $0x4000, s31;
	s1 =	sadd.s32 s1, s30  }
0xb9: {  	s0 =	sor.u32 s3, s0;
	s1 =	sshll.u32 s1, $0x11  }
0xba: {  	s0 =	sor.u32 s1, s0  }
0xbb: {  	s0 =	sadd.s32 $0x8F2B, s0  }
0xbc: {  	[sflag:s0] =	ssyncadd.remote.s32 $0x1  }
0xbd: {  	_ =	sfence.sel $0xFFFF  }
0xbe: {  	[dreg:$0x0] =	wrdreg $0xFFFFFFFF;
	(pc) =	sbr.abs _section_cstart, $3  }
0xbf: {  	[dreg:$0x1] =	wrdreg $0xFFFFFFFF  }
0xc0: {  	_ =	task.clear_ibuf [dreg:s6], $0x2FFFF;
	_ =	strace $0x9FFFFFFF  }
0xc1: {  	(tm) =	ssettm $0x7FFFFFFF  }
tec
execute0_lowered:
.L_overlay_start_1:
0x0: {  	(tag) =	ssettag $0x1  }
0x1: {  	s0 =	rddreg [dreg:$0x0]  }
0x2: {  	s1 =	srdreg.scid;
	s6 =	stileid.u32  }
0x3: {  	s2 =	simm.s32 $0x0;
	s8 =	simm.s32 $0x100;
	s13 =	simm.s32 $0x2900  }
0x4: {  	s14 =	simm.s32 $0x3100;
	s15 =	simm.s32 $0x3900;
	s16 =	simm.s32 $0x4100  }
0x5: {  	s17 =	simm.s32 $0x4900;
	s18 =	simm.s32 $0x5100;
	s19 =	simm.s32 $0x5900  }
0x6: {  	s20 =	simm.s32 $0x6100;
	s28 =	simm.s32 $0x9900;
	s29 =	simm.s32 $0xA100  }
0x7: {  	s30 =	simm.s32 $0xA900;
	s31 =	simm.s32 $0xB100;
	s4 =	smul.u32 $0x2710, s6  }
0x8: {  	s1 =	sand.u32 $0x1, s1;
	[smem:$0x7FF] =	sst s2;
	s21 =	smul.u32 $0x4E200, s6  }
0x9: {  	s3 =	sadd.s32 $0x47A00, s0;
	s5 =	smul.u32 $0x1388, s1;
	s22 =	ssub.s32 $0x2, s1  }
0xa: {  	s6 =	simm.s32 $0x0;
	_ =	strace $0x80000047;
	s7 =	sshrl.u32 s22, $0x1  }
0xb: {  	s1 =	smul.u32 $0x27100, s1;
	s4 =	sadd.s32 s5, s4;
	s23 =	ssub.s32 s22, s7  }
0xc: {  	s7 =	simm.s32 $0x2;
	s22 =	simm.s32 $0x7100;
	s4 =	sshrl.u32 s4, $0x3  }
0xd: {  	s5 =	smax.u32 s23, $0x1;
	s23 =	simm.s32 $0x7900;
	s4 =	sadd.s32 s4, s0  }
0xe: {  	s0 =	sadd.s32 s21, s0;
	[dreg:$0x4] =	wrdreg s5;
	s21 =	simm.s32 $0x6900  }
0xf: {  	s0 =	sadd.s32 s1, s0;
	s24 =	sadd.s32 $0x16800, s4;
	s26 =	sadd.s32 $0x1B800, s4  }
0x10: {  	s1 =	simm.s32 $0xC100;
	s4 =	simm.s32 $0x1;
	[dreg:$0x2] =	wrdreg s24  }
0x11: {  	v2 =	vlaneseq.u32;
	s25 =	sadd.s32 $0x95C00, s0;
	s0 =	sadd.s32 $0x577C00, s0;
	[dreg:$0x3] =	wrdreg s26  }
0x12: {  	vm0 =	vmmov $0xffff;
	v1 =	vshrl.u32 v2, $0x3;
	s24 =	simm.s32 $0x8100;
	s26 =	simm.s32 $0x9100;
	[dreg:$0x5] =	wrdreg s25  }
0x13: {  	v0 =	vand.u32 $0x7, v2;
	v2 =	vor.u32 $0x8, v2;
	v1 =	vmul.u32 $0x8, v1;
	[dreg:$0x6] =	wrdreg s0;
	s25 =	simm.s32 $0x8900;
	s0 =	simm.s32 $0xB900  }
.LBB2_1:
0x14: {  	[dreg:$0x7] =	wrdreg s6  }
0x15: {  	s6 =	rddreg [dreg:$0x6]  }
0x16: {  	s5 =	rddreg [dreg:$0x5];
	s9 =	simm.s32 $0x0  }
.LBB2_2:
0x17: {  	s10 =	rddreg [dreg:$0x3]  }
0x18: {  	s10 =	sadd.s32 s9, s10  }
0x19: {  	[tilespmem:s2], [sflag:$0x2] =	stream.linear.gather [hbm4b:s10+s2], $0xC8, $0x38;
	[tilespmem:$0xC900] =	vst v63  }
0x1a: {  	_ =	swait.ge [sflag:s7], $0xC8  }
0x1b: {  	[sflag:s7] =	ssyncset.done $0x0  }
0x1c: {  	[sflag:s7] =	ssyncadd.s32 $0xFFFFFF38  }
0x1d: {  	v3 =	vld [tilespmem:$0x0];
	_ =	sdelay $0x4  }
0x1e: {  	v4 =	vshll.u32 v3, $0x1  }
0x1f: {  	v3 =	vand.u32 $0x7, v3;
	v4 =	vand.u32 $0xFFFFFFF0, v4  }
0x20: {  	v3 =	vor.u32 v3, v4  }
0x21: {  	v4 =	vperm.xlane v3, v0;
	_ =	sdelay $0x1  }
0x22: {  	v3 =	vperm.xlane v3, v2;
	v4 =	vadd.s32 v1, v4;
	_ =	sdelay $0x1  }
0x23: {  	v3 =	vadd.s32 v1, v3;
	_ =	sdelay $0x2  }
0x24: {  	[tilespmem:s8], [sflag:$0x1] =	stream.indirect_vreg.gather [hbm4b:s3+s2], $0x80, v4, vm0, $0xb8;
	[tilespmem:$0xC900] =	vst v63  }
0x25: {  	s11 =	simm.s32 $0x900  }
0x26: {  	[tilespmem:s11], [sflag:$0x1] =	stream.indirect_vreg.gather [hbm4b:s3+s2], $0x80, v3, vm0, $0xb8;
	[tilespmem:$0xC900] =	vst v63  }
0x27: {  	v3 =	vld [tilespmem:$0x10];
	_ =	sdelay $0x4  }
0x28: {  	v39 =	vshll.u32 v3, $0x1  }
0x29: {  	v3 =	vand.u32 $0x7, v3;
	v4 =	vand.u32 $0xFFFFFFF0, v39  }
0x2a: {  	v3 =	vor.u32 v3, v4  }
0x2b: {  	v4 =	vperm.xlane v3, v0;
	_ =	sdelay $0x1  }
0x2c: {  	v3 =	vperm.xlane v3, v2;
	v4 =	vadd.s32 v1, v4;
	_ =	sdelay $0x1  }
0x2d: {  	v3 =	vadd.s32 v1, v3;
	_ =	sdelay $0x1  }
0x2e: {  	s11 =	simm.s32 $0x1100  }
0x2f: {  	[tilespmem:s11], [sflag:$0x1] =	stream.indirect_vreg.gather [hbm4b:s3+s2], $0x80, v4, vm0, $0xb8;
	[tilespmem:$0xC900] =	vst v63  }
0x30: {  	s12 =	simm.s32 $0x1900  }
0x31: {  	[tilespmem:s12], [sflag:$0x1] =	stream.indirect_vreg.gather [hbm4b:s3+s2], $0x80, v3, vm0, $0xb8;
	[tilespmem:$0xC900] =	vst v63  }
0x32: {  	v3 =	vld [tilespmem:$0x20];
	_ =	sdelay $0x4  }
0x33: {  	v40 =	vshll.u32 v3, $0x1  }
0x34: {  	v3 =	vand.u32 $0x7, v3;
	v4 =	vand.u32 $0xFFFFFFF0, v40  }
0x35: {  	v3 =	vor.u32 v3, v4  }
0x36: {  	v4 =	vperm.xlane v3, v0;
	_ =	sdelay $0x1  }
0x37: {  	v3 =	vperm.xlane v3, v2;
	v4 =	vadd.s32 v1, v4;
	_ =	sdelay $0x1  }
0x38: {  	v3 =	vadd.s32 v1, v3;
	_ =	sdelay $0x1  }
0x39: {  	s12 =	simm.s32 $0x2100  }
0x3a: {  	[tilespmem:s12], [sflag:$0x1] =	stream.indirect_vreg.gather [hbm4b:s3+s2], $0x80, v4, vm0, $0xb8;
	[tilespmem:$0xC900] =	vst v63  }
0x3b: {  	_ = 	snop  }
0x3c: {  	[tilespmem:s13], [sflag:$0x1] =	stream.indirect_vreg.gather [hbm4b:s3+s2], $0x80, v3, vm0, $0xb8;
	[tilespmem:$0xC900] =	vst v63  }
0x3d: {  	v3 =	vld [tilespmem:$0x30];
	_ =	sdelay $0x4  }
0x3e: {  	v41 =	vshll.u32 v3, $0x1  }
0x3f: {  	v3 =	vand.u32 $0x7, v3;
	v4 =	vand.u32 $0xFFFFFFF0, v41  }
0x40: {  	v3 =	vor.u32 v3, v4  }
0x41: {  	v4 =	vperm.xlane v3, v0;
	_ =	sdelay $0x1  }
0x42: {  	v3 =	vperm.xlane v3, v2;
	v4 =	vadd.s32 v1, v4;
	_ =	sdelay $0x1  }
0x43: {  	v3 =	vadd.s32 v1, v3;
	_ =	sdelay $0x2  }
0x44: {  	[tilespmem:s14], [sflag:$0x1] =	stream.indirect_vreg.gather [hbm4b:s3+s2], $0x80, v4, vm0, $0xb8;
	[tilespmem:$0xC900] =	vst v63  }
0x45: {  	_ = 	snop  }
0x46: {  	[tilespmem:s15], [sflag:$0x1] =	stream.indirect_vreg.gather [hbm4b:s3+s2], $0x80, v3, vm0, $0xb8;
	[tilespmem:$0xC900] =	vst v63  }
0x47: {  	v3 =	vld [tilespmem:$0x40];
	_ =	sdelay $0x4  }
0x48: {  	v42 =	vshll.u32 v3, $0x1  }
0x49: {  	v3 =	vand.u32 $0x7, v3;
	v4 =	vand.u32 $0xFFFFFFF0, v42  }
0x4a: {  	v3 =	vor.u32 v3, v4  }
0x4b: {  	v4 =	vperm.xlane v3, v0;
	_ =	sdelay $0x1  }
0x4c: {  	v3 =	vperm.xlane v3, v2;
	v4 =	vadd.s32 v1, v4;
	_ =	sdelay $0x1  }
0x4d: {  	v3 =	vadd.s32 v1, v3;
	_ =	sdelay $0x2  }
0x4e: {  	[tilespmem:s16], [sflag:$0x1] =	stream.indirect_vreg.gather [hbm4b:s3+s2], $0x80, v4, vm0, $0xb8;
	[tilespmem:$0xC900] =	vst v63  }
0x4f: {  	_ = 	snop  }
0x50: {  	[tilespmem:s17], [sflag:$0x1] =	stream.indirect_vreg.gather [hbm4b:s3+s2], $0x80, v3, vm0, $0xb8;
	[tilespmem:$0xC900] =	vst v63  }
0x51: {  	v3 =	vld [tilespmem:$0x50];
	_ =	sdelay $0x4  }
0x52: {  	v43 =	vshll.u32 v3, $0x1  }
0x53: {  	v3 =	vand.u32 $0x7, v3;
	v4 =	vand.u32 $0xFFFFFFF0, v43  }
0x54: {  	v3 =	vor.u32 v3, v4  }
0x55: {  	v4 =	vperm.xlane v3, v0;
	_ =	sdelay $0x1  }
0x56: {  	v3 =	vperm.xlane v3, v2;
	v4 =	vadd.s32 v1, v4;
	_ =	sdelay $0x1  }
0x57: {  	v3 =	vadd.s32 v1, v3;
	_ =	sdelay $0x2  }
0x58: {  	[tilespmem:s18], [sflag:$0x1] =	stream.indirect_vreg.gather [hbm4b:s3+s2], $0x80, v4, vm0, $0xb8;
	[tilespmem:$0xC900] =	vst v63  }
0x59: {  	_ = 	snop  }
0x5a: {  	[tilespmem:s19], [sflag:$0x1] =	stream.indirect_vreg.gather [hbm4b:s3+s2], $0x80, v3, vm0, $0xb8;
	[tilespmem:$0xC900] =	vst v63  }
0x5b: {  	v3 =	vld [tilespmem:$0x60];
	_ =	sdelay $0x4  }
0x5c: {  	v44 =	vshll.u32 v3, $0x1  }
0x5d: {  	v3 =	vand.u32 $0x7, v3;
	v4 =	vand.u32 $0xFFFFFFF0, v44  }
0x5e: {  	v3 =	vor.u32 v3, v4  }
0x5f: {  	v4 =	vperm.xlane v3, v0;
	_ =	sdelay $0x1  }
0x60: {  	v3 =	vperm.xlane v3, v2;
	v4 =	vadd.s32 v1, v4;
	_ =	sdelay $0x1  }
0x61: {  	v3 =	vadd.s32 v1, v3;
	_ =	sdelay $0x2  }
0x62: {  	[tilespmem:s20], [sflag:$0x1] =	stream.indirect_vreg.gather [hbm4b:s3+s2], $0x80, v4, vm0, $0xb8;
	[tilespmem:$0xC900] =	vst v63  }
0x63: {  	_ = 	snop  }
0x64: {  	[tilespmem:s21], [sflag:$0x1] =	stream.indirect_vreg.gather [hbm4b:s3+s2], $0x80, v3, vm0, $0xb8;
	[tilespmem:$0xC900] =	vst v63  }
0x65: {  	v3 =	vld [tilespmem:$0x70];
	_ =	sdelay $0x4  }
0x66: {  	v45 =	vshll.u32 v3, $0x1  }
0x67: {  	v3 =	vand.u32 $0x7, v3;
	v4 =	vand.u32 $0xFFFFFFF0, v45  }
0x68: {  	v3 =	vor.u32 v3, v4  }
0x69: {  	v4 =	vperm.xlane v3, v0;
	_ =	sdelay $0x1  }
0x6a: {  	v3 =	vperm.xlane v3, v2;
	v4 =	vadd.s32 v1, v4;
	_ =	sdelay $0x1  }
0x6b: {  	v3 =	vadd.s32 v1, v3;
	_ =	sdelay $0x2  }
0x6c: {  	[tilespmem:s22], [sflag:$0x1] =	stream.indirect_vreg.gather [hbm4b:s3+s2], $0x80, v4, vm0, $0xb8;
	[tilespmem:$0xC900] =	vst v63  }
0x6d: {  	_ = 	snop  }
0x6e: {  	[tilespmem:s23], [sflag:$0x1] =	stream.indirect_vreg.gather [hbm4b:s3+s2], $0x80, v3, vm0, $0xb8;
	[tilespmem:$0xC900] =	vst v63  }
0x6f: {  	v3 =	vld [tilespmem:$0x80];
	_ =	sdelay $0x4  }
0x70: {  	v46 =	vshll.u32 v3, $0x1  }
0x71: {  	v3 =	vand.u32 $0x7, v3;
	v4 =	vand.u32 $0xFFFFFFF0, v46  }
0x72: {  	v3 =	vor.u32 v3, v4  }
0x73: {  	v4 =	vperm.xlane v3, v0;
	_ =	sdelay $0x1  }
0x74: {  	v3 =	vperm.xlane v3, v2;
	v4 =	vadd.s32 v1, v4;
	_ =	sdelay $0x1  }
0x75: {  	v3 =	vadd.s32 v1, v3;
	_ =	sdelay $0x2  }
0x76: {  	[tilespmem:s24], [sflag:$0x1] =	stream.indirect_vreg.gather [hbm4b:s3+s2], $0x80, v4, vm0, $0xb8;
	[tilespmem:$0xC900] =	vst v63  }
0x77: {  	_ = 	snop  }
0x78: {  	[tilespmem:s25], [sflag:$0x1] =	stream.indirect_vreg.gather [hbm4b:s3+s2], $0x80, v3, vm0, $0xb8;
	[tilespmem:$0xC900] =	vst v63  }
0x79: {  	v3 =	vld [tilespmem:$0x90];
	_ =	sdelay $0x4  }
0x7a: {  	v47 =	vshll.u32 v3, $0x1  }
0x7b: {  	v3 =	vand.u32 $0x7, v3;
	v4 =	vand.u32 $0xFFFFFFF0, v47  }
0x7c: {  	v3 =	vor.u32 v3, v4  }
0x7d: {  	v4 =	vperm.xlane v3, v0;
	_ =	sdelay $0x1  }
0x7e: {  	v3 =	vperm.xlane v3, v2;
	v4 =	vadd.s32 v1, v4;
	_ =	sdelay $0x1  }
0x7f: {  	v3 =	vadd.s32 v1, v3;
	_ =	sdelay $0x2  }
0x80: {  	[tilespmem:s26], [sflag:$0x1] =	stream.indirect_vreg.gather [hbm4b:s3+s2], $0x80, v4, vm0, $0xb8;
	[tilespmem:$0xC900] =	vst v63  }
0x81: {  	_ = 	snop  }
0x82: {  	[tilespmem:s28], [sflag:$0x1] =	stream.indirect_vreg.gather [hbm4b:s3+s2], $0x80, v3, vm0, $0xb8;
	[tilespmem:$0xC900] =	vst v63  }
0x83: {  	v3 =	vld [tilespmem:$0xA0];
	_ =	sdelay $0x4  }
0x84: {  	v48 =	vshll.u32 v3, $0x1  }
0x85: {  	v3 =	vand.u32 $0x7, v3;
	v4 =	vand.u32 $0xFFFFFFF0, v48  }
0x86: {  	v3 =	vor.u32 v3, v4  }
0x87: {  	v4 =	vperm.xlane v3, v0;
	_ =	sdelay $0x1  }
0x88: {  	v3 =	vperm.xlane v3, v2;
	v4 =	vadd.s32 v1, v4;
	_ =	sdelay $0x1  }
0x89: {  	v3 =	vadd.s32 v1, v3;
	_ =	sdelay $0x2  }
0x8a: {  	[tilespmem:s29], [sflag:$0x1] =	stream.indirect_vreg.gather [hbm4b:s3+s2], $0x80, v4, vm0, $0xb8;
	[tilespmem:$0xC900] =	vst v63  }
0x8b: {  	_ = 	snop  }
0x8c: {  	[tilespmem:s30], [sflag:$0x1] =	stream.indirect_vreg.gather [hbm4b:s3+s2], $0x80, v3, vm0, $0xb8;
	[tilespmem:$0xC900] =	vst v63  }
0x8d: {  	v3 =	vld [tilespmem:$0xB0];
	_ =	sdelay $0x4  }
0x8e: {  	v49 =	vshll.u32 v3, $0x1  }
0x8f: {  	v3 =	vand.u32 $0x7, v3;
	v4 =	vand.u32 $0xFFFFFFF0, v49  }
0x90: {  	v3 =	vor.u32 v3, v4  }
0x91: {  	v4 =	vperm.xlane v3, v0;
	_ =	sdelay $0x1  }
0x92: {  	v3 =	vperm.xlane v3, v2;
	v4 =	vadd.s32 v1, v4;
	_ =	sdelay $0x1  }
0x93: {  	v3 =	vadd.s32 v1, v3;
	_ =	sdelay $0x2  }
0x94: {  	[tilespmem:s31], [sflag:$0x1] =	stream.indirect_vreg.gather [hbm4b:s3+s2], $0x80, v4, vm0, $0xb8;
	[tilespmem:$0xC900] =	vst v63  }
0x95: {  	_ = 	snop  }
0x96: {  	[tilespmem:s0], [sflag:$0x1] =	stream.indirect_vreg.gather [hbm4b:s3+s2], $0x80, v3, vm0, $0xb8;
	[tilespmem:$0xC900] =	vst v63  }
0x97: {  	v3 =	vld.msk [tilespmem:$0xC0], $0xff;
	_ =	sdelay $0x4  }
0x98: {  	v50 =	vshll.u32 v3, $0x1  }
0x99: {  	v3 =	vand.u32 $0x7, v3;
	v4 =	vand.u32 $0xFFFFFFF0, v50  }
0x9a: {  	v3 =	vor.u32 v3, v4  }
0x9b: {  	v3 =	vperm.xlane v3, v0;
	_ =	sdelay $0x1  }
0x9c: {  	v3 =	vadd.s32 v1, v3;
	_ =	sdelay $0x4  }
0x9d: {  	[tilespmem:s1], [sflag:$0x1] =	stream.indirect_vreg.gather [hbm4b:s3+s2], $0x80, v3, vm0, $0xb8;
	[tilespmem:$0xC900] =	vst v63  }
0x9e: {  	_ =	swait.ge [sflag:s4], $0xC800  }
0x9f: {  	[sflag:s4] =	ssyncset.done $0x0  }
0xa0: {  	[sflag:s4] =	ssyncadd.s32 $0xFFFF3800  }
0xa1: {  	[hbm4b:s5+s2] =	stream.linear.scatter [tilespmem:s8], [sflag:$0x2], $0xC800, $0x38;
	[tilespmem:$0xC900] =	vst v63  }
0xa2: {  	_ =	swait.ge [sflag:s7], $0xC800  }
0xa3: {  	s10 =	rddreg [dreg:$0x2];
	[sflag:s7] =	ssyncset.done $0x0  }
0xa4: {  	[sflag:s7] =	ssyncadd.s32 $0xFFFF3800;
	s10 =	sadd.s32 s9, s10  }
0xa5: {  	[tilespmem:s2], [sflag:$0x2] =	stream.linear.gather [hbm4b:s10+s2], $0xC8, $0x38;
	[tilespmem:$0xC900] =	vst v63  }
0xa6: {  	_ =	swait.ge [sflag:s7], $0xC8  }
0xa7: {  	[sflag:s7] =	ssyncset.done $0x0  }
0xa8: {  	[sflag:s7] =	ssyncadd.s32 $0xFFFFFF38  }
0xa9: {  	v3 =	vld [tilespmem:$0x0];
	_ =	sdelay $0x4  }
0xaa: {  	v51 =	vshll.u32 v3, $0x1  }
0xab: {  	v3 =	vand.u32 $0x7, v3;
	v4 =	vand.u32 $0xFFFFFFF0, v51  }
0xac: {  	v3 =	vor.u32 v3, v4  }
0xad: {  	v4 =	vperm.xlane v3, v0;
	_ =	sdelay $0x1  }
0xae: {  	v3 =	vperm.xlane v3, v2;
	v4 =	vadd.s32 v1, v4;
	_ =	sdelay $0x1  }
0xaf: {  	v3 =	vadd.s32 v1, v3;
	_ =	sdelay $0x2  }
0xb0: {  	[tilespmem:s8], [sflag:$0x1] =	stream.indirect_vreg.gather [hbm4b:s3+s2], $0x80, v4, vm0, $0xb8;
	[tilespmem:$0xC900] =	vst v63  }
0xb1: {  	s10 =	simm.s32 $0x900  }
0xb2: {  	[tilespmem:s10], [sflag:$0x1] =	stream.indirect_vreg.gather [hbm4b:s3+s2], $0x80, v3, vm0, $0xb8;
	[tilespmem:$0xC900] =	vst v63  }
0xb3: {  	v3 =	vld [tilespmem:$0x10];
	_ =	sdelay $0x4  }
0xb4: {  	v52 =	vshll.u32 v3, $0x1  }
0xb5: {  	v3 =	vand.u32 $0x7, v3;
	v4 =	vand.u32 $0xFFFFFFF0, v52  }
0xb6: {  	v3 =	vor.u32 v3, v4  }
0xb7: {  	v4 =	vperm.xlane v3, v0;
	_ =	sdelay $0x1  }
0xb8: {  	v3 =	vperm.xlane v3, v2;
	v4 =	vadd.s32 v1, v4;
	_ =	sdelay $0x1  }
0xb9: {  	v3 =	vadd.s32 v1, v3;
	_ =	sdelay $0x2  }
0xba: {  	[tilespmem:s11], [sflag:$0x1] =	stream.indirect_vreg.gather [hbm4b:s3+s2], $0x80, v4, vm0, $0xb8;
	[tilespmem:$0xC900] =	vst v63  }
0xbb: {  	s10 =	simm.s32 $0x1900  }
0xbc: {  	[tilespmem:s10], [sflag:$0x1] =	stream.indirect_vreg.gather [hbm4b:s3+s2], $0x80, v3, vm0, $0xb8;
	[tilespmem:$0xC900] =	vst v63  }
0xbd: {  	v3 =	vld [tilespmem:$0x20];
	_ =	sdelay $0x4  }
0xbe: {  	v53 =	vshll.u32 v3, $0x1  }
0xbf: {  	v3 =	vand.u32 $0x7, v3;
	v4 =	vand.u32 $0xFFFFFFF0, v53  }
0xc0: {  	v3 =	vor.u32 v3, v4  }
0xc1: {  	v4 =	vperm.xlane v3, v0;
	_ =	sdelay $0x1  }
0xc2: {  	v3 =	vperm.xlane v3, v2;
	v4 =	vadd.s32 v1, v4;
	_ =	sdelay $0x1  }
0xc3: {  	v3 =	vadd.s32 v1, v3;
	_ =	sdelay $0x2  }
0xc4: {  	[tilespmem:s12], [sflag:$0x1] =	stream.indirect_vreg.gather [hbm4b:s3+s2], $0x80, v4, vm0, $0xb8;
	[tilespmem:$0xC900] =	vst v63  }
0xc5: {  	_ = 	snop  }
0xc6: {  	[tilespmem:s13], [sflag:$0x1] =	stream.indirect_vreg.gather [hbm4b:s3+s2], $0x80, v3, vm0, $0xb8;
	[tilespmem:$0xC900] =	vst v63  }
0xc7: {  	v3 =	vld [tilespmem:$0x30];
	_ =	sdelay $0x4  }
0xc8: {  	v54 =	vshll.u32 v3, $0x1  }
0xc9: {  	v3 =	vand.u32 $0x7, v3;
	v4 =	vand.u32 $0xFFFFFFF0, v54  }
0xca: {  	v3 =	vor.u32 v3, v4  }
0xcb: {  	v4 =	vperm.xlane v3, v0;
	_ =	sdelay $0x1  }
0xcc: {  	v3 =	vperm.xlane v3, v2;
	v4 =	vadd.s32 v1, v4;
	_ =	sdelay $0x1  }
0xcd: {  	v3 =	vadd.s32 v1, v3;
	_ =	sdelay $0x2  }
0xce: {  	[tilespmem:s14], [sflag:$0x1] =	stream.indirect_vreg.gather [hbm4b:s3+s2], $0x80, v4, vm0, $0xb8;
	[tilespmem:$0xC900] =	vst v63  }
0xcf: {  	_ = 	snop  }
0xd0: {  	[tilespmem:s15], [sflag:$0x1] =	stream.indirect_vreg.gather [hbm4b:s3+s2], $0x80, v3, vm0, $0xb8;
	[tilespmem:$0xC900] =	vst v63  }
0xd1: {  	v3 =	vld [tilespmem:$0x40];
	_ =	sdelay $0x4  }
0xd2: {  	v55 =	vshll.u32 v3, $0x1  }
0xd3: {  	v3 =	vand.u32 $0x7, v3;
	v4 =	vand.u32 $0xFFFFFFF0, v55  }
0xd4: {  	v3 =	vor.u32 v3, v4  }
0xd5: {  	v4 =	vperm.xlane v3, v0;
	_ =	sdelay $0x1  }
0xd6: {  	v3 =	vperm.xlane v3, v2;
	v4 =	vadd.s32 v1, v4;
	_ =	sdelay $0x1  }
0xd7: {  	v3 =	vadd.s32 v1, v3;
	_ =	sdelay $0x2  }
0xd8: {  	[tilespmem:s16], [sflag:$0x1] =	stream.indirect_vreg.gather [hbm4b:s3+s2], $0x80, v4, vm0, $0xb8;
	[tilespmem:$0xC900] =	vst v63  }
0xd9: {  	_ = 	snop  }
0xda: {  	[tilespmem:s17], [sflag:$0x1] =	stream.indirect_vreg.gather [hbm4b:s3+s2], $0x80, v3, vm0, $0xb8;
	[tilespmem:$0xC900] =	vst v63  }
0xdb: {  	v3 =	vld [tilespmem:$0x50];
	_ =	sdelay $0x4  }
0xdc: {  	v56 =	vshll.u32 v3, $0x1  }
0xdd: {  	v3 =	vand.u32 $0x7, v3;
	v4 =	vand.u32 $0xFFFFFFF0, v56  }
0xde: {  	v3 =	vor.u32 v3, v4  }
0xdf: {  	v4 =	vperm.xlane v3, v0;
	_ =	sdelay $0x1  }
0xe0: {  	v3 =	vperm.xlane v3, v2;
	v4 =	vadd.s32 v1, v4;
	_ =	sdelay $0x1  }
0xe1: {  	v3 =	vadd.s32 v1, v3;
	_ =	sdelay $0x2  }
0xe2: {  	[tilespmem:s18], [sflag:$0x1] =	stream.indirect_vreg.gather [hbm4b:s3+s2], $0x80, v4, vm0, $0xb8;
	[tilespmem:$0xC900] =	vst v63  }
0xe3: {  	_ = 	snop  }
0xe4: {  	[tilespmem:s19], [sflag:$0x1] =	stream.indirect_vreg.gather [hbm4b:s3+s2], $0x80, v3, vm0, $0xb8;
	[tilespmem:$0xC900] =	vst v63  }
0xe5: {  	v3 =	vld [tilespmem:$0x60];
	_ =	sdelay $0x4  }
0xe6: {  	v57 =	vshll.u32 v3, $0x1  }
0xe7: {  	v3 =	vand.u32 $0x7, v3;
	v4 =	vand.u32 $0xFFFFFFF0, v57  }
0xe8: {  	v3 =	vor.u32 v3, v4  }
0xe9: {  	v4 =	vperm.xlane v3, v0;
	_ =	sdelay $0x1  }
0xea: {  	v3 =	vperm.xlane v3, v2;
	v4 =	vadd.s32 v1, v4;
	_ =	sdelay $0x1  }
0xeb: {  	v3 =	vadd.s32 v1, v3;
	_ =	sdelay $0x2  }
0xec: {  	[tilespmem:s20], [sflag:$0x1] =	stream.indirect_vreg.gather [hbm4b:s3+s2], $0x80, v4, vm0, $0xb8;
	[tilespmem:$0xC900] =	vst v63  }
0xed: {  	_ = 	snop  }
0xee: {  	[tilespmem:s21], [sflag:$0x1] =	stream.indirect_vreg.gather [hbm4b:s3+s2], $0x80, v3, vm0, $0xb8;
	[tilespmem:$0xC900] =	vst v63  }
0xef: {  	v3 =	vld [tilespmem:$0x70];
	_ =	sdelay $0x4  }
0xf0: {  	v58 =	vshll.u32 v3, $0x1  }
0xf1: {  	v3 =	vand.u32 $0x7, v3;
	v4 =	vand.u32 $0xFFFFFFF0, v58  }
0xf2: {  	v3 =	vor.u32 v3, v4  }
0xf3: {  	v4 =	vperm.xlane v3, v0;
	_ =	sdelay $0x1  }
0xf4: {  	v3 =	vperm.xlane v3, v2;
	v4 =	vadd.s32 v1, v4;
	_ =	sdelay $0x1  }
0xf5: {  	v3 =	vadd.s32 v1, v3;
	_ =	sdelay $0x2  }
0xf6: {  	[tilespmem:s22], [sflag:$0x1] =	stream.indirect_vreg.gather [hbm4b:s3+s2], $0x80, v4, vm0, $0xb8;
	[tilespmem:$0xC900] =	vst v63  }
0xf7: {  	_ = 	snop  }
0xf8: {  	[tilespmem:s23], [sflag:$0x1] =	stream.indirect_vreg.gather [hbm4b:s3+s2], $0x80, v3, vm0, $0xb8;
	[tilespmem:$0xC900] =	vst v63  }
0xf9: {  	v3 =	vld [tilespmem:$0x80];
	_ =	sdelay $0x4  }
0xfa: {  	v59 =	vshll.u32 v3, $0x1  }
0xfb: {  	v3 =	vand.u32 $0x7, v3;
	v4 =	vand.u32 $0xFFFFFFF0, v59  }
0xfc: {  	v3 =	vor.u32 v3, v4  }
0xfd: {  	v4 =	vperm.xlane v3, v0;
	_ =	sdelay $0x1  }
0xfe: {  	v3 =	vperm.xlane v3, v2;
	v4 =	vadd.s32 v1, v4;
	_ =	sdelay $0x1  }
0xff: {  	v3 =	vadd.s32 v1, v3;
	_ =	sdelay $0x2  }
0x100: {  	[tilespmem:s24], [sflag:$0x1] =	stream.indirect_vreg.gather [hbm4b:s3+s2], $0x80, v4, vm0, $0xb8;
	[tilespmem:$0xC900] =	vst v63  }
0x101: {  	_ = 	snop  }
0x102: {  	[tilespmem:s25], [sflag:$0x1] =	stream.indirect_vreg.gather [hbm4b:s3+s2], $0x80, v3, vm0, $0xb8;
	[tilespmem:$0xC900] =	vst v63  }
0x103: {  	v3 =	vld [tilespmem:$0x90];
	_ =	sdelay $0x4  }
0x104: {  	v60 =	vshll.u32 v3, $0x1  }
0x105: {  	v3 =	vand.u32 $0x7, v3;
	v4 =	vand.u32 $0xFFFFFFF0, v60  }
0x106: {  	v3 =	vor.u32 v3, v4  }
0x107: {  	v4 =	vperm.xlane v3, v0;
	_ =	sdelay $0x1  }
0x108: {  	v3 =	vperm.xlane v3, v2;
	v4 =	vadd.s32 v1, v4;
	_ =	sdelay $0x1  }
0x109: {  	v3 =	vadd.s32 v1, v3;
	_ =	sdelay $0x2  }
0x10a: {  	[tilespmem:s26], [sflag:$0x1] =	stream.indirect_vreg.gather [hbm4b:s3+s2], $0x80, v4, vm0, $0xb8;
	[tilespmem:$0xC900] =	vst v63  }
0x10b: {  	_ = 	snop  }
0x10c: {  	[tilespmem:s28], [sflag:$0x1] =	stream.indirect_vreg.gather [hbm4b:s3+s2], $0x80, v3, vm0, $0xb8;
	[tilespmem:$0xC900] =	vst v63  }
0x10d: {  	v3 =	vld [tilespmem:$0xA0];
	_ =	sdelay $0x4  }
0x10e: {  	v61 =	vshll.u32 v3, $0x1  }
0x10f: {  	v3 =	vand.u32 $0x7, v3;
	v4 =	vand.u32 $0xFFFFFFF0, v61  }
0x110: {  	v3 =	vor.u32 v3, v4  }
0x111: {  	v4 =	vperm.xlane v3, v0;
	_ =	sdelay $0x1  }
0x112: {  	v3 =	vperm.xlane v3, v2;
	v4 =	vadd.s32 v1, v4;
	_ =	sdelay $0x1  }
0x113: {  	v3 =	vadd.s32 v1, v3;
	_ =	sdelay $0x2  }
0x114: {  	[tilespmem:s29], [sflag:$0x1] =	stream.indirect_vreg.gather [hbm4b:s3+s2], $0x80, v4, vm0, $0xb8;
	[tilespmem:$0xC900] =	vst v63  }
0x115: {  	_ = 	snop  }
0x116: {  	[tilespmem:s30], [sflag:$0x1] =	stream.indirect_vreg.gather [hbm4b:s3+s2], $0x80, v3, vm0, $0xb8;
	[tilespmem:$0xC900] =	vst v63  }
0x117: {  	v3 =	vld [tilespmem:$0xB0];
	_ =	sdelay $0x4  }
0x118: {  	v62 =	vshll.u32 v3, $0x1  }
0x119: {  	v3 =	vand.u32 $0x7, v3;
	v4 =	vand.u32 $0xFFFFFFF0, v62  }
0x11a: {  	v3 =	vor.u32 v3, v4  }
0x11b: {  	v4 =	vperm.xlane v3, v0;
	_ =	sdelay $0x1  }
0x11c: {  	v3 =	vperm.xlane v3, v2;
	v4 =	vadd.s32 v1, v4;
	_ =	sdelay $0x1  }
0x11d: {  	v3 =	vadd.s32 v1, v3;
	_ =	sdelay $0x2  }
0x11e: {  	[tilespmem:s31], [sflag:$0x1] =	stream.indirect_vreg.gather [hbm4b:s3+s2], $0x80, v4, vm0, $0xb8;
	[tilespmem:$0xC900] =	vst v63  }
0x11f: {  	_ = 	snop  }
0x120: {  	[tilespmem:s0], [sflag:$0x1] =	stream.indirect_vreg.gather [hbm4b:s3+s2], $0x80, v3, vm0, $0xb8;
	[tilespmem:$0xC900] =	vst v63  }
0x121: {  	v3 =	vld.msk [tilespmem:$0xC0], $0xff;
	_ =	sdelay $0x4  }
0x122: {  	v63 =	vshll.u32 v3, $0x1  }
0x123: {  	v3 =	vand.u32 $0x7, v3;
	v4 =	vand.u32 $0xFFFFFFF0, v63  }
0x124: {  	v3 =	vor.u32 v3, v4  }
0x125: {  	v3 =	vperm.xlane v3, v0;
	_ =	sdelay $0x1  }
0x126: {  	v3 =	vadd.s32 v1, v3;
	_ =	sdelay $0x4  }
0x127: {  	[tilespmem:s1], [sflag:$0x1] =	stream.indirect_vreg.gather [hbm4b:s3+s2], $0x80, v3, vm0, $0xb8;
	[tilespmem:$0xC900] =	vst v63  }
0x128: {  	_ =	swait.ge [sflag:s4], $0xC800  }
0x129: {  	p0 =	sne.s32 s9, $0x258;
	[sflag:s4] =	ssyncset.done $0x0  }
.Ltmp0:
0x12a: {  	[sflag:s4] =	ssyncadd.s32 $0xFFFF3800;
	(pc) =	sbr.rel @p0 .LBB2_2-.Ltmp0, $4  }
0x12b: {  	[hbm4b:s6+s2] =	stream.linear.scatter [tilespmem:s8], [sflag:$0x2], $0xC800, $0x38;
	[tilespmem:$0xC900] =	vst v63  }
0x12c: {  	_ =	swait.ge [sflag:s7], $0xC800  }
0x12d: {  	s5 =	sadd.s32 $0x1900, s5;
	[sflag:s7] =	ssyncset.done $0x0  }
0x12e: {  	s9 =	sadd.s32 $0x19, s9;
	s6 =	sadd.s32 $0x1900, s6;
	[sflag:s7] =	ssyncadd.s32 $0xFFFF3800  }
0x12f: {  	s6 =	rddreg [dreg:$0x7]  }
0x130: {  	s5 =	rddreg [dreg:$0x4];
	s6 =	sadd.s32 $0x1, s6  }
0x131: {  	p0 =	sne.s32 s6, s5  }
.Ltmp1:
0x132: {  	_ = 	snop;
	(pc) =	sbr.rel @p0 .LBB2_1-.Ltmp1, $1  }
0x133: {  	_ =	sdelay $0x3  }
0x134: {  	_ =	sfence.sel $0x180000  }
0x135: {  	[bflag:$0x0] =	sbarrier.arrive $0xFFFF  }
0x136: {  	_ =	strace $0x90000047  }
0x137: {  	s0 =	stileid.u32;
	[bflag:$0x2] =	sbarrier.arrive $0xFFFF  }
0x138: {  	p0 =	sne.s32 s0, $0x0;
	s0 =	rddreg [dreg:$0x1]  }
0x139: {  	s0 =	sadd.s32 @!p0 $0x100000, s0  }
0x13a: {  	[sflag:s0] =	ssyncadd.tile.s32 @!p0 $0x1;
	_ =	shalt  }
.Lfunc_end2:
_tile_overlayer_lowered:
.L_overlay_start_2:
0x13b: {  	(tag) =	ssettag $0x2  }
0x13c: {  	s0 =	rddreg [dreg:$0x0];
	s2 =	stileid.u32  }
0x13d: {  	s1 =	rddreg [dreg:$0x1];
	p0 =	sne.s32 s2, $0x0  }
0x13e: {  	s3 =	rddreg [dreg:$0x2];
	[bflag:$0x3] =	sbarrier.arrive $0xFFFF;
	s2 =	simm.s32 @!p0 $0x1C02  }
0x13f: {  	[timem:s3], [sflag:s2] =	dma.local @!p0 [hbm:s0], s1  }
0x140: {  	s0 =	simm.s32 @!p0 $0x2  }
0x141: {  	_ =	swait.ge @!p0 [sflag:s0], s1  }
0x142: {  	s1 =	ssub.s32 @!p0 $0x0, s1;
	[sflag:s0] =	ssyncset.done @!p0 $0x0  }
0x143: {  	[sflag:s0] =	ssyncadd.s32 @!p0 s1  }
0x144: {  	[bflag:$0x3] =	sbarrier.arrive $0xFFFF  }
0x145: {  	_ =	shalt  }

// kernel: kernel.15.cloned.1.call-start
scs
__scs_entry_jumppad:
0x0: {  	(pc) =	sbr.rel $0x88, $3  }
0x1: {  	(tag) =	ssettag $0x0;
	lr =	simm.s32 $0x1  }
0x2: {  	[smem:$0x3F67] =	sst lr;
	_ =	strace $0xD0000000  }
0x3: {  	_ = 	snop  }
0x4: {  	_ = 	snop  }
0x5: {  	_ = 	snop  }
0x6: {  	_ = 	snop  }
0x7: {  	_ = 	snop  }
__scs_overlays_trampoline_lowered:
0x8: {  	[smem:$0x3F76] =	sst s0  }
0x9: {  	[smem:$0x3F77] =	sst s1  }
0xa: {  	[smem:$0x3F78] =	sst s2  }
0xb: {  	[smem:$0x3F79] =	sst s3  }
0xc: {  	[smem:$0x3F7A] =	sst s4  }
0xd: {  	[smem:$0x3F7B] =	sst s5  }
0xe: {  	[smem:$0x3F7C] =	sst s6  }
0xf: {  	[smem:$0x3F7D] =	sst s7  }
0x10: {  	[smem:$0x3F7E] =	sst s8  }
0x11: {  	[smem:$0x3F7F] =	sst s9;
	s0 =	simm.s32 @!p0 $0x0  }
0x12: {  	s1 =	sld [smem:$0x3F65];
	s0 =	simm.s32 @p0 $0x1  }
0x13: {  	[smem:$0x3F80] =	sst s0;
	s0 =	simm.s32 @!p1 $0x0  }
0x14: {  	s2 =	sld [smem:$0x3F64];
	s0 =	simm.s32 @p1 $0x1  }
0x15: {  	[smem:$0x3F81] =	sst s0;
	s0 =	simm.s32 @!p2 $0x0  }
0x16: {  	s3 =	sld [smem:$0x3FDB];
	s0 =	simm.s32 @p2 $0x1  }
0x17: {  	s4 =	simm.s32 $0x1BF5;
	[smem:$0x3F83] =	sst s0  }
0x18: {  	s0 =	sld [smem:$0x3F66];
	_ =	swait.ge [sflag:s4], $0x0  }
0x19: {  	s7 =	sld [smem:$0x3F67]  }
0x1a: {  	s8 =	sadd.s32 $0xFFFFE003, lr  }
0x1b: {  	s9 =	sadd.s32 $0xFFFFFEF7, lr;
	s5 =	simm.s32 $0xFFFFFFFF;
	p2 =	slt.u32 s8, $0xFFFFF086  }
0x1c: {  	p1 =	slt.u32 s9, $0xF7A;
	s5 =	simm.s32 @!p2 $0x0  }
0x1d: {  	s5 =	simm.s32 @p1 $0x1;
	p0 =	seq.s32 s7, s2  }
0x1e: {  	s7 =	smul.u32 @!p0 $0xF7A, s2;
	p2 =	seq.s32 @!p0 s5, $0x0  }
0x1f: {  	s9 =	smul.u32 $0xF7A, s1;
	s8 =	simm.s32 @!p0 $0x1BF5;
	p2 =	por !p2, p0  }
0x20: {  	[sflag:s8] =	ssyncset.s32 @!p0 $0xFFFFF086;
	s6 =	sadd.s32 @!p0 s3, s7;
	s7 =	simm.s32 @!p0 $0x108  }
0x21: {  	s3 =	sadd.s32 s3, s9;
	s6 =	sadd.s32 @!p0 $0x88, s6;
	s7 =	simm.s32 @p2 $0x1082  }
0x22: {  	[simem:s7], [sflag:s8] =	dma.local @!p0 [hbm:s6], $0xF7A  }
0x23: {  	s9 =	sor.u32 $0xD0000000, s2;
	s6 =	simm.s32 $0x108;
	_ =	swait.ge @!p0 [sflag:s8], $0x0  }
0x24: {  	s3 =	sadd.s32 $0x88, s3;
	s6 =	simm.s32 @!p1 $0x1082;
	[sflag:s4] =	ssyncset.s32 $0xFFFFF086  }
0x25: {  	[simem:s6], [sflag:s4] =	dma.local [hbm:s3], $0xF7A  }
0x26: {  	[smem:$0x3F67] =	sst s1;
	(tag) =	ssettag s2;
	_ =	strace s9  }
0x27: {  	s1 =	sld [smem:$0x3F77]  }
0x28: {  	s2 =	sld [smem:$0x3F78]  }
0x29: {  	s4 =	sld [smem:$0x3F7A]  }
0x2a: {  	p0 =	seq.s32 s5, $0x0;
	s5 =	sld [smem:$0x3F7B]  }
0x2b: {  	s6 =	sld [smem:$0x3F7C]  }
0x2c: {  	s7 =	sld [smem:$0x3F7D]  }
0x2d: {  	s3 =	simm.s32 $0x108;
	s8 =	sld [smem:$0x3F7E]  }
0x2e: {  	s3 =	simm.s32 @!p0 $0x1082;
	s9 =	sld [smem:$0x3F7F]  }
0x2f: {  	lr =	sadd.s32 s0, s3;
	s0 =	sld [smem:$0x3F76]  }
0x30: {  	s3 =	sld [smem:$0x3F79]  }
0x31: {  	[smem:$0x3F82] =	sst s10  }
0x32: {  	s10 =	sld [smem:$0x3F80];
	_ =	sdelay $0x3  }
0x33: {  	p0 =	seq.s32 s10, $0x1;
	s10 =	sld [smem:$0x3F82];
	_ =	sdelay $0x3  }
0x34: {  	[smem:$0x3F82] =	sst s10  }
0x35: {  	s10 =	sld [smem:$0x3F81];
	_ =	sdelay $0x3  }
0x36: {  	p1 =	seq.s32 s10, $0x1;
	s10 =	sld [smem:$0x3F82];
	_ =	sdelay $0x3  }
0x37: {  	[smem:$0x3F82] =	sst s10  }
0x38: {  	s10 =	sld [smem:$0x3F83]  }
0x39: {  	_ = 	snop;
	(pc) =	sbr.ind lr, $3  }
0x3a: {  	_ = 	snop  }
0x3b: {  	_ = 	snop  }
0x3c: {  	p2 =	seq.s32 s10, $0x1;
	s10 =	sld [smem:$0x3F82]  }
0x3d: {  	_ =	shalt  }
0x3e: {  	_ =	shalt  }
0x3f: {  	_ =	shalt  }
0x40: {  	_ =	shalt  }
0x41: {  	_ =	shalt  }
0x42: {  	_ =	shalt  }
0x43: {  	_ =	shalt  }
0x44: {  	_ =	shalt  }
0x45: {  	_ =	shalt  }
0x46: {  	_ =	shalt  }
0x47: {  	_ =	shalt  }
0x48: {  	_ =	shalt  }
0x49: {  	_ =	shalt  }
0x4a: {  	_ =	shalt  }
0x4b: {  	_ =	shalt  }
0x4c: {  	_ =	shalt  }
0x4d: {  	_ =	shalt  }
0x4e: {  	_ =	shalt  }
0x4f: {  	_ =	shalt  }
0x50: {  	_ =	shalt  }
0x51: {  	_ =	shalt  }
0x52: {  	_ =	shalt  }
0x53: {  	_ =	shalt  }
0x54: {  	_ =	shalt  }
0x55: {  	_ =	shalt  }
0x56: {  	_ =	shalt  }
0x57: {  	_ =	shalt  }
0x58: {  	_ =	shalt  }
0x59: {  	_ =	shalt  }
0x5a: {  	_ =	shalt  }
0x5b: {  	_ =	shalt  }
0x5c: {  	_ =	shalt  }
0x5d: {  	_ =	shalt  }
0x5e: {  	_ =	shalt  }
0x5f: {  	_ =	shalt  }
0x60: {  	_ =	shalt  }
0x61: {  	_ =	shalt  }
0x62: {  	_ =	shalt  }
0x63: {  	_ =	shalt  }
0x64: {  	_ =	shalt  }
0x65: {  	_ =	shalt  }
0x66: {  	_ =	shalt  }
0x67: {  	_ =	shalt  }
0x68: {  	_ =	shalt  }
0x69: {  	_ =	shalt  }
0x6a: {  	_ =	shalt  }
0x6b: {  	_ =	shalt  }
0x6c: {  	_ =	shalt  }
0x6d: {  	_ =	shalt  }
0x6e: {  	_ =	shalt  }
0x6f: {  	_ =	shalt  }
0x70: {  	_ =	shalt  }
0x71: {  	_ =	shalt  }
0x72: {  	_ =	shalt  }
0x73: {  	_ =	shalt  }
0x74: {  	_ =	shalt  }
0x75: {  	_ =	shalt  }
0x76: {  	_ =	shalt  }
0x77: {  	_ =	shalt  }
0x78: {  	_ =	shalt  }
0x79: {  	_ =	shalt  }
0x7a: {  	_ =	shalt  }
0x7b: {  	_ =	shalt  }
0x7c: {  	_ =	shalt  }
0x7d: {  	_ =	shalt  }
0x7e: {  	_ =	shalt  }
0x7f: {  	_ =	shalt  }
0x80: {  	_ =	shalt  }
0x81: {  	_ =	shalt  }
0x82: {  	_ =	shalt  }
0x83: {  	_ =	shalt  }
0x84: {  	_ =	shalt  }
0x85: {  	_ =	shalt  }
0x86: {  	_ =	shalt  }
0x87: {  	_ =	shalt  }
.Lfunc_end0:
.L_simem_size_0:
called_computation.2_lowered:
.L_overlay_start_0:
0x88: {  	s2 =	sld [smem:$0x3FD9]  }
0x89: {  	s3 =	sld [smem:$0x3FFE];
	_ =	sdelay $0x1  }
0x8a: {  	s1 =	srdreg.scid  }
0x8b: {  	s0 =	sand.u32 $0x1, s1  }
0x8c: {  	s17 =	sshll.u32 s0, $0xA;
	s2 =	sadd.s32 s3, s2  }
0x8d: {  	s2 =	sadd.s32 s2, s17  }
0x8e: {  	[smem:$0x3F8E] =	sst s2  }
0x8f: {  	_ = 	snop  }
0x90: {  	(tm) =	ssettm $0x1  }
0x91: {  	s18 =	sld [smem:$0x3FFB];
	_ =	sdelay $0x3  }
0x92: {  	_ =	strace s18  }
0x93: {  	s2 =	sld [smem:$0x3FFC];
	_ =	sdelay $0x3  }
0x94: {  	_ =	strace s2  }
0x95: {  	s2 =	sld [smem:$0x3FFD];
	_ =	sdelay $0x3  }
0x96: {  	_ =	strace s2  }
0x97: {  	_ =	strace $0x8FFFFFFF  }
0x98: {  	s19 =	sld [smem:$0x3FDB];
	_ =	sdelay $0x1  }
0x99: {  	s20 =	simm.s32 $_scs_section_size  }
0x9a: {  	s4 =	simm.s32 $_size__tile_overlayer_lowered;
	s5 =	simm.s32 $_tile_overlayer_lowered  }
0x9b: {  	s6 =	simm.s32 $0x1BFF;
	s21 =	sshll.u32 s5, $0x1;
	s3 =	sadd.s32 s20, s19  }
0x9c: {  	s22 =	simm.s32 $0x0;
	s4 =	sshll.u32 s4, $0x1;
	s5 =	sadd.s32 s21, s3  }
0x9d: {  	[timem:s22], [sflag:s6] =	dma.local [hbm:s5], s4  }
0x9e: {  	_ =	swait.ge [sflag:s6], s4  }
0x9f: {  	s4 =	ssub.s32 $0x0, s4;
	[sflag:s6] =	ssyncset.done $0x0  }
0xa0: {  	[sflag:s6] =	ssyncadd.s32 s4;
	_ =	sdelay $0x1  }
0xa1: {  	s23 =	simm.s32 $0x1B8B  }
0xa2: {  	_ =	swait.ge [sflag:s23], $0x1  }
0xa3: {  	[sflag:s23] =	ssyncset.done $0x0  }
0xa4: {  	[sflag:s23] =	ssyncadd.s32 $0xFFFFFFFF  }
0xa5: {  	s4 =	sld [smem:$0x0]  }
0xa6: {  	s5 =	sand.u32 $0xFFFFFFFE, s1  }
0xa7: {  	p0 =	sne.s32 s1, s5  }
0xa8: {  	s5 =	sshll.u32 @p0 s5, $0xE  }
0xa9: {  	s5 =	sadd.s32 @p0 $0x11B8D, s5;
	s6 =	sshll.u32 @p0 s4, $0x11  }
0xaa: {  	s5 =	sor.u32 @p0 s6, s5  }
0xab: {  	[sflag:s5] =	ssyncadd.remote.s32 @p0 $0x1;
	_ =	sdelay $0x1  }
0xac: {  	s5 =	simm.s32 @p0 $0x1B8D  }
0xad: {  	_ =	swait.eq @p0 [sflag:s5], $0x1  }
0xae: {  	[sflag:s5] =	ssyncadd.s32 @p0 $0xFFFFFFFF  }
0xaf: {  	s6 =	sshll.u32 @!p0 s1, $0xE  }
0xb0: {  	s6 =	sor.u32 @!p0 $0x4000, s6;
	s5 =	simm.s32 @!p0 $0x1B8D  }
0xb1: {  	s4 =	sshll.u32 @!p0 s4, $0x11;
	s6 =	sadd.s32 @!p0 $0x11B8D, s6;
	_ =	swait.eq @!p0 [sflag:s5], $0x1  }
0xb2: {  	s4 =	sor.u32 @!p0 s4, s6;
	[sflag:s5] =	ssyncadd.s32 @!p0 $0xFFFFFFFF  }
0xb3: {  	s25 =	simm.s32 $0x1B8E;
	s24 =	sld [smem:$0x3FFE];
	[sflag:s4] =	ssyncadd.remote.s32 @!p0 $0x1  }
0xb4: {  	s26 =	simm.s32 $execute0_lowered;
	[smem:$0x3FD2] =	sst s25  }
0xb5: {  	s5 =	sshll.u32 s26, $0x1;
	_ =	strace $0x8000004F;
	[dreg:$0x1] =	wrdreg $0xFFFFFFFF  }
0xb6: {  	s28 =	simm.s32 $_size_execute0_lowered;
	s3 =	sadd.s32 s3, s5;
	[dreg:$0x0] =	wrdreg $0x0  }
0xb7: {  	s5 =	sshll.u32 s28, $0x1;
	[dreg:$0x2] =	wrdreg s3  }
0xb8: {  	[dreg:$0x3] =	wrdreg s5  }
0xb9: {  	[dreg:$0x4] =	wrdreg $0xC0  }
0xba: {  	_ =	task [dreg:s22], $0x5FFFF  }
0xbb: {  	[dreg:$0x1] =	wrdreg $0xFFFFFFFF  }
0xbc: {  	[dreg:$0x0] =	wrdreg $0x60  }
0xbd: {  	[dreg:$0x2] =	wrdreg s24  }
0xbe: {  	[dreg:$0x3] =	wrdreg $0x65000  }
0xbf: {  	[dreg:$0x4] =	wrdreg $0x9  }
0xc0: {  	_ =	task.clear_ibuf [dreg:s22], $0x5FFFF;
	_ =	strace $0x9000004F  }
0xc1: {  	s29 =	simm.s32 $0x9;
	_ =	strace $0x80000051  }
0xc2: {  	_ =	swait.ge [sflag:s29], $0x1  }
0xc3: {  	[sflag:s29] =	ssyncadd.s32 $0xFFFFFFFF  }
0xc4: {  	_ =	strace $0x90000051  }
0xc5: {  	_ =	sfence  }
0xc6: {  	s30 =	sld [smem:$0x0];
	_ =	sdelay $0x2  }
0xc7: {  	s31 =	sshll.u32 s1, $0xD;
	s1 =	sshrl.u32 s1, $0x2  }
0xc8: {  	s4 =	sand.u32 $0x4000, s31;
	s1 =	sadd.s32 s1, s30  }
0xc9: {  	s0 =	sor.u32 s4, s0;
	s1 =	sshll.u32 s1, $0x11  }
0xca: {  	s0 =	sor.u32 s1, s0  }
0xcb: {  	s0 =	sadd.s32 $0x8F2B, s0  }
0xcc: {  	[sflag:s0] =	ssyncadd.remote.s32 $0x1  }
0xcd: {  	_ =	sfence.sel $0xFFFF  }
0xce: {  	[dreg:$0x0] =	wrdreg $0xFFFFFFFF;
	(pc) =	sbr.abs _section_cstart, $3  }
0xcf: {  	[dreg:$0x1] =	wrdreg $0xFFFFFFFF  }
0xd0: {  	_ =	task.clear_ibuf [dreg:s22], $0x2FFFF;
	_ =	strace $0x9FFFFFFF  }
0xd1: {  	(tm) =	ssettm $0x7FFFFFFF  }
tec
execute0_lowered:
.L_overlay_start_1:
0x0: {  	(tag) =	ssettag $0x1  }
0x1: {  	s0 =	rddreg [dreg:$0x0]  }
0x2: {  	s2 =	rddreg [dreg:$0x1];
	s1 =	stileid.u32  }
0x3: {  	s3 =	simm.s32 $0x0;
	s5 =	srdreg.scid;
	s4 =	smul.u32 $0x27100, s1  }
0x4: {  	[smem:$0x7FF] =	sst s3;
	s6 =	smul.u32 $0x4E2, s1  }
0x5: {  	s5 =	sand.u32 $0x1, s5;
	s9 =	sshll.u32 s1, $0x2;
	s10 =	smul.u32 $0x64000, s1  }
0x6: {  	s15 =	sadd.s32 $0x95C00, s0;
	s11 =	smul.u32 $0x3200, s1;
	p1 =	sgt.u32 s1, $0xC  }
0x7: {  	s22 =	sshllo.u32 s1, $0x2;
	_ =	strace $0x80000050;
	s31 =	smul.u32 $0x138800, s5  }
0x8: {  	s14 =	sor.u32 $0x1, s9;
	s17 =	ssub.s32 $0x2, s5;
	s21 =	smul.u32 $0x19000, s22  }
0x9: {  	s9 =	sor.u32 $0x2, s9;
	p0 =	seq.s32 s5, $0x1;
	s16 =	smul.u32 $0xC80, s22  }
0xa: {  	p3 =	sgt.u32 s22, $0x31;
	s7 =	sadd.s32 s4, s0;
	s12 =	smul.u32 $0x19000, s14  }
0xb: {  	s8 =	sadd.s32 s6, s0;
	[dreg:$0x3] =	wrdreg s14;
	s14 =	smul.u32 $0xC80, s14  }
0xc: {  	s6 =	sadd.s32 $0x47A00, s0;
	s13 =	sshrl.u32 s17, $0x1;
	s18 =	smul.u32 $0x19000, s9  }
0xd: {  	s10 =	sshrl.u32 s10, $0x2;
	s19 =	smul.u32 $0xC80, s9;
	s23 =	sadd.s32 s15, s11  }
0xe: {  	s26 =	smul.u32 $0x6400, s9;
	p2 =	sgt.u32 s9, $0x31;
	s0 =	ssub.s32 s17, s13  }
0xf: {  	s20 =	sadd.s32 s10, s2;
	[dreg:$0x6] =	wrdreg s23;
	s17 =	smul.u32 $0x19000, s1  }
0x10: {  	s11 =	smov.u32 s31;
	s23 =	simm.s32 $0x100;
	s0 =	smax.u32 s0, $0x1  }
0x11: {  	[dreg:$0x5] =	wrdreg s20;
	s24 =	sshrl.u32 s12, $0x2;
	s5 =	sshrl.u32 s18, $0x2  }
0x12: {  	s25 =	sadd.s32 s15, s14;
	s13 =	sadd.s32 s15, s19;
	s18 =	smul.u32 $0x6400, s22  }
0x13: {  	s15 =	sadd.s32 s15, s16;
	s19 =	sadd.s32 $0x10B000, s7;
	s20 =	sadd.s32 $0xA59C00, s8  }
0x14: {  	s22 =	simm.s32 $0x1;
	[dreg:$0x4] =	wrdreg s0;
	s10 =	sadd.s32 s24, s2  }
0x15: {  	[dreg:$0x8] =	wrdreg s25;
	s12 =	sadd.s32 s5, s2;
	s0 =	sshrl.u32 s21, $0x2  }
.Ltmp0:
0x16: {  	s28 =	sadd.s32 s31, s17;
	s5 =	sadd.s32 s31, s26;
	(pc) =	sbr.rel .LBB2_1-.Ltmp0, $4  }
0x17: {  	s21 =	sadd.s32 $0x37C000, s7;
	s24 =	simm.s32 $0xC8;
	s25 =	simm.s32 $0x0  }
0x18: {  	[dreg:$0x7] =	wrdreg s10;
	s14 =	sadd.s32 s0, s2;
	s29 =	sadd.s32 s31, s18  }
0x19: {  	s0 =	sshrl.u32 s28, $0x3;
	s30 =	sshrl.u32 s5, $0x3;
	s31 =	sshrl.u32 s29, $0x3  }
0x1a: {  	s16 =	sadd.s32 s6, s0;
	s17 =	sadd.s32 s6, s30;
	s18 =	sadd.s32 s6, s31  }
.LBB2_7:
0x1b: {  	s4 =	sadd.s32 s5, s20;
	[sflag:s22] =	ssyncadd.s32 $0xFFFF9C00  }
0x1c: {  	[tilespmem:s3], [sflag:$0x1] =	stream.linear.gather [hbm4b:s4+s3], $0xC8, $0x38;
	[tilespmem:$0x19D80] =	vst v63  }
0x1d: {  	_ =	swait.ge [sflag:s22], $0xC8  }
0x1e: {  	[sflag:s22] =	ssyncset.done $0x0  }
0x1f: {  	[sflag:s22] =	ssyncadd.s32 $0xFFFFFF38  }
0x20: {  	[tilespmem:s23], [sflag:$0x1] =	stream.linear.gather [hbm4b:s8+s3], $0x6400, $0x38;
	[tilespmem:$0x19D80] =	vst v63  }
0x21: {  	_ =	swait.ge [sflag:s22], $0x6400  }
0x22: {  	[sflag:s22] =	ssyncset.done $0x0  }
0x23: {  	[sflag:s22] =	ssyncadd.s32 $0xFFFF9C00  }
0x24: {  	[spmem:s2] =	stream.indirect.scatter.add.f32 [tilespmem:s23], [sflag:$0x1], $0x80, s3, s24, $0xb8;
	[tilespmem:$0x19D80] =	vst v63  }
0x25: {  	_ =	swait.ge [sflag:s22], $0x6400  }
0x26: {  	[sflag:s22] =	ssyncset.done $0x0  }
0x27: {  	[sflag:s22] =	ssyncadd.s32 $0xFFFF9C00  }
.LBB2_8:
0x28: {  	[bflag:$0x0] =	sbarrier.arrive $0xFFFF  }
0x29: {  	[hbm:s16], [sflag:s26] =	dma.local @!p1 [spmem:s30], $0xC80  }
0x2a: {  	s4 =	rddreg [dreg:$0x3]  }
0x2b: {  	s4 =	smul.u32 @!p1 $0x6400, s4  }
0x2c: {  	s5 =	simm.s32 @!p1 $0x1  }
0x2d: {  	_ =	swait.ge @!p1 [sflag:s5], $0xC80;
	s4 =	sadd.s32 @!p1 s11, s4  }
0x2e: {  	[sflag:s5] =	ssyncset.done @!p1 $0x0;
	s4 =	sshrl.u32 @!p1 s4, $0x3  }
0x2f: {  	[sflag:s5] =	ssyncadd.s32 @!p1 $0xFFFFF380;
	s4 =	sadd.s32 @!p1 s6, s4  }
0x30: {  	[hbm:s4], [sflag:s26] =	dma.local @!p1 [spmem:s28], $0xC80  }
0x31: {  	_ =	swait.ge @!p1 [sflag:s5], $0xC80  }
0x32: {  	[sflag:s5] =	ssyncset.done @!p1 $0x0  }
0x33: {  	s4 =	simm.s32 @!p2 $0x1;
	[sflag:s5] =	ssyncadd.s32 @!p1 $0xFFFFF380  }
0x34: {  	[hbm:s17], [sflag:s29] =	dma.local @!p2 [spmem:s31], $0xC80  }
0x35: {  	_ =	swait.ge @!p2 [sflag:s4], $0xC80  }
0x36: {  	[sflag:s4] =	ssyncset.done @!p2 $0x0  }
0x37: {  	[sflag:s4] =	ssyncadd.s32 @!p2 $0xFFFFF380  }
0x38: {  	[hbm:s18], [sflag:s0] =	dma.local @!p3 [spmem:s7], $0xC80  }
0x39: {  	s0 =	simm.s32 @!p3 $0x1  }
0x3a: {  	_ =	swait.ge @!p3 [sflag:s0], $0xC80  }
0x3b: {  	s25 =	sadd.s32 $0x1, s25;
	s31 =	rddreg [dreg:$0x4]  }
0x3c: {  	p4 =	sne.s32 s25, s31  }
.Ltmp1:
0x3d: {  	_ = 	snop;
	(pc) =	sbr.rel @!p4 .LBB2_9-.Ltmp1, $3  }
0x3e: {  	_ =	sdelay $0x1  }
0x3f: {  	[sflag:s0] =	ssyncset.done @!p3 $0x0  }
0x40: {  	[sflag:s0] =	ssyncadd.s32 @!p3 $0xFFFFF380  }
.LBB2_1:
0x41: {  	s0 =	sshll.u32 @!p1 s1, $0x6  }
0x42: {  	s26 =	sor.u32 @!p1 $0x1C01, s0;
	s0 =	rddreg [dreg:$0x5]  }
0x43: {  	s30 =	sshrl.u32 @!p1 s0, $0x3;
	s0 =	rddreg [dreg:$0x6]  }
0x44: {  	[spmem:s30], [sflag:s26] =	dma.local @!p1 [hbm:s0], $0xC80  }
0x45: {  	s0 =	simm.s32 @!p1 $0x1  }
0x46: {  	_ =	swait.ge @!p1 [sflag:s0], $0xC80  }
0x47: {  	[sflag:s0] =	ssyncset.done @!p1 $0x0;
	s4 =	rddreg [dreg:$0x7]  }
0x48: {  	[sflag:s0] =	ssyncadd.s32 @!p1 $0xFFFFF380;
	s28 =	sshrl.u32 @!p1 s4, $0x3;
	s4 =	rddreg [dreg:$0x8]  }
0x49: {  	[spmem:s28], [sflag:s26] =	dma.local @!p1 [hbm:s4], $0xC80  }
0x4a: {  	_ =	swait.ge @!p1 [sflag:s0], $0xC80  }
0x4b: {  	s5 =	sshll.u32 @!p2 s1, $0x6;
	s31 =	sshrl.u32 @!p2 s12, $0x3;
	[sflag:s0] =	ssyncset.done @!p1 $0x0  }
0x4c: {  	s29 =	sor.u32 @!p2 $0x1C01, s5;
	[sflag:s0] =	ssyncadd.s32 @!p1 $0xFFFFF380;
	s0 =	simm.s32 @!p2 $0x1  }
0x4d: {  	[spmem:s31], [sflag:s29] =	dma.local @!p2 [hbm:s13], $0xC80  }
0x4e: {  	_ =	swait.ge @!p2 [sflag:s0], $0xC80  }
0x4f: {  	s7 =	sshrl.u32 @!p3 s14, $0x3;
	s5 =	sshll.u32 @!p3 s1, $0x6;
	[sflag:s0] =	ssyncset.done @!p2 $0x0  }
0x50: {  	[sflag:s0] =	ssyncadd.s32 @!p2 $0xFFFFF380;
	s0 =	sor.u32 @!p3 $0x1C01, s5;
	s5 =	simm.s32 @!p3 $0x1  }
0x51: {  	[spmem:s7], [sflag:s0] =	dma.local @!p3 [hbm:s15], $0xC80  }
.Ltmp2:
0x52: {  	_ =	swait.ge @!p3 [sflag:s5], $0xC80;
	(pc) =	sbr.rel @!p0 .LBB2_2-.Ltmp2, $3  }
0x53: {  	[sflag:s5] =	ssyncset.done @!p3 $0x0  }
0x54: {  	[sflag:s5] =	ssyncadd.s32 @!p3 $0xFFFFF380  }
0x55: {  	[bflag:$0x0] =	sbarrier.arrive $0xFFFF;
	_ =	sdelay $0x1  }
0x56: {  	s4 =	sadd.s32 $0x0, s20  }
0x57: {  	[tilespmem:s3], [sflag:$0x1] =	stream.linear.gather [hbm4b:s4+s3], $0xC8, $0x38;
	[tilespmem:$0x19D80] =	vst v63  }
0x58: {  	_ =	swait.ge [sflag:s22], $0xC8  }
0x59: {  	[sflag:s22] =	ssyncset.done $0x0  }
0x5a: {  	[sflag:s22] =	ssyncadd.s32 $0xFFFFFF38  }
0x5b: {  	[tilespmem:s23], [sflag:$0x1] =	stream.linear.gather [hbm4b:s21+s3], $0x6400, $0x38;
	[tilespmem:$0x19D80] =	vst v63  }
0x5c: {  	_ =	swait.ge [sflag:s22], $0x6400  }
0x5d: {  	[sflag:s22] =	ssyncset.done $0x0  }
0x5e: {  	[sflag:s22] =	ssyncadd.s32 $0xFFFF9C00  }
0x5f: {  	[spmem:s2] =	stream.indirect.scatter.add.f32 [tilespmem:s23], [sflag:$0x1], $0x80, s3, s24, $0xb8;
	[tilespmem:$0x19D80] =	vst v63  }
0x60: {  	s5 =	simm.s32 $0x19;
	_ =	swait.ge [sflag:s22], $0x6400  }
0x61: {  	s9 =	simm.s32 $0x32;
	s8 =	sadd.s32 $0xC80, s21;
	[sflag:s22] =	ssyncset.done $0x0  }
.LBB2_6:
0x62: {  	s4 =	sadd.s32 s5, s20  }
0x63: {  	[sflag:s22] =	ssyncadd.s32 $0xFFFF9C00;
	s5 =	smov.u32 s9;
	s10 =	sadd.s32 $0x19, s9  }
0x64: {  	[tilespmem:s3], [sflag:$0x1] =	stream.linear.gather [hbm4b:s4+s3], $0xC8, $0x38;
	[tilespmem:$0x19D80] =	vst v63  }
0x65: {  	p4 =	sne.s32 s9, $0x4C9;
	_ =	swait.ge [sflag:s22], $0xC8  }
0x66: {  	[sflag:s22] =	ssyncset.done $0x0  }
0x67: {  	[sflag:s22] =	ssyncadd.s32 $0xFFFFFF38  }
0x68: {  	[tilespmem:s23], [sflag:$0x1] =	stream.linear.gather [hbm4b:s8+s3], $0x6400, $0x38;
	[tilespmem:$0x19D80] =	vst v63  }
0x69: {  	_ =	swait.ge [sflag:s22], $0x6400  }
.Ltmp3:
0x6a: {  	[sflag:s22] =	ssyncset.done $0x0;
	(pc) =	sbr.rel @p4 .LBB2_6-.Ltmp3, $4  }
0x6b: {  	[sflag:s22] =	ssyncadd.s32 $0xFFFF9C00  }
0x6c: {  	[spmem:s2] =	stream.indirect.scatter.add.f32 [tilespmem:s23], [sflag:$0x1], $0x80, s3, s24, $0xb8;
	[tilespmem:$0x19D80] =	vst v63  }
0x6d: {  	_ =	swait.ge [sflag:s22], $0x6400  }
0x6e: {  	s9 =	smov.u32 s10;
	s8 =	sadd.s32 $0xC80, s8;
	[sflag:s22] =	ssyncset.done $0x0  }
.Ltmp4:
0x6f: {  	_ = 	snop;
	(pc) =	sbr.rel .LBB2_7-.Ltmp4, $1  }
0x70: {  	_ =	sdelay $0x3  }
.LBB2_2:
0x71: {  	s5 =	sadd.s32 $0x0, s20  }
0x72: {  	[tilespmem:s3], [sflag:$0x1] =	stream.linear.gather [hbm4b:s5+s3], $0xC8, $0x38;
	[tilespmem:$0x19D80] =	vst v63  }
0x73: {  	_ =	swait.ge [sflag:s22], $0xC8  }
0x74: {  	[sflag:s22] =	ssyncset.done $0x0  }
0x75: {  	[sflag:s22] =	ssyncadd.s32 $0xFFFFFF38  }
0x76: {  	[tilespmem:s23], [sflag:$0x1] =	stream.linear.gather [hbm4b:s19+s3], $0x6400, $0x38;
	[tilespmem:$0x19D80] =	vst v63  }
0x77: {  	_ =	swait.ge [sflag:s22], $0x6400  }
0x78: {  	[sflag:s22] =	ssyncset.done $0x0  }
0x79: {  	[sflag:s22] =	ssyncadd.s32 $0xFFFF9C00  }
0x7a: {  	[spmem:s2] =	stream.indirect.scatter.add.f32 [tilespmem:s23], [sflag:$0x1], $0x80, s3, s24, $0xb8;
	[tilespmem:$0x19D80] =	vst v63  }
0x7b: {  	s9 =	simm.s32 $0x32;
	_ =	swait.ge [sflag:s22], $0x6400  }
0x7c: {  	s8 =	sadd.s32 $0xC80, s19;
	s5 =	simm.s32 $0x19;
	[sflag:s22] =	ssyncset.done $0x0  }
.LBB2_3:
0x7d: {  	s4 =	sadd.s32 s5, s20  }
0x7e: {  	[sflag:s22] =	ssyncadd.s32 $0xFFFF9C00;
	s5 =	smov.u32 s9;
	s10 =	sadd.s32 $0x19, s9  }
0x7f: {  	[tilespmem:s3], [sflag:$0x1] =	stream.linear.gather [hbm4b:s4+s3], $0xC8, $0x38;
	[tilespmem:$0x19D80] =	vst v63  }
0x80: {  	p4 =	seq.s32 s9, $0x4C9;
	_ =	swait.ge [sflag:s22], $0xC8  }
0x81: {  	[sflag:s22] =	ssyncset.done $0x0  }
0x82: {  	[sflag:s22] =	ssyncadd.s32 $0xFFFFFF38  }
0x83: {  	[tilespmem:s23], [sflag:$0x1] =	stream.linear.gather [hbm4b:s8+s3], $0x6400, $0x38;
	[tilespmem:$0x19D80] =	vst v63  }
0x84: {  	_ =	swait.ge [sflag:s22], $0x6400  }
.Ltmp5:
0x85: {  	[sflag:s22] =	ssyncset.done $0x0;
	(pc) =	sbr.rel @!p4 .LBB2_3-.Ltmp5, $4  }
0x86: {  	[sflag:s22] =	ssyncadd.s32 $0xFFFF9C00  }
0x87: {  	[spmem:s2] =	stream.indirect.scatter.add.f32 [tilespmem:s23], [sflag:$0x1], $0x80, s3, s24, $0xb8;
	[tilespmem:$0x19D80] =	vst v63  }
0x88: {  	_ =	swait.ge [sflag:s22], $0x6400  }
0x89: {  	s9 =	smov.u32 s10;
	s8 =	sadd.s32 $0xC80, s8;
	[sflag:s22] =	ssyncset.done $0x0  }
0x8a: {  	s4 =	sadd.s32 s5, s20;
	[sflag:s22] =	ssyncadd.s32 $0xFFFF9C00  }
0x8b: {  	[tilespmem:s3], [sflag:$0x1] =	stream.linear.gather [hbm4b:s4+s3], $0xC8, $0x38;
	[tilespmem:$0x19D80] =	vst v63  }
0x8c: {  	_ =	swait.ge [sflag:s22], $0xC8  }
0x8d: {  	[sflag:s22] =	ssyncset.done $0x0  }
0x8e: {  	[sflag:s22] =	ssyncadd.s32 $0xFFFFFF38  }
0x8f: {  	[tilespmem:s23], [sflag:$0x1] =	stream.linear.gather [hbm4b:s8+s3], $0x6400, $0x38;
	[tilespmem:$0x19D80] =	vst v63  }
0x90: {  	_ =	swait.ge [sflag:s22], $0x6400  }
0x91: {  	[sflag:s22] =	ssyncset.done $0x0  }
.Ltmp6:
0x92: {  	[sflag:s22] =	ssyncadd.s32 $0xFFFF9C00;
	(pc) =	sbr.rel .LBB2_8-.Ltmp6, $4  }
0x93: {  	[spmem:s2] =	stream.indirect.scatter.add.f32 [tilespmem:s23], [sflag:$0x1], $0x80, s3, s24, $0xb8;
	[tilespmem:$0x19D80] =	vst v63  }
0x94: {  	_ =	swait.ge [sflag:s22], $0x6400  }
0x95: {  	[sflag:s22] =	ssyncset.done $0x0  }
0x96: {  	[sflag:s22] =	ssyncadd.s32 $0xFFFF9C00  }
.LBB2_9:
0x97: {  	_ =	sfence.sel $0x180000  }
0x98: {  	[bflag:$0x0] =	sbarrier.arrive $0xFFFF  }
0x99: {  	_ =	strace $0x90000050  }
0x9a: {  	[bflag:$0x2] =	sbarrier.arrive $0xFFFF  }
0x9b: {  	p0 =	sne.s32 s1, $0x0;
	s0 =	rddreg [dreg:$0x2]  }
0x9c: {  	s0 =	sadd.s32 @!p0 $0x100000, s0  }
0x9d: {  	[sflag:s0] =	ssyncadd.tile.s32 @!p0 $0x1;
	_ =	shalt  }
.Lfunc_end2:
_tile_overlayer_lowered:
.L_overlay_start_2:
0x9e: {  	(tag) =	ssettag $0x2  }
0x9f: {  	s0 =	rddreg [dreg:$0x0];
	s2 =	stileid.u32  }
0xa0: {  	s1 =	rddreg [dreg:$0x1];
	p0 =	sne.s32 s2, $0x0  }
0xa1: {  	s3 =	rddreg [dreg:$0x2];
	[bflag:$0x3] =	sbarrier.arrive $0xFFFF;
	s2 =	simm.s32 @!p0 $0x1C01  }
0xa2: {  	[timem:s3], [sflag:s2] =	dma.local @!p0 [hbm:s0], s1  }
0xa3: {  	s0 =	simm.s32 @!p0 $0x1  }
0xa4: {  	_ =	swait.ge @!p0 [sflag:s0], s1  }
0xa5: {  	s1 =	ssub.s32 @!p0 $0x0, s1;
	[sflag:s0] =	ssyncset.done @!p0 $0x0  }
0xa6: {  	[sflag:s0] =	ssyncadd.s32 @!p0 s1  }
0xa7: {  	[bflag:$0x3] =	sbarrier.arrive $0xFFFF  }
0xa8: {  	_ =	shalt  }

// kernel: kernel.18.cloned.1.call-start
scs
__scs_entry_jumppad:
0x0: {  	(pc) =	sbr.rel $0x88, $3  }
0x1: {  	(tag) =	ssettag $0x0;
	lr =	simm.s32 $0x1  }
0x2: {  	[smem:$0x3F67] =	sst lr;
	_ =	strace $0xD0000000  }
0x3: {  	_ = 	snop  }
0x4: {  	_ = 	snop  }
0x5: {  	_ = 	snop  }
0x6: {  	_ = 	snop  }
0x7: {  	_ = 	snop  }
__scs_overlays_trampoline_lowered:
0x8: {  	[smem:$0x3F76] =	sst s0  }
0x9: {  	[smem:$0x3F77] =	sst s1  }
0xa: {  	[smem:$0x3F78] =	sst s2  }
0xb: {  	[smem:$0x3F79] =	sst s3  }
0xc: {  	[smem:$0x3F7A] =	sst s4  }
0xd: {  	[smem:$0x3F7B] =	sst s5  }
0xe: {  	[smem:$0x3F7C] =	sst s6  }
0xf: {  	[smem:$0x3F7D] =	sst s7  }
0x10: {  	[smem:$0x3F7E] =	sst s8  }
0x11: {  	[smem:$0x3F7F] =	sst s9;
	s0 =	simm.s32 @!p0 $0x0  }
0x12: {  	s1 =	sld [smem:$0x3F65];
	s0 =	simm.s32 @p0 $0x1  }
0x13: {  	[smem:$0x3F80] =	sst s0;
	s0 =	simm.s32 @!p1 $0x0  }
0x14: {  	s2 =	sld [smem:$0x3F64];
	s0 =	simm.s32 @p1 $0x1  }
0x15: {  	[smem:$0x3F81] =	sst s0;
	s0 =	simm.s32 @!p2 $0x0  }
0x16: {  	s3 =	sld [smem:$0x3FDB];
	s0 =	simm.s32 @p2 $0x1  }
0x17: {  	s4 =	simm.s32 $0x1BF5;
	[smem:$0x3F83] =	sst s0  }
0x18: {  	s0 =	sld [smem:$0x3F66];
	_ =	swait.ge [sflag:s4], $0x0  }
0x19: {  	s7 =	sld [smem:$0x3F67]  }
0x1a: {  	s8 =	sadd.s32 $0xFFFFE003, lr  }
0x1b: {  	s9 =	sadd.s32 $0xFFFFFEF7, lr;
	s5 =	simm.s32 $0xFFFFFFFF;
	p2 =	slt.u32 s8, $0xFFFFF086  }
0x1c: {  	p1 =	slt.u32 s9, $0xF7A;
	s5 =	simm.s32 @!p2 $0x0  }
0x1d: {  	s5 =	simm.s32 @p1 $0x1;
	p0 =	seq.s32 s7, s2  }
0x1e: {  	s7 =	smul.u32 @!p0 $0xF7A, s2;
	p2 =	seq.s32 @!p0 s5, $0x0  }
0x1f: {  	s9 =	smul.u32 $0xF7A, s1;
	s8 =	simm.s32 @!p0 $0x1BF5;
	p2 =	por !p2, p0  }
0x20: {  	[sflag:s8] =	ssyncset.s32 @!p0 $0xFFFFF086;
	s6 =	sadd.s32 @!p0 s3, s7;
	s7 =	simm.s32 @!p0 $0x108  }
0x21: {  	s3 =	sadd.s32 s3, s9;
	s6 =	sadd.s32 @!p0 $0x88, s6;
	s7 =	simm.s32 @p2 $0x1082  }
0x22: {  	[simem:s7], [sflag:s8] =	dma.local @!p0 [hbm:s6], $0xF7A  }
0x23: {  	s9 =	sor.u32 $0xD0000000, s2;
	s6 =	simm.s32 $0x108;
	_ =	swait.ge @!p0 [sflag:s8], $0x0  }
0x24: {  	s3 =	sadd.s32 $0x88, s3;
	s6 =	simm.s32 @!p1 $0x1082;
	[sflag:s4] =	ssyncset.s32 $0xFFFFF086  }
0x25: {  	[simem:s6], [sflag:s4] =	dma.local [hbm:s3], $0xF7A  }
0x26: {  	[smem:$0x3F67] =	sst s1;
	(tag) =	ssettag s2;
	_ =	strace s9  }
0x27: {  	s1 =	sld [smem:$0x3F77]  }
0x28: {  	s2 =	sld [smem:$0x3F78]  }
0x29: {  	s4 =	sld [smem:$0x3F7A]  }
0x2a: {  	p0 =	seq.s32 s5, $0x0;
	s5 =	sld [smem:$0x3F7B]  }
0x2b: {  	s6 =	sld [smem:$0x3F7C]  }
0x2c: {  	s7 =	sld [smem:$0x3F7D]  }
0x2d: {  	s3 =	simm.s32 $0x108;
	s8 =	sld [smem:$0x3F7E]  }
0x2e: {  	s3 =	simm.s32 @!p0 $0x1082;
	s9 =	sld [smem:$0x3F7F]  }
0x2f: {  	lr =	sadd.s32 s0, s3;
	s0 =	sld [smem:$0x3F76]  }
0x30: {  	s3 =	sld [smem:$0x3F79]  }
0x31: {  	[smem:$0x3F82] =	sst s10  }
0x32: {  	s10 =	sld [smem:$0x3F80];
	_ =	sdelay $0x3  }
0x33: {  	p0 =	seq.s32 s10, $0x1;
	s10 =	sld [smem:$0x3F82];
	_ =	sdelay $0x3  }
0x34: {  	[smem:$0x3F82] =	sst s10  }
0x35: {  	s10 =	sld [smem:$0x3F81];
	_ =	sdelay $0x3  }
0x36: {  	p1 =	seq.s32 s10, $0x1;
	s10 =	sld [smem:$0x3F82];
	_ =	sdelay $0x3  }
0x37: {  	[smem:$0x3F82] =	sst s10  }
0x38: {  	s10 =	sld [smem:$0x3F83]  }
0x39: {  	_ = 	snop;
	(pc) =	sbr.ind lr, $3  }
0x3a: {  	_ = 	snop  }
0x3b: {  	_ = 	snop  }
0x3c: {  	p2 =	seq.s32 s10, $0x1;
	s10 =	sld [smem:$0x3F82]  }
0x3d: {  	_ =	shalt  }
0x3e: {  	_ =	shalt  }
0x3f: {  	_ =	shalt  }
0x40: {  	_ =	shalt  }
0x41: {  	_ =	shalt  }
0x42: {  	_ =	shalt  }
0x43: {  	_ =	shalt  }
0x44: {  	_ =	shalt  }
0x45: {  	_ =	shalt  }
0x46: {  	_ =	shalt  }
0x47: {  	_ =	shalt  }
0x48: {  	_ =	shalt  }
0x49: {  	_ =	shalt  }
0x4a: {  	_ =	shalt  }
0x4b: {  	_ =	shalt  }
0x4c: {  	_ =	shalt  }
0x4d: {  	_ =	shalt  }
0x4e: {  	_ =	shalt  }
0x4f: {  	_ =	shalt  }
0x50: {  	_ =	shalt  }
0x51: {  	_ =	shalt  }
0x52: {  	_ =	shalt  }
0x53: {  	_ =	shalt  }
0x54: {  	_ =	shalt  }
0x55: {  	_ =	shalt  }
0x56: {  	_ =	shalt  }
0x57: {  	_ =	shalt  }
0x58: {  	_ =	shalt  }
0x59: {  	_ =	shalt  }
0x5a: {  	_ =	shalt  }
0x5b: {  	_ =	shalt  }
0x5c: {  	_ =	shalt  }
0x5d: {  	_ =	shalt  }
0x5e: {  	_ =	shalt  }
0x5f: {  	_ =	shalt  }
0x60: {  	_ =	shalt  }
0x61: {  	_ =	shalt  }
0x62: {  	_ =	shalt  }
0x63: {  	_ =	shalt  }
0x64: {  	_ =	shalt  }
0x65: {  	_ =	shalt  }
0x66: {  	_ =	shalt  }
0x67: {  	_ =	shalt  }
0x68: {  	_ =	shalt  }
0x69: {  	_ =	shalt  }
0x6a: {  	_ =	shalt  }
0x6b: {  	_ =	shalt  }
0x6c: {  	_ =	shalt  }
0x6d: {  	_ =	shalt  }
0x6e: {  	_ =	shalt  }
0x6f: {  	_ =	shalt  }
0x70: {  	_ =	shalt  }
0x71: {  	_ =	shalt  }
0x72: {  	_ =	shalt  }
0x73: {  	_ =	shalt  }
0x74: {  	_ =	shalt  }
0x75: {  	_ =	shalt  }
0x76: {  	_ =	shalt  }
0x77: {  	_ =	shalt  }
0x78: {  	_ =	shalt  }
0x79: {  	_ =	shalt  }
0x7a: {  	_ =	shalt  }
0x7b: {  	_ =	shalt  }
0x7c: {  	_ =	shalt  }
0x7d: {  	_ =	shalt  }
0x7e: {  	_ =	shalt  }
0x7f: {  	_ =	shalt  }
0x80: {  	_ =	shalt  }
0x81: {  	_ =	shalt  }
0x82: {  	_ =	shalt  }
0x83: {  	_ =	shalt  }
0x84: {  	_ =	shalt  }
0x85: {  	_ =	shalt  }
0x86: {  	_ =	shalt  }
0x87: {  	_ =	shalt  }
.Lfunc_end0:
.L_simem_size_0:
called_computation.3_lowered:
.L_overlay_start_0:
0x88: {  	s2 =	sld [smem:$0x3FD9]  }
0x89: {  	s3 =	sld [smem:$0x3FFE];
	_ =	sdelay $0x1  }
0x8a: {  	s1 =	srdreg.scid  }
0x8b: {  	s0 =	sand.u32 $0x1, s1  }
0x8c: {  	s17 =	sshll.u32 s0, $0xA;
	s2 =	sadd.s32 s3, s2  }
0x8d: {  	s2 =	sadd.s32 s2, s17  }
0x8e: {  	[smem:$0x3F8E] =	sst s2  }
0x8f: {  	_ = 	snop  }
0x90: {  	(tm) =	ssettm $0x1  }
0x91: {  	s18 =	sld [smem:$0x3FFB];
	_ =	sdelay $0x3  }
0x92: {  	_ =	strace s18  }
0x93: {  	s2 =	sld [smem:$0x3FFC];
	_ =	sdelay $0x3  }
0x94: {  	_ =	strace s2  }
0x95: {  	s2 =	sld [smem:$0x3FFD];
	_ =	sdelay $0x3  }
0x96: {  	_ =	strace s2  }
0x97: {  	_ =	strace $0x8FFFFFFF  }
0x98: {  	s19 =	sld [smem:$0x3FDB];
	_ =	sdelay $0x1  }
0x99: {  	s20 =	simm.s32 $_scs_section_size  }
0x9a: {  	s4 =	simm.s32 $_size__tile_overlayer_lowered;
	s5 =	simm.s32 $_tile_overlayer_lowered  }
0x9b: {  	s6 =	simm.s32 $0x1BFF;
	s21 =	sshll.u32 s5, $0x1;
	s3 =	sadd.s32 s20, s19  }
0x9c: {  	s22 =	simm.s32 $0x0;
	s4 =	sshll.u32 s4, $0x1;
	s5 =	sadd.s32 s21, s3  }
0x9d: {  	[timem:s22], [sflag:s6] =	dma.local [hbm:s5], s4  }
0x9e: {  	_ =	swait.ge [sflag:s6], s4  }
0x9f: {  	s4 =	ssub.s32 $0x0, s4;
	[sflag:s6] =	ssyncset.done $0x0  }
0xa0: {  	[sflag:s6] =	ssyncadd.s32 s4;
	_ =	sdelay $0x1  }
0xa1: {  	s23 =	simm.s32 $0x1B8B  }
0xa2: {  	_ =	swait.ge [sflag:s23], $0x1  }
0xa3: {  	[sflag:s23] =	ssyncset.done $0x0  }
0xa4: {  	[sflag:s23] =	ssyncadd.s32 $0xFFFFFFFF  }
0xa5: {  	s4 =	sld [smem:$0x0]  }
0xa6: {  	s5 =	sand.u32 $0xFFFFFFFE, s1  }
0xa7: {  	p0 =	sne.s32 s1, s5  }
0xa8: {  	s5 =	sshll.u32 @p0 s5, $0xE  }
0xa9: {  	s5 =	sadd.s32 @p0 $0x11B8D, s5;
	s6 =	sshll.u32 @p0 s4, $0x11  }
0xaa: {  	s5 =	sor.u32 @p0 s6, s5  }
0xab: {  	[sflag:s5] =	ssyncadd.remote.s32 @p0 $0x1;
	_ =	sdelay $0x1  }
0xac: {  	s5 =	simm.s32 @p0 $0x1B8D  }
0xad: {  	_ =	swait.eq @p0 [sflag:s5], $0x1  }
0xae: {  	[sflag:s5] =	ssyncadd.s32 @p0 $0xFFFFFFFF  }
0xaf: {  	s6 =	sshll.u32 @!p0 s1, $0xE  }
0xb0: {  	s6 =	sor.u32 @!p0 $0x4000, s6;
	s5 =	simm.s32 @!p0 $0x1B8D  }
0xb1: {  	s4 =	sshll.u32 @!p0 s4, $0x11;
	s6 =	sadd.s32 @!p0 $0x11B8D, s6;
	_ =	swait.eq @!p0 [sflag:s5], $0x1  }
0xb2: {  	s4 =	sor.u32 @!p0 s4, s6;
	[sflag:s5] =	ssyncadd.s32 @!p0 $0xFFFFFFFF  }
0xb3: {  	s25 =	simm.s32 $0x1B8E;
	s24 =	sld [smem:$0x3FFE];
	[sflag:s4] =	ssyncadd.remote.s32 @!p0 $0x1  }
0xb4: {  	s26 =	simm.s32 $execute0_lowered;
	[smem:$0x3FD2] =	sst s25  }
0xb5: {  	s5 =	sshll.u32 s26, $0x1;
	_ =	strace $0x8000004C;
	[dreg:$0x1] =	wrdreg $0xFFFFFFFF  }
0xb6: {  	s28 =	simm.s32 $_size_execute0_lowered;
	s3 =	sadd.s32 s3, s5;
	[dreg:$0x0] =	wrdreg $0x0  }
0xb7: {  	s5 =	sshll.u32 s28, $0x1;
	[dreg:$0x2] =	wrdreg s3  }
0xb8: {  	[dreg:$0x3] =	wrdreg s5  }
0xb9: {  	[dreg:$0x4] =	wrdreg $0xC0  }
0xba: {  	_ =	task [dreg:s22], $0x5FFFF  }
0xbb: {  	[dreg:$0x1] =	wrdreg $0xFFFFFFFF  }
0xbc: {  	[dreg:$0x0] =	wrdreg $0x60  }
0xbd: {  	[dreg:$0x2] =	wrdreg s24  }
0xbe: {  	[dreg:$0x3] =	wrdreg $0x65000  }
0xbf: {  	[dreg:$0x4] =	wrdreg $0xA  }
0xc0: {  	_ =	task.clear_ibuf [dreg:s22], $0x5FFFF;
	_ =	strace $0x9000004C  }
0xc1: {  	s29 =	simm.s32 $0xA;
	_ =	strace $0x8000004E  }
0xc2: {  	_ =	swait.ge [sflag:s29], $0x1  }
0xc3: {  	[sflag:s29] =	ssyncadd.s32 $0xFFFFFFFF  }
0xc4: {  	_ =	strace $0x9000004E  }
0xc5: {  	_ =	sfence  }
0xc6: {  	s30 =	sld [smem:$0x0];
	_ =	sdelay $0x2  }
0xc7: {  	s31 =	sshll.u32 s1, $0xD;
	s1 =	sshrl.u32 s1, $0x2  }
0xc8: {  	s4 =	sand.u32 $0x4000, s31;
	s1 =	sadd.s32 s1, s30  }
0xc9: {  	s0 =	sor.u32 s4, s0;
	s1 =	sshll.u32 s1, $0x11  }
0xca: {  	s0 =	sor.u32 s1, s0  }
0xcb: {  	s0 =	sadd.s32 $0x8F2B, s0  }
0xcc: {  	[sflag:s0] =	ssyncadd.remote.s32 $0x1  }
0xcd: {  	_ =	sfence.sel $0xFFFF  }
0xce: {  	[dreg:$0x0] =	wrdreg $0xFFFFFFFF;
	(pc) =	sbr.abs _section_cstart, $3  }
0xcf: {  	[dreg:$0x1] =	wrdreg $0xFFFFFFFF  }
0xd0: {  	_ =	task.clear_ibuf [dreg:s22], $0x2FFFF;
	_ =	strace $0x9FFFFFFF  }
0xd1: {  	(tm) =	ssettm $0x7FFFFFFF  }
tec
execute0_lowered:
.L_overlay_start_1:
0x0: {  	(tag) =	ssettag $0x1  }
0x1: {  	s0 =	rddreg [dreg:$0x0]  }
0x2: {  	s2 =	rddreg [dreg:$0x1];
	s1 =	stileid.u32  }
0x3: {  	s3 =	simm.s32 $0x0;
	s5 =	srdreg.scid;
	s4 =	smul.u32 $0x27100, s1  }
0x4: {  	[smem:$0x7FF] =	sst s3;
	s6 =	smul.u32 $0x4E2, s1  }
0x5: {  	s5 =	sand.u32 $0x1, s5;
	s9 =	sshll.u32 s1, $0x2;
	s10 =	smul.u32 $0x64000, s1  }
0x6: {  	s15 =	sadd.s32 $0x95C00, s0;
	s11 =	smul.u32 $0x3200, s1;
	p1 =	sgt.u32 s1, $0xC  }
0x7: {  	s22 =	sshllo.u32 s1, $0x2;
	_ =	strace $0x8000004D;
	s31 =	smul.u32 $0x138800, s5  }
0x8: {  	s14 =	sor.u32 $0x1, s9;
	s17 =	ssub.s32 $0x2, s5;
	s21 =	smul.u32 $0x19000, s22  }
0x9: {  	s9 =	sor.u32 $0x2, s9;
	p0 =	seq.s32 s5, $0x1;
	s16 =	smul.u32 $0xC80, s22  }
0xa: {  	p3 =	sgt.u32 s22, $0x31;
	s7 =	sadd.s32 s4, s0;
	s12 =	smul.u32 $0x19000, s14  }
0xb: {  	s8 =	sadd.s32 s6, s0;
	[dreg:$0x3] =	wrdreg s14;
	s14 =	smul.u32 $0xC80, s14  }
0xc: {  	s6 =	sadd.s32 $0xBCE00, s0;
	s13 =	sshrl.u32 s17, $0x1;
	s18 =	smul.u32 $0x19000, s9  }
0xd: {  	s10 =	sshrl.u32 s10, $0x2;
	s19 =	smul.u32 $0xC80, s9;
	s23 =	sadd.s32 s15, s11  }
0xe: {  	s26 =	smul.u32 $0x6400, s9;
	p2 =	sgt.u32 s9, $0x31;
	s0 =	ssub.s32 s17, s13  }
0xf: {  	s20 =	sadd.s32 s10, s2;
	[dreg:$0x6] =	wrdreg s23;
	s17 =	smul.u32 $0x19000, s1  }
0x10: {  	s11 =	smov.u32 s31;
	s23 =	simm.s32 $0x100;
	s0 =	smax.u32 s0, $0x1  }
0x11: {  	[dreg:$0x5] =	wrdreg s20;
	s24 =	sshrl.u32 s12, $0x2;
	s5 =	sshrl.u32 s18, $0x2  }
0x12: {  	s25 =	sadd.s32 s15, s14;
	s13 =	sadd.s32 s15, s19;
	s18 =	smul.u32 $0x6400, s22  }
0x13: {  	s15 =	sadd.s32 s15, s16;
	s19 =	sadd.s32 $0x145C000, s7;
	s20 =	sadd.s32 $0x1B800, s8  }
0x14: {  	s22 =	simm.s32 $0x1;
	[dreg:$0x4] =	wrdreg s0;
	s10 =	sadd.s32 s24, s2  }
0x15: {  	[dreg:$0x8] =	wrdreg s25;
	s12 =	sadd.s32 s5, s2;
	s0 =	sshrl.u32 s21, $0x2  }
.Ltmp0:
0x16: {  	s28 =	sadd.s32 s31, s17;
	s5 =	sadd.s32 s31, s26;
	(pc) =	sbr.rel .LBB2_1-.Ltmp0, $4  }
0x17: {  	s21 =	sadd.s32 $0x16CD000, s7;
	s24 =	simm.s32 $0xC8;
	s25 =	simm.s32 $0x0  }
0x18: {  	[dreg:$0x7] =	wrdreg s10;
	s14 =	sadd.s32 s0, s2;
	s29 =	sadd.s32 s31, s18  }
0x19: {  	s0 =	sshrl.u32 s28, $0x3;
	s30 =	sshrl.u32 s5, $0x3;
	s31 =	sshrl.u32 s29, $0x3  }
0x1a: {  	s16 =	sadd.s32 s6, s0;
	s17 =	sadd.s32 s6, s30;
	s18 =	sadd.s32 s6, s31  }
.LBB2_7:
0x1b: {  	s4 =	sadd.s32 s5, s20;
	[sflag:s22] =	ssyncadd.s32 $0xFFFF9C00  }
0x1c: {  	[tilespmem:s3], [sflag:$0x1] =	stream.linear.gather [hbm4b:s4+s3], $0xC8, $0x38;
	[tilespmem:$0x19D80] =	vst v63  }
0x1d: {  	_ =	swait.ge [sflag:s22], $0xC8  }
0x1e: {  	[sflag:s22] =	ssyncset.done $0x0  }
0x1f: {  	[sflag:s22] =	ssyncadd.s32 $0xFFFFFF38  }
0x20: {  	[tilespmem:s23], [sflag:$0x1] =	stream.linear.gather [hbm4b:s8+s3], $0x6400, $0x38;
	[tilespmem:$0x19D80] =	vst v63  }
0x21: {  	_ =	swait.ge [sflag:s22], $0x6400  }
0x22: {  	[sflag:s22] =	ssyncset.done $0x0  }
0x23: {  	[sflag:s22] =	ssyncadd.s32 $0xFFFF9C00  }
0x24: {  	[spmem:s2] =	stream.indirect.scatter.add.f32 [tilespmem:s23], [sflag:$0x1], $0x80, s3, s24, $0xb8;
	[tilespmem:$0x19D80] =	vst v63  }
0x25: {  	_ =	swait.ge [sflag:s22], $0x6400  }
0x26: {  	[sflag:s22] =	ssyncset.done $0x0  }
0x27: {  	[sflag:s22] =	ssyncadd.s32 $0xFFFF9C00  }
.LBB2_8:
0x28: {  	[bflag:$0x0] =	sbarrier.arrive $0xFFFF  }
0x29: {  	[hbm:s16], [sflag:s26] =	dma.local @!p1 [spmem:s30], $0xC80  }
0x2a: {  	s4 =	rddreg [dreg:$0x3]  }
0x2b: {  	s4 =	smul.u32 @!p1 $0x6400, s4  }
0x2c: {  	s5 =	simm.s32 @!p1 $0x1  }
0x2d: {  	_ =	swait.ge @!p1 [sflag:s5], $0xC80;
	s4 =	sadd.s32 @!p1 s11, s4  }
0x2e: {  	[sflag:s5] =	ssyncset.done @!p1 $0x0;
	s4 =	sshrl.u32 @!p1 s4, $0x3  }
0x2f: {  	[sflag:s5] =	ssyncadd.s32 @!p1 $0xFFFFF380;
	s4 =	sadd.s32 @!p1 s6, s4  }
0x30: {  	[hbm:s4], [sflag:s26] =	dma.local @!p1 [spmem:s28], $0xC80  }
0x31: {  	_ =	swait.ge @!p1 [sflag:s5], $0xC80  }
0x32: {  	[sflag:s5] =	ssyncset.done @!p1 $0x0  }
0x33: {  	s4 =	simm.s32 @!p2 $0x1;
	[sflag:s5] =	ssyncadd.s32 @!p1 $0xFFFFF380  }
0x34: {  	[hbm:s17], [sflag:s29] =	dma.local @!p2 [spmem:s31], $0xC80  }
0x35: {  	_ =	swait.ge @!p2 [sflag:s4], $0xC80  }
0x36: {  	[sflag:s4] =	ssyncset.done @!p2 $0x0  }
0x37: {  	[sflag:s4] =	ssyncadd.s32 @!p2 $0xFFFFF380  }
0x38: {  	[hbm:s18], [sflag:s0] =	dma.local @!p3 [spmem:s7], $0xC80  }
0x39: {  	s0 =	simm.s32 @!p3 $0x1  }
0x3a: {  	_ =	swait.ge @!p3 [sflag:s0], $0xC80  }
0x3b: {  	s25 =	sadd.s32 $0x1, s25;
	s31 =	rddreg [dreg:$0x4]  }
0x3c: {  	p4 =	sne.s32 s25, s31  }
.Ltmp1:
0x3d: {  	_ = 	snop;
	(pc) =	sbr.rel @!p4 .LBB2_9-.Ltmp1, $3  }
0x3e: {  	_ =	sdelay $0x1  }
0x3f: {  	[sflag:s0] =	ssyncset.done @!p3 $0x0  }
0x40: {  	[sflag:s0] =	ssyncadd.s32 @!p3 $0xFFFFF380  }
.LBB2_1:
0x41: {  	s0 =	sshll.u32 @!p1 s1, $0x6  }
0x42: {  	s26 =	sor.u32 @!p1 $0x1C01, s0;
	s0 =	rddreg [dreg:$0x5]  }
0x43: {  	s30 =	sshrl.u32 @!p1 s0, $0x3;
	s0 =	rddreg [dreg:$0x6]  }
0x44: {  	[spmem:s30], [sflag:s26] =	dma.local @!p1 [hbm:s0], $0xC80  }
0x45: {  	s0 =	simm.s32 @!p1 $0x1  }
0x46: {  	_ =	swait.ge @!p1 [sflag:s0], $0xC80  }
0x47: {  	[sflag:s0] =	ssyncset.done @!p1 $0x0;
	s4 =	rddreg [dreg:$0x7]  }
0x48: {  	[sflag:s0] =	ssyncadd.s32 @!p1 $0xFFFFF380;
	s28 =	sshrl.u32 @!p1 s4, $0x3;
	s4 =	rddreg [dreg:$0x8]  }
0x49: {  	[spmem:s28], [sflag:s26] =	dma.local @!p1 [hbm:s4], $0xC80  }
0x4a: {  	_ =	swait.ge @!p1 [sflag:s0], $0xC80  }
0x4b: {  	s5 =	sshll.u32 @!p2 s1, $0x6;
	s31 =	sshrl.u32 @!p2 s12, $0x3;
	[sflag:s0] =	ssyncset.done @!p1 $0x0  }
0x4c: {  	s29 =	sor.u32 @!p2 $0x1C01, s5;
	[sflag:s0] =	ssyncadd.s32 @!p1 $0xFFFFF380;
	s0 =	simm.s32 @!p2 $0x1  }
0x4d: {  	[spmem:s31], [sflag:s29] =	dma.local @!p2 [hbm:s13], $0xC80  }
0x4e: {  	_ =	swait.ge @!p2 [sflag:s0], $0xC80  }
0x4f: {  	s7 =	sshrl.u32 @!p3 s14, $0x3;
	s5 =	sshll.u32 @!p3 s1, $0x6;
	[sflag:s0] =	ssyncset.done @!p2 $0x0  }
0x50: {  	[sflag:s0] =	ssyncadd.s32 @!p2 $0xFFFFF380;
	s0 =	sor.u32 @!p3 $0x1C01, s5;
	s5 =	simm.s32 @!p3 $0x1  }
0x51: {  	[spmem:s7], [sflag:s0] =	dma.local @!p3 [hbm:s15], $0xC80  }
.Ltmp2:
0x52: {  	_ =	swait.ge @!p3 [sflag:s5], $0xC80;
	(pc) =	sbr.rel @!p0 .LBB2_2-.Ltmp2, $3  }
0x53: {  	[sflag:s5] =	ssyncset.done @!p3 $0x0  }
0x54: {  	[sflag:s5] =	ssyncadd.s32 @!p3 $0xFFFFF380  }
0x55: {  	[bflag:$0x0] =	sbarrier.arrive $0xFFFF;
	_ =	sdelay $0x1  }
0x56: {  	s4 =	sadd.s32 $0x0, s20  }
0x57: {  	[tilespmem:s3], [sflag:$0x1] =	stream.linear.gather [hbm4b:s4+s3], $0xC8, $0x38;
	[tilespmem:$0x19D80] =	vst v63  }
0x58: {  	_ =	swait.ge [sflag:s22], $0xC8  }
0x59: {  	[sflag:s22] =	ssyncset.done $0x0  }
0x5a: {  	[sflag:s22] =	ssyncadd.s32 $0xFFFFFF38  }
0x5b: {  	[tilespmem:s23], [sflag:$0x1] =	stream.linear.gather [hbm4b:s21+s3], $0x6400, $0x38;
	[tilespmem:$0x19D80] =	vst v63  }
0x5c: {  	_ =	swait.ge [sflag:s22], $0x6400  }
0x5d: {  	[sflag:s22] =	ssyncset.done $0x0  }
0x5e: {  	[sflag:s22] =	ssyncadd.s32 $0xFFFF9C00  }
0x5f: {  	[spmem:s2] =	stream.indirect.scatter.add.f32 [tilespmem:s23], [sflag:$0x1], $0x80, s3, s24, $0xb8;
	[tilespmem:$0x19D80] =	vst v63  }
0x60: {  	s5 =	simm.s32 $0x19;
	_ =	swait.ge [sflag:s22], $0x6400  }
0x61: {  	s9 =	simm.s32 $0x32;
	s8 =	sadd.s32 $0xC80, s21;
	[sflag:s22] =	ssyncset.done $0x0  }
.LBB2_6:
0x62: {  	s4 =	sadd.s32 s5, s20  }
0x63: {  	[sflag:s22] =	ssyncadd.s32 $0xFFFF9C00;
	s5 =	smov.u32 s9;
	s10 =	sadd.s32 $0x19, s9  }
0x64: {  	[tilespmem:s3], [sflag:$0x1] =	stream.linear.gather [hbm4b:s4+s3], $0xC8, $0x38;
	[tilespmem:$0x19D80] =	vst v63  }
0x65: {  	p4 =	sne.s32 s9, $0x4C9;
	_ =	swait.ge [sflag:s22], $0xC8  }
0x66: {  	[sflag:s22] =	ssyncset.done $0x0  }
0x67: {  	[sflag:s22] =	ssyncadd.s32 $0xFFFFFF38  }
0x68: {  	[tilespmem:s23], [sflag:$0x1] =	stream.linear.gather [hbm4b:s8+s3], $0x6400, $0x38;
	[tilespmem:$0x19D80] =	vst v63  }
0x69: {  	_ =	swait.ge [sflag:s22], $0x6400  }
.Ltmp3:
0x6a: {  	[sflag:s22] =	ssyncset.done $0x0;
	(pc) =	sbr.rel @p4 .LBB2_6-.Ltmp3, $4  }
0x6b: {  	[sflag:s22] =	ssyncadd.s32 $0xFFFF9C00  }
0x6c: {  	[spmem:s2] =	stream.indirect.scatter.add.f32 [tilespmem:s23], [sflag:$0x1], $0x80, s3, s24, $0xb8;
	[tilespmem:$0x19D80] =	vst v63  }
0x6d: {  	_ =	swait.ge [sflag:s22], $0x6400  }
0x6e: {  	s9 =	smov.u32 s10;
	s8 =	sadd.s32 $0xC80, s8;
	[sflag:s22] =	ssyncset.done $0x0  }
.Ltmp4:
0x6f: {  	_ = 	snop;
	(pc) =	sbr.rel .LBB2_7-.Ltmp4, $1  }
0x70: {  	_ =	sdelay $0x3  }
.LBB2_2:
0x71: {  	s5 =	sadd.s32 $0x0, s20  }
0x72: {  	[tilespmem:s3], [sflag:$0x1] =	stream.linear.gather [hbm4b:s5+s3], $0xC8, $0x38;
	[tilespmem:$0x19D80] =	vst v63  }
0x73: {  	_ =	swait.ge [sflag:s22], $0xC8  }
0x74: {  	[sflag:s22] =	ssyncset.done $0x0  }
0x75: {  	[sflag:s22] =	ssyncadd.s32 $0xFFFFFF38  }
0x76: {  	[tilespmem:s23], [sflag:$0x1] =	stream.linear.gather [hbm4b:s19+s3], $0x6400, $0x38;
	[tilespmem:$0x19D80] =	vst v63  }
0x77: {  	_ =	swait.ge [sflag:s22], $0x6400  }
0x78: {  	[sflag:s22] =	ssyncset.done $0x0  }
0x79: {  	[sflag:s22] =	ssyncadd.s32 $0xFFFF9C00  }
0x7a: {  	[spmem:s2] =	stream.indirect.scatter.add.f32 [tilespmem:s23], [sflag:$0x1], $0x80, s3, s24, $0xb8;
	[tilespmem:$0x19D80] =	vst v63  }
0x7b: {  	s9 =	simm.s32 $0x32;
	_ =	swait.ge [sflag:s22], $0x6400  }
0x7c: {  	s8 =	sadd.s32 $0xC80, s19;
	s5 =	simm.s32 $0x19;
	[sflag:s22] =	ssyncset.done $0x0  }
.LBB2_3:
0x7d: {  	s4 =	sadd.s32 s5, s20  }
0x7e: {  	[sflag:s22] =	ssyncadd.s32 $0xFFFF9C00;
	s5 =	smov.u32 s9;
	s10 =	sadd.s32 $0x19, s9  }
0x7f: {  	[tilespmem:s3], [sflag:$0x1] =	stream.linear.gather [hbm4b:s4+s3], $0xC8, $0x38;
	[tilespmem:$0x19D80] =	vst v63  }
0x80: {  	p4 =	seq.s32 s9, $0x4C9;
	_ =	swait.ge [sflag:s22], $0xC8  }
0x81: {  	[sflag:s22] =	ssyncset.done $0x0  }
0x82: {  	[sflag:s22] =	ssyncadd.s32 $0xFFFFFF38  }
0x83: {  	[tilespmem:s23], [sflag:$0x1] =	stream.linear.gather [hbm4b:s8+s3], $0x6400, $0x38;
	[tilespmem:$0x19D80] =	vst v63  }
0x84: {  	_ =	swait.ge [sflag:s22], $0x6400  }
.Ltmp5:
0x85: {  	[sflag:s22] =	ssyncset.done $0x0;
	(pc) =	sbr.rel @!p4 .LBB2_3-.Ltmp5, $4  }
0x86: {  	[sflag:s22] =	ssyncadd.s32 $0xFFFF9C00  }
0x87: {  	[spmem:s2] =	stream.indirect.scatter.add.f32 [tilespmem:s23], [sflag:$0x1], $0x80, s3, s24, $0xb8;
	[tilespmem:$0x19D80] =	vst v63  }
0x88: {  	_ =	swait.ge [sflag:s22], $0x6400  }
0x89: {  	s9 =	smov.u32 s10;
	s8 =	sadd.s32 $0xC80, s8;
	[sflag:s22] =	ssyncset.done $0x0  }
0x8a: {  	s4 =	sadd.s32 s5, s20;
	[sflag:s22] =	ssyncadd.s32 $0xFFFF9C00  }
0x8b: {  	[tilespmem:s3], [sflag:$0x1] =	stream.linear.gather [hbm4b:s4+s3], $0xC8, $0x38;
	[tilespmem:$0x19D80] =	vst v63  }
0x8c: {  	_ =	swait.ge [sflag:s22], $0xC8  }
0x8d: {  	[sflag:s22] =	ssyncset.done $0x0  }
0x8e: {  	[sflag:s22] =	ssyncadd.s32 $0xFFFFFF38  }
0x8f: {  	[tilespmem:s23], [sflag:$0x1] =	stream.linear.gather [hbm4b:s8+s3], $0x6400, $0x38;
	[tilespmem:$0x19D80] =	vst v63  }
0x90: {  	_ =	swait.ge [sflag:s22], $0x6400  }
0x91: {  	[sflag:s22] =	ssyncset.done $0x0  }
.Ltmp6:
0x92: {  	[sflag:s22] =	ssyncadd.s32 $0xFFFF9C00;
	(pc) =	sbr.rel .LBB2_8-.Ltmp6, $4  }
0x93: {  	[spmem:s2] =	stream.indirect.scatter.add.f32 [tilespmem:s23], [sflag:$0x1], $0x80, s3, s24, $0xb8;
	[tilespmem:$0x19D80] =	vst v63  }
0x94: {  	_ =	swait.ge [sflag:s22], $0x6400  }
0x95: {  	[sflag:s22] =	ssyncset.done $0x0  }
0x96: {  	[sflag:s22] =	ssyncadd.s32 $0xFFFF9C00  }
.LBB2_9:
0x97: {  	_ =	sfence.sel $0x180000  }
0x98: {  	[bflag:$0x0] =	sbarrier.arrive $0xFFFF  }
0x99: {  	_ =	strace $0x9000004D  }
0x9a: {  	[bflag:$0x2] =	sbarrier.arrive $0xFFFF  }
0x9b: {  	p0 =	sne.s32 s1, $0x0;
	s0 =	rddreg [dreg:$0x2]  }
0x9c: {  	s0 =	sadd.s32 @!p0 $0x100000, s0  }
0x9d: {  	[sflag:s0] =	ssyncadd.tile.s32 @!p0 $0x1;
	_ =	shalt  }
.Lfunc_end2:
_tile_overlayer_lowered:
.L_overlay_start_2:
0x9e: {  	(tag) =	ssettag $0x2  }
0x9f: {  	s0 =	rddreg [dreg:$0x0];
	s2 =	stileid.u32  }
0xa0: {  	s1 =	rddreg [dreg:$0x1];
	p0 =	sne.s32 s2, $0x0  }
0xa1: {  	s3 =	rddreg [dreg:$0x2];
	[bflag:$0x3] =	sbarrier.arrive $0xFFFF;
	s2 =	simm.s32 @!p0 $0x1C01  }
0xa2: {  	[timem:s3], [sflag:s2] =	dma.local @!p0 [hbm:s0], s1  }
0xa3: {  	s0 =	simm.s32 @!p0 $0x1  }
0xa4: {  	_ =	swait.ge @!p0 [sflag:s0], s1  }
0xa5: {  	s1 =	ssub.s32 @!p0 $0x0, s1;
	[sflag:s0] =	ssyncset.done @!p0 $0x0  }
0xa6: {  	[sflag:s0] =	ssyncadd.s32 @!p0 s1  }
0xa7: {  	[bflag:$0x3] =	sbarrier.arrive $0xFFFF  }
0xa8: {  	_ =	shalt  }

// kernel: kernel.9.cloned.1.call-start
scs
__scs_entry_jumppad:
0x0: {  	(pc) =	sbr.rel $0x88, $3  }
0x1: {  	(tag) =	ssettag $0x0;
	lr =	simm.s32 $0x1  }
0x2: {  	[smem:$0x3F67] =	sst lr;
	_ =	strace $0xD0000000  }
0x3: {  	_ = 	snop  }
0x4: {  	_ = 	snop  }
0x5: {  	_ = 	snop  }
0x6: {  	_ = 	snop  }
0x7: {  	_ = 	snop  }
__scs_overlays_trampoline_lowered:
0x8: {  	[smem:$0x3F76] =	sst s0  }
0x9: {  	[smem:$0x3F77] =	sst s1  }
0xa: {  	[smem:$0x3F78] =	sst s2  }
0xb: {  	[smem:$0x3F79] =	sst s3  }
0xc: {  	[smem:$0x3F7A] =	sst s4  }
0xd: {  	[smem:$0x3F7B] =	sst s5  }
0xe: {  	[smem:$0x3F7C] =	sst s6  }
0xf: {  	[smem:$0x3F7D] =	sst s7  }
0x10: {  	[smem:$0x3F7E] =	sst s8  }
0x11: {  	[smem:$0x3F7F] =	sst s9;
	s0 =	simm.s32 @!p0 $0x0  }
0x12: {  	s1 =	sld [smem:$0x3F65];
	s0 =	simm.s32 @p0 $0x1  }
0x13: {  	[smem:$0x3F80] =	sst s0;
	s0 =	simm.s32 @!p1 $0x0  }
0x14: {  	s2 =	sld [smem:$0x3F64];
	s0 =	simm.s32 @p1 $0x1  }
0x15: {  	[smem:$0x3F81] =	sst s0;
	s0 =	simm.s32 @!p2 $0x0  }
0x16: {  	s3 =	sld [smem:$0x3FDB];
	s0 =	simm.s32 @p2 $0x1  }
0x17: {  	s4 =	simm.s32 $0x1BF5;
	[smem:$0x3F83] =	sst s0  }
0x18: {  	s0 =	sld [smem:$0x3F66];
	_ =	swait.ge [sflag:s4], $0x0  }
0x19: {  	s7 =	sld [smem:$0x3F67]  }
0x1a: {  	s8 =	sadd.s32 $0xFFFFE003, lr  }
0x1b: {  	s9 =	sadd.s32 $0xFFFFFEF7, lr;
	s5 =	simm.s32 $0xFFFFFFFF;
	p2 =	slt.u32 s8, $0xFFFFF086  }
0x1c: {  	p1 =	slt.u32 s9, $0xF7A;
	s5 =	simm.s32 @!p2 $0x0  }
0x1d: {  	s5 =	simm.s32 @p1 $0x1;
	p0 =	seq.s32 s7, s2  }
0x1e: {  	s7 =	smul.u32 @!p0 $0xF7A, s2;
	p2 =	seq.s32 @!p0 s5, $0x0  }
0x1f: {  	s9 =	smul.u32 $0xF7A, s1;
	s8 =	simm.s32 @!p0 $0x1BF5;
	p2 =	por !p2, p0  }
0x20: {  	[sflag:s8] =	ssyncset.s32 @!p0 $0xFFFFF086;
	s6 =	sadd.s32 @!p0 s3, s7;
	s7 =	simm.s32 @!p0 $0x108  }
0x21: {  	s3 =	sadd.s32 s3, s9;
	s6 =	sadd.s32 @!p0 $0x88, s6;
	s7 =	simm.s32 @p2 $0x1082  }
0x22: {  	[simem:s7], [sflag:s8] =	dma.local @!p0 [hbm:s6], $0xF7A  }
0x23: {  	s9 =	sor.u32 $0xD0000000, s2;
	s6 =	simm.s32 $0x108;
	_ =	swait.ge @!p0 [sflag:s8], $0x0  }
0x24: {  	s3 =	sadd.s32 $0x88, s3;
	s6 =	simm.s32 @!p1 $0x1082;
	[sflag:s4] =	ssyncset.s32 $0xFFFFF086  }
0x25: {  	[simem:s6], [sflag:s4] =	dma.local [hbm:s3], $0xF7A  }
0x26: {  	[smem:$0x3F67] =	sst s1;
	(tag) =	ssettag s2;
	_ =	strace s9  }
0x27: {  	s1 =	sld [smem:$0x3F77]  }
0x28: {  	s2 =	sld [smem:$0x3F78]  }
0x29: {  	s4 =	sld [smem:$0x3F7A]  }
0x2a: {  	p0 =	seq.s32 s5, $0x0;
	s5 =	sld [smem:$0x3F7B]  }
0x2b: {  	s6 =	sld [smem:$0x3F7C]  }
0x2c: {  	s7 =	sld [smem:$0x3F7D]  }
0x2d: {  	s3 =	simm.s32 $0x108;
	s8 =	sld [smem:$0x3F7E]  }
0x2e: {  	s3 =	simm.s32 @!p0 $0x1082;
	s9 =	sld [smem:$0x3F7F]  }
0x2f: {  	lr =	sadd.s32 s0, s3;
	s0 =	sld [smem:$0x3F76]  }
0x30: {  	s3 =	sld [smem:$0x3F79]  }
0x31: {  	[smem:$0x3F82] =	sst s10  }
0x32: {  	s10 =	sld [smem:$0x3F80];
	_ =	sdelay $0x3  }
0x33: {  	p0 =	seq.s32 s10, $0x1;
	s10 =	sld [smem:$0x3F82];
	_ =	sdelay $0x3  }
0x34: {  	[smem:$0x3F82] =	sst s10  }
0x35: {  	s10 =	sld [smem:$0x3F81];
	_ =	sdelay $0x3  }
0x36: {  	p1 =	seq.s32 s10, $0x1;
	s10 =	sld [smem:$0x3F82];
	_ =	sdelay $0x3  }
0x37: {  	[smem:$0x3F82] =	sst s10  }
0x38: {  	s10 =	sld [smem:$0x3F83]  }
0x39: {  	_ = 	snop;
	(pc) =	sbr.ind lr, $3  }
0x3a: {  	_ = 	snop  }
0x3b: {  	_ = 	snop  }
0x3c: {  	p2 =	seq.s32 s10, $0x1;
	s10 =	sld [smem:$0x3F82]  }
0x3d: {  	_ =	shalt  }
0x3e: {  	_ =	shalt  }
0x3f: {  	_ =	shalt  }
0x40: {  	_ =	shalt  }
0x41: {  	_ =	shalt  }
0x42: {  	_ =	shalt  }
0x43: {  	_ =	shalt  }
0x44: {  	_ =	shalt  }
0x45: {  	_ =	shalt  }
0x46: {  	_ =	shalt  }
0x47: {  	_ =	shalt  }
0x48: {  	_ =	shalt  }
0x49: {  	_ =	shalt  }
0x4a: {  	_ =	shalt  }
0x4b: {  	_ =	shalt  }
0x4c: {  	_ =	shalt  }
0x4d: {  	_ =	shalt  }
0x4e: {  	_ =	shalt  }
0x4f: {  	_ =	shalt  }
0x50: {  	_ =	shalt  }
0x51: {  	_ =	shalt  }
0x52: {  	_ =	shalt  }
0x53: {  	_ =	shalt  }
0x54: {  	_ =	shalt  }
0x55: {  	_ =	shalt  }
0x56: {  	_ =	shalt  }
0x57: {  	_ =	shalt  }
0x58: {  	_ =	shalt  }
0x59: {  	_ =	shalt  }
0x5a: {  	_ =	shalt  }
0x5b: {  	_ =	shalt  }
0x5c: {  	_ =	shalt  }
0x5d: {  	_ =	shalt  }
0x5e: {  	_ =	shalt  }
0x5f: {  	_ =	shalt  }
0x60: {  	_ =	shalt  }
0x61: {  	_ =	shalt  }
0x62: {  	_ =	shalt  }
0x63: {  	_ =	shalt  }
0x64: {  	_ =	shalt  }
0x65: {  	_ =	shalt  }
0x66: {  	_ =	shalt  }
0x67: {  	_ =	shalt  }
0x68: {  	_ =	shalt  }
0x69: {  	_ =	shalt  }
0x6a: {  	_ =	shalt  }
0x6b: {  	_ =	shalt  }
0x6c: {  	_ =	shalt  }
0x6d: {  	_ =	shalt  }
0x6e: {  	_ =	shalt  }
0x6f: {  	_ =	shalt  }
0x70: {  	_ =	shalt  }
0x71: {  	_ =	shalt  }
0x72: {  	_ =	shalt  }
0x73: {  	_ =	shalt  }
0x74: {  	_ =	shalt  }
0x75: {  	_ =	shalt  }
0x76: {  	_ =	shalt  }
0x77: {  	_ =	shalt  }
0x78: {  	_ =	shalt  }
0x79: {  	_ =	shalt  }
0x7a: {  	_ =	shalt  }
0x7b: {  	_ =	shalt  }
0x7c: {  	_ =	shalt  }
0x7d: {  	_ =	shalt  }
0x7e: {  	_ =	shalt  }
0x7f: {  	_ =	shalt  }
0x80: {  	_ =	shalt  }
0x81: {  	_ =	shalt  }
0x82: {  	_ =	shalt  }
0x83: {  	_ =	shalt  }
0x84: {  	_ =	shalt  }
0x85: {  	_ =	shalt  }
0x86: {  	_ =	shalt  }
0x87: {  	_ =	shalt  }
.Lfunc_end0:
.L_simem_size_0:
called_computation_lowered:
.L_overlay_start_0:
0x88: {  	s2 =	sld [smem:$0x3FD9]  }
0x89: {  	s3 =	sld [smem:$0x3FFE];
	_ =	sdelay $0x1  }
0x8a: {  	s1 =	srdreg.scid  }
0x8b: {  	s0 =	sand.u32 $0x1, s1  }
0x8c: {  	s15 =	sshll.u32 s0, $0xA;
	s2 =	sadd.s32 s3, s2  }
0x8d: {  	s2 =	sadd.s32 s2, s15  }
0x8e: {  	[smem:$0x3F8E] =	sst s2  }
0x8f: {  	_ = 	snop  }
0x90: {  	s2 =	sld [smem:$0x3FD0];
	_ =	sdelay $0x2  }
0x91: {  	s16 =	simm.s32 $0xB;
	s4 =	simm.s32 $0x10  }
0x92: {  	[smem:s4], [sflag:s16] =	dma.local [hbm:s2], $0x1  }
0x93: {  	_ =	swait.eq [sflag:s16], $0x1  }
0x94: {  	[sflag:s16] =	ssyncset.done $0x0  }
0x95: {  	[sflag:s16] =	ssyncadd.s32 $0xFFFFFFFF  }
0x96: {  	s17 =	sld [smem:$0x10];
	(tm) =	ssettm $0x1  }
0x97: {  	s18 =	sld [smem:$0x3FFB];
	_ =	sdelay $0x3  }
0x98: {  	_ =	strace s18  }
0x99: {  	s2 =	sld [smem:$0x3FFC];
	_ =	sdelay $0x3  }
0x9a: {  	_ =	strace s2  }
0x9b: {  	s2 =	sld [smem:$0x3FFD];
	_ =	sdelay $0x3  }
0x9c: {  	_ =	strace s2  }
0x9d: {  	_ =	strace $0x8FFFFFFF  }
0x9e: {  	s19 =	sld [smem:$0x3FDB];
	_ =	sdelay $0x1  }
0x9f: {  	s20 =	simm.s32 $_scs_section_size  }
0xa0: {  	s5 =	simm.s32 $_size__tile_overlayer_lowered;
	s6 =	simm.s32 $_tile_overlayer_lowered  }
0xa1: {  	s7 =	simm.s32 $0x1BFF;
	s21 =	sshll.u32 s6, $0x1;
	s4 =	sadd.s32 s20, s19  }
0xa2: {  	s22 =	simm.s32 $0x0;
	s5 =	sshll.u32 s5, $0x1;
	s6 =	sadd.s32 s21, s4  }
0xa3: {  	[timem:s22], [sflag:s7] =	dma.local [hbm:s6], s5  }
0xa4: {  	_ =	swait.ge [sflag:s7], s5  }
0xa5: {  	s5 =	ssub.s32 $0x0, s5;
	[sflag:s7] =	ssyncset.done $0x0  }
0xa6: {  	[sflag:s7] =	ssyncadd.s32 s5;
	_ =	sdelay $0x1  }
0xa7: {  	s23 =	simm.s32 $0x1B8B  }
0xa8: {  	_ =	swait.ge [sflag:s23], $0x1  }
0xa9: {  	[sflag:s23] =	ssyncset.done $0x0  }
0xaa: {  	[sflag:s23] =	ssyncadd.s32 $0xFFFFFFFF  }
0xab: {  	s5 =	sld [smem:$0x0]  }
0xac: {  	s6 =	sand.u32 $0xFFFFFFFE, s1  }
0xad: {  	p0 =	sne.s32 s1, s6  }
0xae: {  	s6 =	sshll.u32 @p0 s6, $0xE  }
0xaf: {  	s6 =	sadd.s32 @p0 $0x11B8D, s6;
	s7 =	sshll.u32 @p0 s5, $0x11  }
0xb0: {  	s6 =	sor.u32 @p0 s7, s6  }
0xb1: {  	[sflag:s6] =	ssyncadd.remote.s32 @p0 $0x1;
	_ =	sdelay $0x1  }
0xb2: {  	s6 =	simm.s32 @p0 $0x1B8D  }
0xb3: {  	_ =	swait.eq @p0 [sflag:s6], $0x1  }
0xb4: {  	[sflag:s6] =	ssyncadd.s32 @p0 $0xFFFFFFFF  }
0xb5: {  	s7 =	sshll.u32 @!p0 s1, $0xE  }
0xb6: {  	s7 =	sor.u32 @!p0 $0x4000, s7;
	s6 =	simm.s32 @!p0 $0x1B8D  }
0xb7: {  	s5 =	sshll.u32 @!p0 s5, $0x11;
	s7 =	sadd.s32 @!p0 $0x11B8D, s7;
	_ =	swait.eq @!p0 [sflag:s6], $0x1  }
0xb8: {  	s5 =	sor.u32 @!p0 s5, s7;
	[sflag:s6] =	ssyncadd.s32 @!p0 $0xFFFFFFFF  }
0xb9: {  	s25 =	simm.s32 $0x1B8E;
	s24 =	sld [smem:$0x3FFE];
	[sflag:s5] =	ssyncadd.remote.s32 @!p0 $0x1  }
0xba: {  	s26 =	simm.s32 $execute0_lowered;
	[smem:$0x3FD2] =	sst s25  }
0xbb: {  	s6 =	sshll.u32 s26, $0x1;
	_ =	strace $0x80000049;
	[dreg:$0x1] =	wrdreg $0xFFFFFFFF  }
0xbc: {  	s28 =	simm.s32 $_size_execute0_lowered;
	s4 =	sadd.s32 s4, s6;
	[dreg:$0x0] =	wrdreg $0x0  }
0xbd: {  	s6 =	sshll.u32 s28, $0x1;
	[dreg:$0x2] =	wrdreg s4  }
0xbe: {  	[dreg:$0x3] =	wrdreg s6  }
0xbf: {  	[dreg:$0x4] =	wrdreg $0xC0  }
0xc0: {  	_ =	task [dreg:s22], $0x5FFFF  }
0xc1: {  	[dreg:$0x1] =	wrdreg $0xFFFFFFFF  }
0xc2: {  	[dreg:$0x0] =	wrdreg $0x60  }
0xc3: {  	[dreg:$0x2] =	wrdreg s24  }
0xc4: {  	[dreg:$0x3] =	wrdreg s17  }
0xc5: {  	[dreg:$0x4] =	wrdreg $0x9  }
0xc6: {  	_ =	task.clear_ibuf [dreg:s22], $0x5FFFF;
	_ =	strace $0x90000049  }
0xc7: {  	s29 =	simm.s32 $0x9;
	_ =	strace $0x8000004B  }
0xc8: {  	_ =	swait.ge [sflag:s29], $0x1  }
0xc9: {  	[sflag:s29] =	ssyncadd.s32 $0xFFFFFFFF  }
0xca: {  	_ =	strace $0x9000004B  }
0xcb: {  	_ =	sfence  }
0xcc: {  	s30 =	sld [smem:$0x0];
	_ =	sdelay $0x2  }
0xcd: {  	s31 =	sshll.u32 s1, $0xD;
	s1 =	sshrl.u32 s1, $0x2  }
0xce: {  	s4 =	sand.u32 $0x4000, s31;
	s1 =	sadd.s32 s1, s30  }
0xcf: {  	s0 =	sor.u32 s4, s0;
	s1 =	sshll.u32 s1, $0x11  }
0xd0: {  	s0 =	sor.u32 s1, s0  }
0xd1: {  	s0 =	sadd.s32 $0x8F2B, s0  }
0xd2: {  	[sflag:s0] =	ssyncadd.remote.s32 $0x1  }
0xd3: {  	_ =	sfence.sel $0xFFFF  }
0xd4: {  	[dreg:$0x0] =	wrdreg $0xFFFFFFFF;
	(pc) =	sbr.abs _section_cstart, $3  }
0xd5: {  	[dreg:$0x1] =	wrdreg $0xFFFFFFFF  }
0xd6: {  	_ =	task.clear_ibuf [dreg:s22], $0x2FFFF;
	_ =	strace $0x9FFFFFFF  }
0xd7: {  	(tm) =	ssettm $0x7FFFFFFF  }
tec
execute0_lowered:
.L_overlay_start_1:
0x0: {  	(tag) =	ssettag $0x1  }
0x1: {  	s0 =	rddreg [dreg:$0x0]  }
0x2: {  	s1 =	rddreg [dreg:$0x1]  }
0x3: {  	s3 =	srdreg.scid;
	s7 =	stileid.u32  }
0x4: {  	s2 =	simm.s32 $0x0;
	s13 =	simm.s32 $0x2900;
	s14 =	simm.s32 $0x3100  }
0x5: {  	s15 =	simm.s32 $0x3900;
	s16 =	simm.s32 $0x4100;
	s17 =	simm.s32 $0x4900  }
0x6: {  	s18 =	simm.s32 $0x5100;
	s19 =	simm.s32 $0x5900;
	s20 =	simm.s32 $0x6100  }
0x7: {  	s21 =	simm.s32 $0x6900;
	s22 =	simm.s32 $0x7100;
	s28 =	simm.s32 $0x9900  }
0x8: {  	s29 =	simm.s32 $0xA100;
	s30 =	simm.s32 $0xA900;
	s5 =	smul.u32 $0x2710, s7  }
0x9: {  	s31 =	simm.s32 $0xB100;
	s4 =	sand.u32 $0x1, s3;
	s23 =	smul.u32 $0x4E200, s7  }
0xa: {  	[smem:$0x7FF] =	sst s2;
	s3 =	sadd.s32 $0x47A00, s0;
	s6 =	smul.u32 $0x1388, s4  }
0xb: {  	s7 =	simm.s32 $0x2;
	_ =	strace $0x8000004A;
	s24 =	ssub.s32 $0x2, s4  }
0xc: {  	s4 =	smul.u32 $0x27100, s4;
	s8 =	sshrl.u32 s24, $0x1;
	s5 =	sadd.s32 s6, s5  }
0xd: {  	s25 =	ssub.s32 s24, s8;
	s8 =	simm.s32 $0x100;
	s24 =	simm.s32 $0x8100  }
0xe: {  	s5 =	sshrl.u32 s5, $0x3;
	s6 =	smax.u32 s25, $0x1;
	s25 =	simm.s32 $0x8900  }
0xf: {  	s9 =	sadd.s32 s5, s0;
	s0 =	sadd.s32 s23, s0;
	[dreg:$0x5] =	wrdreg s6  }
0x10: {  	s1 =	sadd.s32 s5, s1;
	s23 =	simm.s32 $0x7900;
	s6 =	simm.s32 $0x0  }
0x11: {  	s0 =	sadd.s32 s4, s0;
	[dreg:$0x3] =	wrdreg s1;
	s26 =	sadd.s32 $0xA59C00, s9  }
0x12: {  	v2 =	vlaneseq.u32;
	s1 =	simm.s32 $0xC100;
	s4 =	sadd.s32 $0xA5EC00, s0;
	[dreg:$0x4] =	wrdreg s26  }
0x13: {  	vm0 =	vmmov $0xffff;
	v1 =	vshrl.u32 v2, $0x3;
	s0 =	sadd.s32 $0xF40C00, s0;
	s26 =	simm.s32 $0x9100;
	[dreg:$0x6] =	wrdreg s4  }
0x14: {  	v0 =	vand.u32 $0x7, v2;
	v2 =	vor.u32 $0x8, v2;
	v1 =	vmul.u32 $0x8, v1;
	[dreg:$0x7] =	wrdreg s0;
	s0 =	simm.s32 $0xB900;
	s4 =	simm.s32 $0x1  }
.LBB2_1:
0x15: {  	[dreg:$0x8] =	wrdreg s6  }
0x16: {  	s6 =	rddreg [dreg:$0x7]  }
0x17: {  	s5 =	rddreg [dreg:$0x6];
	s9 =	simm.s32 $0x0  }
.LBB2_2:
0x18: {  	s10 =	rddreg [dreg:$0x4]  }
0x19: {  	s10 =	sadd.s32 s9, s10  }
0x1a: {  	[tilespmem:s2], [sflag:$0x2] =	stream.linear.gather [hbm4b:s10+s2], $0xC8, $0x38;
	[tilespmem:$0xC900] =	vst v63  }
0x1b: {  	_ =	swait.ge [sflag:s7], $0xC8  }
0x1c: {  	[sflag:s7] =	ssyncset.done $0x0  }
0x1d: {  	[sflag:s7] =	ssyncadd.s32 $0xFFFFFF38  }
0x1e: {  	v3 =	vld [tilespmem:$0x0];
	_ =	sdelay $0x4  }
0x1f: {  	v4 =	vshll.u32 v3, $0x1  }
0x20: {  	v3 =	vand.u32 $0x7, v3;
	v4 =	vand.u32 $0xFFFFFFF0, v4  }
0x21: {  	v3 =	vor.u32 v3, v4  }
0x22: {  	v4 =	vperm.xlane v3, v0;
	_ =	sdelay $0x1  }
0x23: {  	v3 =	vperm.xlane v3, v2;
	v4 =	vadd.s32 v1, v4;
	_ =	sdelay $0x1  }
0x24: {  	v3 =	vadd.s32 v1, v3;
	_ =	sdelay $0x2  }
0x25: {  	[tilespmem:s8], [sflag:$0x1] =	stream.indirect_vreg.gather [hbm4b:s3+s2], $0x80, v4, vm0, $0xb8;
	[tilespmem:$0xC900] =	vst v63  }
0x26: {  	s11 =	simm.s32 $0x900  }
0x27: {  	[tilespmem:s11], [sflag:$0x1] =	stream.indirect_vreg.gather [hbm4b:s3+s2], $0x80, v3, vm0, $0xb8;
	[tilespmem:$0xC900] =	vst v63  }
0x28: {  	v3 =	vld [tilespmem:$0x10];
	_ =	sdelay $0x4  }
0x29: {  	v39 =	vshll.u32 v3, $0x1  }
0x2a: {  	v3 =	vand.u32 $0x7, v3;
	v4 =	vand.u32 $0xFFFFFFF0, v39  }
0x2b: {  	v3 =	vor.u32 v3, v4  }
0x2c: {  	v4 =	vperm.xlane v3, v0;
	_ =	sdelay $0x1  }
0x2d: {  	v3 =	vperm.xlane v3, v2;
	v4 =	vadd.s32 v1, v4;
	_ =	sdelay $0x1  }
0x2e: {  	v3 =	vadd.s32 v1, v3;
	_ =	sdelay $0x1  }
0x2f: {  	s11 =	simm.s32 $0x1100  }
0x30: {  	[tilespmem:s11], [sflag:$0x1] =	stream.indirect_vreg.gather [hbm4b:s3+s2], $0x80, v4, vm0, $0xb8;
	[tilespmem:$0xC900] =	vst v63  }
0x31: {  	s12 =	simm.s32 $0x1900  }
0x32: {  	[tilespmem:s12], [sflag:$0x1] =	stream.indirect_vreg.gather [hbm4b:s3+s2], $0x80, v3, vm0, $0xb8;
	[tilespmem:$0xC900] =	vst v63  }
0x33: {  	v3 =	vld [tilespmem:$0x20];
	_ =	sdelay $0x4  }
0x34: {  	v40 =	vshll.u32 v3, $0x1  }
0x35: {  	v3 =	vand.u32 $0x7, v3;
	v4 =	vand.u32 $0xFFFFFFF0, v40  }
0x36: {  	v3 =	vor.u32 v3, v4  }
0x37: {  	v4 =	vperm.xlane v3, v0;
	_ =	sdelay $0x1  }
0x38: {  	v3 =	vperm.xlane v3, v2;
	v4 =	vadd.s32 v1, v4;
	_ =	sdelay $0x1  }
0x39: {  	v3 =	vadd.s32 v1, v3;
	_ =	sdelay $0x1  }
0x3a: {  	s12 =	simm.s32 $0x2100  }
0x3b: {  	[tilespmem:s12], [sflag:$0x1] =	stream.indirect_vreg.gather [hbm4b:s3+s2], $0x80, v4, vm0, $0xb8;
	[tilespmem:$0xC900] =	vst v63  }
0x3c: {  	_ = 	snop  }
0x3d: {  	[tilespmem:s13], [sflag:$0x1] =	stream.indirect_vreg.gather [hbm4b:s3+s2], $0x80, v3, vm0, $0xb8;
	[tilespmem:$0xC900] =	vst v63  }
0x3e: {  	v3 =	vld [tilespmem:$0x30];
	_ =	sdelay $0x4  }
0x3f: {  	v41 =	vshll.u32 v3, $0x1  }
0x40: {  	v3 =	vand.u32 $0x7, v3;
	v4 =	vand.u32 $0xFFFFFFF0, v41  }
0x41: {  	v3 =	vor.u32 v3, v4  }
0x42: {  	v4 =	vperm.xlane v3, v0;
	_ =	sdelay $0x1  }
0x43: {  	v3 =	vperm.xlane v3, v2;
	v4 =	vadd.s32 v1, v4;
	_ =	sdelay $0x1  }
0x44: {  	v3 =	vadd.s32 v1, v3;
	_ =	sdelay $0x2  }
0x45: {  	[tilespmem:s14], [sflag:$0x1] =	stream.indirect_vreg.gather [hbm4b:s3+s2], $0x80, v4, vm0, $0xb8;
	[tilespmem:$0xC900] =	vst v63  }
0x46: {  	_ = 	snop  }
0x47: {  	[tilespmem:s15], [sflag:$0x1] =	stream.indirect_vreg.gather [hbm4b:s3+s2], $0x80, v3, vm0, $0xb8;
	[tilespmem:$0xC900] =	vst v63  }
0x48: {  	v3 =	vld [tilespmem:$0x40];
	_ =	sdelay $0x4  }
0x49: {  	v42 =	vshll.u32 v3, $0x1  }
0x4a: {  	v3 =	vand.u32 $0x7, v3;
	v4 =	vand.u32 $0xFFFFFFF0, v42  }
0x4b: {  	v3 =	vor.u32 v3, v4  }
0x4c: {  	v4 =	vperm.xlane v3, v0;
	_ =	sdelay $0x1  }
0x4d: {  	v3 =	vperm.xlane v3, v2;
	v4 =	vadd.s32 v1, v4;
	_ =	sdelay $0x1  }
0x4e: {  	v3 =	vadd.s32 v1, v3;
	_ =	sdelay $0x2  }
0x4f: {  	[tilespmem:s16], [sflag:$0x1] =	stream.indirect_vreg.gather [hbm4b:s3+s2], $0x80, v4, vm0, $0xb8;
	[tilespmem:$0xC900] =	vst v63  }
0x50: {  	_ = 	snop  }
0x51: {  	[tilespmem:s17], [sflag:$0x1] =	stream.indirect_vreg.gather [hbm4b:s3+s2], $0x80, v3, vm0, $0xb8;
	[tilespmem:$0xC900] =	vst v63  }
0x52: {  	v3 =	vld [tilespmem:$0x50];
	_ =	sdelay $0x4  }
0x53: {  	v43 =	vshll.u32 v3, $0x1  }
0x54: {  	v3 =	vand.u32 $0x7, v3;
	v4 =	vand.u32 $0xFFFFFFF0, v43  }
0x55: {  	v3 =	vor.u32 v3, v4  }
0x56: {  	v4 =	vperm.xlane v3, v0;
	_ =	sdelay $0x1  }
0x57: {  	v3 =	vperm.xlane v3, v2;
	v4 =	vadd.s32 v1, v4;
	_ =	sdelay $0x1  }
0x58: {  	v3 =	vadd.s32 v1, v3;
	_ =	sdelay $0x2  }
0x59: {  	[tilespmem:s18], [sflag:$0x1] =	stream.indirect_vreg.gather [hbm4b:s3+s2], $0x80, v4, vm0, $0xb8;
	[tilespmem:$0xC900] =	vst v63  }
0x5a: {  	_ = 	snop  }
0x5b: {  	[tilespmem:s19], [sflag:$0x1] =	stream.indirect_vreg.gather [hbm4b:s3+s2], $0x80, v3, vm0, $0xb8;
	[tilespmem:$0xC900] =	vst v63  }
0x5c: {  	v3 =	vld [tilespmem:$0x60];
	_ =	sdelay $0x4  }
0x5d: {  	v44 =	vshll.u32 v3, $0x1  }
0x5e: {  	v3 =	vand.u32 $0x7, v3;
	v4 =	vand.u32 $0xFFFFFFF0, v44  }
0x5f: {  	v3 =	vor.u32 v3, v4  }
0x60: {  	v4 =	vperm.xlane v3, v0;
	_ =	sdelay $0x1  }
0x61: {  	v3 =	vperm.xlane v3, v2;
	v4 =	vadd.s32 v1, v4;
	_ =	sdelay $0x1  }
0x62: {  	v3 =	vadd.s32 v1, v3;
	_ =	sdelay $0x2  }
0x63: {  	[tilespmem:s20], [sflag:$0x1] =	stream.indirect_vreg.gather [hbm4b:s3+s2], $0x80, v4, vm0, $0xb8;
	[tilespmem:$0xC900] =	vst v63  }
0x64: {  	_ = 	snop  }
0x65: {  	[tilespmem:s21], [sflag:$0x1] =	stream.indirect_vreg.gather [hbm4b:s3+s2], $0x80, v3, vm0, $0xb8;
	[tilespmem:$0xC900] =	vst v63  }
0x66: {  	v3 =	vld [tilespmem:$0x70];
	_ =	sdelay $0x4  }
0x67: {  	v45 =	vshll.u32 v3, $0x1  }
0x68: {  	v3 =	vand.u32 $0x7, v3;
	v4 =	vand.u32 $0xFFFFFFF0, v45  }
0x69: {  	v3 =	vor.u32 v3, v4  }
0x6a: {  	v4 =	vperm.xlane v3, v0;
	_ =	sdelay $0x1  }
0x6b: {  	v3 =	vperm.xlane v3, v2;
	v4 =	vadd.s32 v1, v4;
	_ =	sdelay $0x1  }
0x6c: {  	v3 =	vadd.s32 v1, v3;
	_ =	sdelay $0x2  }
0x6d: {  	[tilespmem:s22], [sflag:$0x1] =	stream.indirect_vreg.gather [hbm4b:s3+s2], $0x80, v4, vm0, $0xb8;
	[tilespmem:$0xC900] =	vst v63  }
0x6e: {  	_ = 	snop  }
0x6f: {  	[tilespmem:s23], [sflag:$0x1] =	stream.indirect_vreg.gather [hbm4b:s3+s2], $0x80, v3, vm0, $0xb8;
	[tilespmem:$0xC900] =	vst v63  }
0x70: {  	v3 =	vld [tilespmem:$0x80];
	_ =	sdelay $0x4  }
0x71: {  	v46 =	vshll.u32 v3, $0x1  }
0x72: {  	v3 =	vand.u32 $0x7, v3;
	v4 =	vand.u32 $0xFFFFFFF0, v46  }
0x73: {  	v3 =	vor.u32 v3, v4  }
0x74: {  	v4 =	vperm.xlane v3, v0;
	_ =	sdelay $0x1  }
0x75: {  	v3 =	vperm.xlane v3, v2;
	v4 =	vadd.s32 v1, v4;
	_ =	sdelay $0x1  }
0x76: {  	v3 =	vadd.s32 v1, v3;
	_ =	sdelay $0x2  }
0x77: {  	[tilespmem:s24], [sflag:$0x1] =	stream.indirect_vreg.gather [hbm4b:s3+s2], $0x80, v4, vm0, $0xb8;
	[tilespmem:$0xC900] =	vst v63  }
0x78: {  	_ = 	snop  }
0x79: {  	[tilespmem:s25], [sflag:$0x1] =	stream.indirect_vreg.gather [hbm4b:s3+s2], $0x80, v3, vm0, $0xb8;
	[tilespmem:$0xC900] =	vst v63  }
0x7a: {  	v3 =	vld [tilespmem:$0x90];
	_ =	sdelay $0x4  }
0x7b: {  	v47 =	vshll.u32 v3, $0x1  }
0x7c: {  	v3 =	vand.u32 $0x7, v3;
	v4 =	vand.u32 $0xFFFFFFF0, v47  }
0x7d: {  	v3 =	vor.u32 v3, v4  }
0x7e: {  	v4 =	vperm.xlane v3, v0;
	_ =	sdelay $0x1  }
0x7f: {  	v3 =	vperm.xlane v3, v2;
	v4 =	vadd.s32 v1, v4;
	_ =	sdelay $0x1  }
0x80: {  	v3 =	vadd.s32 v1, v3;
	_ =	sdelay $0x2  }
0x81: {  	[tilespmem:s26], [sflag:$0x1] =	stream.indirect_vreg.gather [hbm4b:s3+s2], $0x80, v4, vm0, $0xb8;
	[tilespmem:$0xC900] =	vst v63  }
0x82: {  	_ = 	snop  }
0x83: {  	[tilespmem:s28], [sflag:$0x1] =	stream.indirect_vreg.gather [hbm4b:s3+s2], $0x80, v3, vm0, $0xb8;
	[tilespmem:$0xC900] =	vst v63  }
0x84: {  	v3 =	vld [tilespmem:$0xA0];
	_ =	sdelay $0x4  }
0x85: {  	v48 =	vshll.u32 v3, $0x1  }
0x86: {  	v3 =	vand.u32 $0x7, v3;
	v4 =	vand.u32 $0xFFFFFFF0, v48  }
0x87: {  	v3 =	vor.u32 v3, v4  }
0x88: {  	v4 =	vperm.xlane v3, v0;
	_ =	sdelay $0x1  }
0x89: {  	v3 =	vperm.xlane v3, v2;
	v4 =	vadd.s32 v1, v4;
	_ =	sdelay $0x1  }
0x8a: {  	v3 =	vadd.s32 v1, v3;
	_ =	sdelay $0x2  }
0x8b: {  	[tilespmem:s29], [sflag:$0x1] =	stream.indirect_vreg.gather [hbm4b:s3+s2], $0x80, v4, vm0, $0xb8;
	[tilespmem:$0xC900] =	vst v63  }
0x8c: {  	_ = 	snop  }
0x8d: {  	[tilespmem:s30], [sflag:$0x1] =	stream.indirect_vreg.gather [hbm4b:s3+s2], $0x80, v3, vm0, $0xb8;
	[tilespmem:$0xC900] =	vst v63  }
0x8e: {  	v3 =	vld [tilespmem:$0xB0];
	_ =	sdelay $0x4  }
0x8f: {  	v49 =	vshll.u32 v3, $0x1  }
0x90: {  	v3 =	vand.u32 $0x7, v3;
	v4 =	vand.u32 $0xFFFFFFF0, v49  }
0x91: {  	v3 =	vor.u32 v3, v4  }
0x92: {  	v4 =	vperm.xlane v3, v0;
	_ =	sdelay $0x1  }
0x93: {  	v3 =	vperm.xlane v3, v2;
	v4 =	vadd.s32 v1, v4;
	_ =	sdelay $0x1  }
0x94: {  	v3 =	vadd.s32 v1, v3;
	_ =	sdelay $0x2  }
0x95: {  	[tilespmem:s31], [sflag:$0x1] =	stream.indirect_vreg.gather [hbm4b:s3+s2], $0x80, v4, vm0, $0xb8;
	[tilespmem:$0xC900] =	vst v63  }
0x96: {  	_ = 	snop  }
0x97: {  	[tilespmem:s0], [sflag:$0x1] =	stream.indirect_vreg.gather [hbm4b:s3+s2], $0x80, v3, vm0, $0xb8;
	[tilespmem:$0xC900] =	vst v63  }
0x98: {  	v3 =	vld.msk [tilespmem:$0xC0], $0xff;
	_ =	sdelay $0x4  }
0x99: {  	v50 =	vshll.u32 v3, $0x1  }
0x9a: {  	v3 =	vand.u32 $0x7, v3;
	v4 =	vand.u32 $0xFFFFFFF0, v50  }
0x9b: {  	v3 =	vor.u32 v3, v4  }
0x9c: {  	v3 =	vperm.xlane v3, v0;
	_ =	sdelay $0x1  }
0x9d: {  	v3 =	vadd.s32 v1, v3;
	_ =	sdelay $0x4  }
0x9e: {  	[tilespmem:s1], [sflag:$0x1] =	stream.indirect_vreg.gather [hbm4b:s3+s2], $0x80, v3, vm0, $0xb8;
	[tilespmem:$0xC900] =	vst v63  }
0x9f: {  	_ =	swait.ge [sflag:s4], $0xC800  }
0xa0: {  	[sflag:s4] =	ssyncset.done $0x0  }
0xa1: {  	[sflag:s4] =	ssyncadd.s32 $0xFFFF3800  }
0xa2: {  	[hbm4b:s5+s2] =	stream.linear.scatter [tilespmem:s8], [sflag:$0x2], $0xC800, $0x38;
	[tilespmem:$0xC900] =	vst v63  }
0xa3: {  	_ =	swait.ge [sflag:s7], $0xC800  }
0xa4: {  	s10 =	rddreg [dreg:$0x3];
	[sflag:s7] =	ssyncset.done $0x0  }
0xa5: {  	[sflag:s7] =	ssyncadd.s32 $0xFFFF3800;
	s10 =	sadd.s32 s9, s10  }
0xa6: {  	[tilespmem:s2], [sflag:$0x2] =	stream.linear.gather [hbm4b:s10+s2], $0xC8, $0x38;
	[tilespmem:$0xC900] =	vst v63  }
0xa7: {  	_ =	swait.ge [sflag:s7], $0xC8  }
0xa8: {  	[sflag:s7] =	ssyncset.done $0x0  }
0xa9: {  	[sflag:s7] =	ssyncadd.s32 $0xFFFFFF38  }
0xaa: {  	v3 =	vld [tilespmem:$0x0];
	_ =	sdelay $0x4  }
0xab: {  	v51 =	vshll.u32 v3, $0x1  }
0xac: {  	v3 =	vand.u32 $0x7, v3;
	v4 =	vand.u32 $0xFFFFFFF0, v51  }
0xad: {  	v3 =	vor.u32 v3, v4  }
0xae: {  	v4 =	vperm.xlane v3, v0;
	_ =	sdelay $0x1  }
0xaf: {  	v3 =	vperm.xlane v3, v2;
	v4 =	vadd.s32 v1, v4;
	_ =	sdelay $0x1  }
0xb0: {  	v3 =	vadd.s32 v1, v3;
	_ =	sdelay $0x2  }
0xb1: {  	[tilespmem:s8], [sflag:$0x1] =	stream.indirect_vreg.gather [hbm4b:s3+s2], $0x80, v4, vm0, $0xb8;
	[tilespmem:$0xC900] =	vst v63  }
0xb2: {  	s10 =	simm.s32 $0x900  }
0xb3: {  	[tilespmem:s10], [sflag:$0x1] =	stream.indirect_vreg.gather [hbm4b:s3+s2], $0x80, v3, vm0, $0xb8;
	[tilespmem:$0xC900] =	vst v63  }
0xb4: {  	v3 =	vld [tilespmem:$0x10];
	_ =	sdelay $0x4  }
0xb5: {  	v52 =	vshll.u32 v3, $0x1  }
0xb6: {  	v3 =	vand.u32 $0x7, v3;
	v4 =	vand.u32 $0xFFFFFFF0, v52  }
0xb7: {  	v3 =	vor.u32 v3, v4  }
0xb8: {  	v4 =	vperm.xlane v3, v0;
	_ =	sdelay $0x1  }
0xb9: {  	v3 =	vperm.xlane v3, v2;
	v4 =	vadd.s32 v1, v4;
	_ =	sdelay $0x1  }
0xba: {  	v3 =	vadd.s32 v1, v3;
	_ =	sdelay $0x2  }
0xbb: {  	[tilespmem:s11], [sflag:$0x1] =	stream.indirect_vreg.gather [hbm4b:s3+s2], $0x80, v4, vm0, $0xb8;
	[tilespmem:$0xC900] =	vst v63  }
0xbc: {  	s10 =	simm.s32 $0x1900  }
0xbd: {  	[tilespmem:s10], [sflag:$0x1] =	stream.indirect_vreg.gather [hbm4b:s3+s2], $0x80, v3, vm0, $0xb8;
	[tilespmem:$0xC900] =	vst v63  }
0xbe: {  	v3 =	vld [tilespmem:$0x20];
	_ =	sdelay $0x4  }
0xbf: {  	v53 =	vshll.u32 v3, $0x1  }
0xc0: {  	v3 =	vand.u32 $0x7, v3;
	v4 =	vand.u32 $0xFFFFFFF0, v53  }
0xc1: {  	v3 =	vor.u32 v3, v4  }
0xc2: {  	v4 =	vperm.xlane v3, v0;
	_ =	sdelay $0x1  }
0xc3: {  	v3 =	vperm.xlane v3, v2;
	v4 =	vadd.s32 v1, v4;
	_ =	sdelay $0x1  }
0xc4: {  	v3 =	vadd.s32 v1, v3;
	_ =	sdelay $0x2  }
0xc5: {  	[tilespmem:s12], [sflag:$0x1] =	stream.indirect_vreg.gather [hbm4b:s3+s2], $0x80, v4, vm0, $0xb8;
	[tilespmem:$0xC900] =	vst v63  }
0xc6: {  	_ = 	snop  }
0xc7: {  	[tilespmem:s13], [sflag:$0x1] =	stream.indirect_vreg.gather [hbm4b:s3+s2], $0x80, v3, vm0, $0xb8;
	[tilespmem:$0xC900] =	vst v63  }
0xc8: {  	v3 =	vld [tilespmem:$0x30];
	_ =	sdelay $0x4  }
0xc9: {  	v54 =	vshll.u32 v3, $0x1  }
0xca: {  	v3 =	vand.u32 $0x7, v3;
	v4 =	vand.u32 $0xFFFFFFF0, v54  }
0xcb: {  	v3 =	vor.u32 v3, v4  }
0xcc: {  	v4 =	vperm.xlane v3, v0;
	_ =	sdelay $0x1  }
0xcd: {  	v3 =	vperm.xlane v3, v2;
	v4 =	vadd.s32 v1, v4;
	_ =	sdelay $0x1  }
0xce: {  	v3 =	vadd.s32 v1, v3;
	_ =	sdelay $0x2  }
0xcf: {  	[tilespmem:s14], [sflag:$0x1] =	stream.indirect_vreg.gather [hbm4b:s3+s2], $0x80, v4, vm0, $0xb8;
	[tilespmem:$0xC900] =	vst v63  }
0xd0: {  	_ = 	snop  }
0xd1: {  	[tilespmem:s15], [sflag:$0x1] =	stream.indirect_vreg.gather [hbm4b:s3+s2], $0x80, v3, vm0, $0xb8;
	[tilespmem:$0xC900] =	vst v63  }
0xd2: {  	v3 =	vld [tilespmem:$0x40];
	_ =	sdelay $0x4  }
0xd3: {  	v55 =	vshll.u32 v3, $0x1  }
0xd4: {  	v3 =	vand.u32 $0x7, v3;
	v4 =	vand.u32 $0xFFFFFFF0, v55  }
0xd5: {  	v3 =	vor.u32 v3, v4  }
0xd6: {  	v4 =	vperm.xlane v3, v0;
	_ =	sdelay $0x1  }
0xd7: {  	v3 =	vperm.xlane v3, v2;
	v4 =	vadd.s32 v1, v4;
	_ =	sdelay $0x1  }
0xd8: {  	v3 =	vadd.s32 v1, v3;
	_ =	sdelay $0x2  }
0xd9: {  	[tilespmem:s16], [sflag:$0x1] =	stream.indirect_vreg.gather [hbm4b:s3+s2], $0x80, v4, vm0, $0xb8;
	[tilespmem:$0xC900] =	vst v63  }
0xda: {  	_ = 	snop  }
0xdb: {  	[tilespmem:s17], [sflag:$0x1] =	stream.indirect_vreg.gather [hbm4b:s3+s2], $0x80, v3, vm0, $0xb8;
	[tilespmem:$0xC900] =	vst v63  }
0xdc: {  	v3 =	vld [tilespmem:$0x50];
	_ =	sdelay $0x4  }
0xdd: {  	v56 =	vshll.u32 v3, $0x1  }
0xde: {  	v3 =	vand.u32 $0x7, v3;
	v4 =	vand.u32 $0xFFFFFFF0, v56  }
0xdf: {  	v3 =	vor.u32 v3, v4  }
0xe0: {  	v4 =	vperm.xlane v3, v0;
	_ =	sdelay $0x1  }
0xe1: {  	v3 =	vperm.xlane v3, v2;
	v4 =	vadd.s32 v1, v4;
	_ =	sdelay $0x1  }
0xe2: {  	v3 =	vadd.s32 v1, v3;
	_ =	sdelay $0x2  }
0xe3: {  	[tilespmem:s18], [sflag:$0x1] =	stream.indirect_vreg.gather [hbm4b:s3+s2], $0x80, v4, vm0, $0xb8;
	[tilespmem:$0xC900] =	vst v63  }
0xe4: {  	_ = 	snop  }
0xe5: {  	[tilespmem:s19], [sflag:$0x1] =	stream.indirect_vreg.gather [hbm4b:s3+s2], $0x80, v3, vm0, $0xb8;
	[tilespmem:$0xC900] =	vst v63  }
0xe6: {  	v3 =	vld [tilespmem:$0x60];
	_ =	sdelay $0x4  }
0xe7: {  	v57 =	vshll.u32 v3, $0x1  }
0xe8: {  	v3 =	vand.u32 $0x7, v3;
	v4 =	vand.u32 $0xFFFFFFF0, v57  }
0xe9: {  	v3 =	vor.u32 v3, v4  }
0xea: {  	v4 =	vperm.xlane v3, v0;
	_ =	sdelay $0x1  }
0xeb: {  	v3 =	vperm.xlane v3, v2;
	v4 =	vadd.s32 v1, v4;
	_ =	sdelay $0x1  }
0xec: {  	v3 =	vadd.s32 v1, v3;
	_ =	sdelay $0x2  }
0xed: {  	[tilespmem:s20], [sflag:$0x1] =	stream.indirect_vreg.gather [hbm4b:s3+s2], $0x80, v4, vm0, $0xb8;
	[tilespmem:$0xC900] =	vst v63  }
0xee: {  	_ = 	snop  }
0xef: {  	[tilespmem:s21], [sflag:$0x1] =	stream.indirect_vreg.gather [hbm4b:s3+s2], $0x80, v3, vm0, $0xb8;
	[tilespmem:$0xC900] =	vst v63  }
0xf0: {  	v3 =	vld [tilespmem:$0x70];
	_ =	sdelay $0x4  }
0xf1: {  	v58 =	vshll.u32 v3, $0x1  }
0xf2: {  	v3 =	vand.u32 $0x7, v3;
	v4 =	vand.u32 $0xFFFFFFF0, v58  }
0xf3: {  	v3 =	vor.u32 v3, v4  }
0xf4: {  	v4 =	vperm.xlane v3, v0;
	_ =	sdelay $0x1  }
0xf5: {  	v3 =	vperm.xlane v3, v2;
	v4 =	vadd.s32 v1, v4;
	_ =	sdelay $0x1  }
0xf6: {  	v3 =	vadd.s32 v1, v3;
	_ =	sdelay $0x2  }
0xf7: {  	[tilespmem:s22], [sflag:$0x1] =	stream.indirect_vreg.gather [hbm4b:s3+s2], $0x80, v4, vm0, $0xb8;
	[tilespmem:$0xC900] =	vst v63  }
0xf8: {  	_ = 	snop  }
0xf9: {  	[tilespmem:s23], [sflag:$0x1] =	stream.indirect_vreg.gather [hbm4b:s3+s2], $0x80, v3, vm0, $0xb8;
	[tilespmem:$0xC900] =	vst v63  }
0xfa: {  	v3 =	vld [tilespmem:$0x80];
	_ =	sdelay $0x4  }
0xfb: {  	v59 =	vshll.u32 v3, $0x1  }
0xfc: {  	v3 =	vand.u32 $0x7, v3;
	v4 =	vand.u32 $0xFFFFFFF0, v59  }
0xfd: {  	v3 =	vor.u32 v3, v4  }
0xfe: {  	v4 =	vperm.xlane v3, v0;
	_ =	sdelay $0x1  }
0xff: {  	v3 =	vperm.xlane v3, v2;
	v4 =	vadd.s32 v1, v4;
	_ =	sdelay $0x1  }
0x100: {  	v3 =	vadd.s32 v1, v3;
	_ =	sdelay $0x2  }
0x101: {  	[tilespmem:s24], [sflag:$0x1] =	stream.indirect_vreg.gather [hbm4b:s3+s2], $0x80, v4, vm0, $0xb8;
	[tilespmem:$0xC900] =	vst v63  }
0x102: {  	_ = 	snop  }
0x103: {  	[tilespmem:s25], [sflag:$0x1] =	stream.indirect_vreg.gather [hbm4b:s3+s2], $0x80, v3, vm0, $0xb8;
	[tilespmem:$0xC900] =	vst v63  }
0x104: {  	v3 =	vld [tilespmem:$0x90];
	_ =	sdelay $0x4  }
0x105: {  	v60 =	vshll.u32 v3, $0x1  }
0x106: {  	v3 =	vand.u32 $0x7, v3;
	v4 =	vand.u32 $0xFFFFFFF0, v60  }
0x107: {  	v3 =	vor.u32 v3, v4  }
0x108: {  	v4 =	vperm.xlane v3, v0;
	_ =	sdelay $0x1  }
0x109: {  	v3 =	vperm.xlane v3, v2;
	v4 =	vadd.s32 v1, v4;
	_ =	sdelay $0x1  }
0x10a: {  	v3 =	vadd.s32 v1, v3;
	_ =	sdelay $0x2  }
0x10b: {  	[tilespmem:s26], [sflag:$0x1] =	stream.indirect_vreg.gather [hbm4b:s3+s2], $0x80, v4, vm0, $0xb8;
	[tilespmem:$0xC900] =	vst v63  }
0x10c: {  	_ = 	snop  }
0x10d: {  	[tilespmem:s28], [sflag:$0x1] =	stream.indirect_vreg.gather [hbm4b:s3+s2], $0x80, v3, vm0, $0xb8;
	[tilespmem:$0xC900] =	vst v63  }
0x10e: {  	v3 =	vld [tilespmem:$0xA0];
	_ =	sdelay $0x4  }
0x10f: {  	v61 =	vshll.u32 v3, $0x1  }
0x110: {  	v3 =	vand.u32 $0x7, v3;
	v4 =	vand.u32 $0xFFFFFFF0, v61  }
0x111: {  	v3 =	vor.u32 v3, v4  }
0x112: {  	v4 =	vperm.xlane v3, v0;
	_ =	sdelay $0x1  }
0x113: {  	v3 =	vperm.xlane v3, v2;
	v4 =	vadd.s32 v1, v4;
	_ =	sdelay $0x1  }
0x114: {  	v3 =	vadd.s32 v1, v3;
	_ =	sdelay $0x2  }
0x115: {  	[tilespmem:s29], [sflag:$0x1] =	stream.indirect_vreg.gather [hbm4b:s3+s2], $0x80, v4, vm0, $0xb8;
	[tilespmem:$0xC900] =	vst v63  }
0x116: {  	_ = 	snop  }
0x117: {  	[tilespmem:s30], [sflag:$0x1] =	stream.indirect_vreg.gather [hbm4b:s3+s2], $0x80, v3, vm0, $0xb8;
	[tilespmem:$0xC900] =	vst v63  }
0x118: {  	v3 =	vld [tilespmem:$0xB0];
	_ =	sdelay $0x4  }
0x119: {  	v62 =	vshll.u32 v3, $0x1  }
0x11a: {  	v3 =	vand.u32 $0x7, v3;
	v4 =	vand.u32 $0xFFFFFFF0, v62  }
0x11b: {  	v3 =	vor.u32 v3, v4  }
0x11c: {  	v4 =	vperm.xlane v3, v0;
	_ =	sdelay $0x1  }
0x11d: {  	v3 =	vperm.xlane v3, v2;
	v4 =	vadd.s32 v1, v4;
	_ =	sdelay $0x1  }
0x11e: {  	v3 =	vadd.s32 v1, v3;
	_ =	sdelay $0x2  }
0x11f: {  	[tilespmem:s31], [sflag:$0x1] =	stream.indirect_vreg.gather [hbm4b:s3+s2], $0x80, v4, vm0, $0xb8;
	[tilespmem:$0xC900] =	vst v63  }
0x120: {  	_ = 	snop  }
0x121: {  	[tilespmem:s0], [sflag:$0x1] =	stream.indirect_vreg.gather [hbm4b:s3+s2], $0x80, v3, vm0, $0xb8;
	[tilespmem:$0xC900] =	vst v63  }
0x122: {  	v3 =	vld.msk [tilespmem:$0xC0], $0xff;
	_ =	sdelay $0x4  }
0x123: {  	v63 =	vshll.u32 v3, $0x1  }
0x124: {  	v3 =	vand.u32 $0x7, v3;
	v4 =	vand.u32 $0xFFFFFFF0, v63  }
0x125: {  	v3 =	vor.u32 v3, v4  }
0x126: {  	v3 =	vperm.xlane v3, v0;
	_ =	sdelay $0x1  }
0x127: {  	v3 =	vadd.s32 v1, v3;
	_ =	sdelay $0x4  }
0x128: {  	[tilespmem:s1], [sflag:$0x1] =	stream.indirect_vreg.gather [hbm4b:s3+s2], $0x80, v3, vm0, $0xb8;
	[tilespmem:$0xC900] =	vst v63  }
0x129: {  	_ =	swait.ge [sflag:s4], $0xC800  }
0x12a: {  	p0 =	sne.s32 s9, $0x258;
	[sflag:s4] =	ssyncset.done $0x0  }
.Ltmp0:
0x12b: {  	[sflag:s4] =	ssyncadd.s32 $0xFFFF3800;
	(pc) =	sbr.rel @p0 .LBB2_2-.Ltmp0, $4  }
0x12c: {  	[hbm4b:s6+s2] =	stream.linear.scatter [tilespmem:s8], [sflag:$0x2], $0xC800, $0x38;
	[tilespmem:$0xC900] =	vst v63  }
0x12d: {  	_ =	swait.ge [sflag:s7], $0xC800  }
0x12e: {  	s5 =	sadd.s32 $0x1900, s5;
	[sflag:s7] =	ssyncset.done $0x0  }
0x12f: {  	s9 =	sadd.s32 $0x19, s9;
	s6 =	sadd.s32 $0x1900, s6;
	[sflag:s7] =	ssyncadd.s32 $0xFFFF3800  }
0x130: {  	s6 =	rddreg [dreg:$0x8]  }
0x131: {  	s5 =	rddreg [dreg:$0x5];
	s6 =	sadd.s32 $0x1, s6  }
0x132: {  	p0 =	sne.s32 s6, s5  }
.Ltmp1:
0x133: {  	_ = 	snop;
	(pc) =	sbr.rel @p0 .LBB2_1-.Ltmp1, $1  }
0x134: {  	_ =	sdelay $0x3  }
0x135: {  	_ =	sfence.sel $0x180000  }
0x136: {  	[bflag:$0x0] =	sbarrier.arrive $0xFFFF  }
0x137: {  	_ =	strace $0x9000004A  }
0x138: {  	s0 =	stileid.u32;
	[bflag:$0x2] =	sbarrier.arrive $0xFFFF  }
0x139: {  	p0 =	sne.s32 s0, $0x0;
	s0 =	rddreg [dreg:$0x2]  }
0x13a: {  	s0 =	sadd.s32 @!p0 $0x100000, s0  }
0x13b: {  	[sflag:s0] =	ssyncadd.tile.s32 @!p0 $0x1;
	_ =	shalt  }
.Lfunc_end2:
_tile_overlayer_lowered:
.L_overlay_start_2:
0x13c: {  	(tag) =	ssettag $0x2  }
0x13d: {  	s0 =	rddreg [dreg:$0x0];
	s2 =	stileid.u32  }
0x13e: {  	s1 =	rddreg [dreg:$0x1];
	p0 =	sne.s32 s2, $0x0  }
0x13f: {  	s3 =	rddreg [dreg:$0x2];
	[bflag:$0x3] =	sbarrier.arrive $0xFFFF;
	s2 =	simm.s32 @!p0 $0x1C02  }
0x140: {  	[timem:s3], [sflag:s2] =	dma.local @!p0 [hbm:s0], s1  }
0x141: {  	s0 =	simm.s32 @!p0 $0x2  }
0x142: {  	_ =	swait.ge @!p0 [sflag:s0], s1  }
0x143: {  	s1 =	ssub.s32 @!p0 $0x0, s1;
	[sflag:s0] =	ssyncset.done @!p0 $0x0  }
0x144: {  	[sflag:s0] =	ssyncadd.s32 @!p0 s1  }
0x145: {  	[bflag:$0x3] =	sbarrier.arrive $0xFFFF  }
0x146: {  	_ =	shalt  }

</sc_bundles>
